<compile_context>
chip_gen: v7x
topology: tpu7x:2x2x1
jax: 0.10.2.dev20260603
libtpu: 0.0.44.dev20260713+nightly
codegen_flags: <defaults>
</compile_context>

<pallas_src>
import functools

import jax
import jax.numpy as jnp
from jax import lax
from jax.experimental import pallas as pl
from jax.experimental.pallas import tpu as pltpu
from jax.experimental.pallas import tpu_sc as plsc

VOCAB = 1000000
EMB = 16
BATCH = 16384
SEQ = 200
NW = 32
ROWS_W = BATCH // NW
CHUNK_ROWS = 128
N_CHUNKS = ROWS_W // CHUNK_ROWS
CHUNK_IDS = CHUNK_ROWS * SEQ
DT_BLK = 131072


def _dtable_body(embt_ref, w_ref, out_ref):
    out_ref[...] = jnp.sum(embt_ref[...] * w_ref[...], axis=0)


def _make_dtable(embt, wcol):
    import math
    grid = math.ceil(VOCAB / DT_BLK)
    return pl.pallas_call(
        _dtable_body,
        grid=(grid,),
        in_specs=[pl.BlockSpec((EMB, DT_BLK), lambda i: (0, i)),
                  pl.BlockSpec((EMB, 1), lambda i: (0, 0))],
        out_specs=pl.BlockSpec((DT_BLK,), lambda i: (i,)),
        out_shape=jax.ShapeDtypeStruct((VOCAB,), jnp.float32),
    )(embt, wcol)


def _sc_body(ids_hbm, dt_hbm, consts_hbm, out0_hbm, out1_hbm,
             idx_a, idx_b, g_a, g_b, out0_v, out1_v, consts_v,
             sem_a, sem_b, ssem_a, ssem_b):
    c = lax.axis_index("c")
    s = lax.axis_index("s")
    wid = s * 2 + c
    row_base = wid * ROWS_W

    pltpu.sync_copy(consts_hbm, consts_v)
    corr = consts_v[...]

    bufs = [(idx_a, g_a, sem_a, ssem_a), (idx_b, g_b, sem_b, ssem_b)]

    def stage(k, idx_v, ssem):
        base = row_base + k * CHUNK_ROWS

        def issue(q, carry2):
            for u in range(4):
                t = q * 4 + u
                pltpu.async_copy(
                    ids_hbm.at[t, pl.ds(base, CHUNK_ROWS)],
                    idx_v.at[pl.ds(t * CHUNK_ROWS, CHUNK_ROWS)], ssem)
            return carry2
        lax.fori_loop(0, SEQ // 4, issue, 0)

        def drain(q, carry2):
            for u in range(4):
                t = q * 4 + u
                pltpu.make_async_copy(
                    ids_hbm.at[t, pl.ds(base, CHUNK_ROWS)],
                    idx_v.at[pl.ds(t * CHUNK_ROWS, CHUNK_ROWS)], ssem).wait()
            return carry2
        lax.fori_loop(0, SEQ // 4, drain, 0)

    def gather_start(idx_v, g_v, sem):
        pltpu.async_copy(dt_hbm.at[idx_v], g_v, sem)

    def gather_wait(idx_v, g_v, sem):
        pltpu.make_async_copy(dt_hbm.at[idx_v], g_v, sem).wait()

    def compute(k, g_v):
        for j in range(8):
            def tok_step(t, acc, j=j):
                return acc + g_v[pl.ds(t * CHUNK_ROWS + j * 16, 16)]
            z = lax.fori_loop(1, SEQ, tok_step, g_v[pl.ds(j * 16, 16)])
            z = z + corr
            p0 = 1.0 / (1.0 + jnp.exp(-z))
            out0_v[pl.ds(k * CHUNK_ROWS + j * 16, 16)] = p0
            out1_v[pl.ds(k * CHUNK_ROWS + j * 16, 16)] = 1.0 - p0

    for k in range(2):
        idx_v, g_v, sem, ssem = bufs[k]
        stage(k, idx_v, ssem)
        gather_start(idx_v, g_v, sem)
    for k in range(N_CHUNKS):
        idx_v, g_v, sem, ssem = bufs[k % 2]
        gather_wait(idx_v, g_v, sem)
        compute(k, g_v)
        if k + 2 < N_CHUNKS:
            stage(k + 2, idx_v, ssem)
            gather_start(idx_v, g_v, sem)

    pltpu.sync_copy(out0_v, out0_hbm.at[pl.ds(row_base, ROWS_W)])
    pltpu.sync_copy(out1_v, out1_hbm.at[pl.ds(row_base, ROWS_W)])


@functools.partial(
    pl.kernel,
    mesh=plsc.VectorSubcoreMesh(core_axis_name="c", subcore_axis_name="s"),
    out_type=(jax.ShapeDtypeStruct((BATCH,), jnp.float32),
              jax.ShapeDtypeStruct((BATCH,), jnp.float32)),
    scratch_types=[
        pltpu.VMEM((CHUNK_IDS,), jnp.int32),
        pltpu.VMEM((CHUNK_IDS,), jnp.int32),
        pltpu.VMEM((CHUNK_IDS,), jnp.float32),
        pltpu.VMEM((CHUNK_IDS,), jnp.float32),
        pltpu.VMEM((ROWS_W,), jnp.float32),
        pltpu.VMEM((ROWS_W,), jnp.float32),
        pltpu.VMEM((16,), jnp.float32),
        pltpu.SemaphoreType.DMA,
        pltpu.SemaphoreType.DMA,
        pltpu.SemaphoreType.DMA,
        pltpu.SemaphoreType.DMA,
    ],
)
def _sc_kernel(ids_hbm, dt_hbm, consts_hbm, out0_hbm, out1_hbm, *scratch):
    _sc_body(ids_hbm, dt_hbm, consts_hbm, out0_hbm, out1_hbm, *scratch)


def kernel(input_ids, emb_table, W, b):
    wdiff = (W[0] - W[1]) * (1.0 / SEQ)
    dtable = _make_dtable(emb_table.T, wdiff[:, None])

    ids_t = input_ids.astype(jnp.int32).T

    consts = jnp.full((16,), b[0] - b[1], jnp.float32)
    p0, p1 = _sc_kernel(ids_t, dtable, consts)
    return jnp.stack([p0, p1], axis=1)

# --- scband reference (transcript-rebuilt; emitter-appended) ---
"""Pipeline reference for scband-dummy-model-35364760715675 (READ-ONLY COPY).

The authoritative reference and input builder live on the scoring server;
editing this copy changes nothing except your own understanding.
"""

import jax, jax.numpy as jnp
import numpy as np

VOCAB = 1000000
EMB_DIM = 16
NUM_LABELS = 2
BATCH = 16384
SEQ = 200

def setup_inputs(seed: int = 0) -> dict:
    key = jax.random.key(seed)
    k1, k2, k3 = jax.random.split(key, 3)
    input_ids = jax.random.randint(k1, (BATCH, SEQ), 0, VOCAB, dtype=jnp.int64 if jax.config.jax_enable_x64 else jnp.int32)
    emb_table = jax.random.normal(k2, (VOCAB, EMB_DIM), dtype=jnp.float32) * 0.02
    W = jax.random.normal(k3, (NUM_LABELS, EMB_DIM), dtype=jnp.float32) * 0.02
    b = jnp.zeros((NUM_LABELS,), dtype=jnp.float32)
    return {"input_ids": input_ids, "emb_table": emb_table, "W": W, "b": b}

def reference(input_ids, emb_table, W, b):
    # attention_mask is None -> no masking branch taken
    x = jnp.take(emb_table, input_ids, axis=0)      # [B, L, 16] embedding gather
    x = jnp.mean(x, axis=1)                         # [B, 16] mean over sequence dim
    # dropout in eval mode -> identity
    logits = x @ W.T + b                            # [B, num_labels]
    return jax.nn.softmax(logits, axis=1)

if __name__ == "__main__":
    import jax
    _d = setup_inputs()
    print(jax.jit(kernel)(*tuple(_d.values())))

</pallas_src>

<mosaic_0001>
#map = affine_map<(d0, d1) -> (0, 0)>
#map1 = affine_map<(d0, d1) -> (0)>
module attributes {stable_mosaic.version = 14 : i64} {
  func.func @_sc_kernel(%arg0: i32, %arg1: i32, %arg2: memref<200x16384xi32, #tpu.memory_space<hbm>>, %arg3: memref<1000000xf32, #tpu.memory_space<hbm>>, %arg4: memref<16xf32, #tpu.memory_space<hbm>>, %arg5: memref<16384xf32, #tpu.memory_space<hbm>>, %arg6: memref<16384xf32, #tpu.memory_space<hbm>>, %arg7: memref<25600xi32, #tpu.memory_space<vmem>>, %arg8: memref<25600xi32, #tpu.memory_space<vmem>>, %arg9: memref<25600xf32, #tpu.memory_space<vmem>>, %arg10: memref<25600xf32, #tpu.memory_space<vmem>>, %arg11: memref<512xf32, #tpu.memory_space<vmem>>, %arg12: memref<512xf32, #tpu.memory_space<vmem>>, %arg13: memref<16xf32, #tpu.memory_space<vmem>>, %arg14: memref<!tpu.dma_semaphore, #tpu.memory_space<semaphore_mem>>, %arg15: memref<!tpu.dma_semaphore, #tpu.memory_space<semaphore_mem>>, %arg16: memref<!tpu.dma_semaphore, #tpu.memory_space<semaphore_mem>>, %arg17: memref<!tpu.dma_semaphore, #tpu.memory_space<semaphore_mem>>) attributes {dimension_semantics = [#tpu.dimension_semantics<core_parallel>, #tpu.dimension_semantics<subcore_parallel>], iteration_bounds = array<i64: 2, 16>, scalar_prefetch = 0 : i64, scratch_operands = 11 : i64, tpu.core_type = #tpu.core_type<sc_vector_subcore>, window_params = [{transform_indices = #map}, {transform_indices = #map1}, {transform_indices = #map1}, {transform_indices = #map1}, {transform_indices = #map1}]} {
    %mul3A = arith.constant 2 : i32
    %mul3A_0 = arith.muli %arg1, %mul3A : i32
    %add3A = arith.addi %mul3A_0, %arg0 : i32
    %mul3A_1 = arith.constant 512 : i32
    %mul3A_2 = arith.muli %add3A, %mul3A_1 : i32
    "tpu.region"() ({
      %run_scoped3A = tpu.sem_alloc : memref<!tpu.dma_semaphore, #tpu.memory_space<semaphore_mem>>
      tpu.enqueue_dma source(%arg4 : memref<16xf32, #tpu.memory_space<hbm>>) target(%arg13 : memref<16xf32, #tpu.memory_space<vmem>>) target_semaphore(%run_scoped3A : memref<!tpu.dma_semaphore, #tpu.memory_space<semaphore_mem>>)
      tpu.wait_dma2 semaphore(%run_scoped3A : memref<!tpu.dma_semaphore, #tpu.memory_space<semaphore_mem>>) src(%arg4 : memref<16xf32, #tpu.memory_space<hbm>>) dst(%arg13 : memref<16xf32, #tpu.memory_space<vmem>>)
      tpu.yield
    }) : () -> ()
    %get3A = arith.constant 0 : index
    %get3A_3 = tpu.vector_load %arg13[%get3A] {strides = array<i32>} : memref<16xf32, #tpu.memory_space<vmem>>, vector<16xf32>,
    %get3A_4 = vector.shape_cast %get3A_3 : vector<16xf32> to vector<16xf32>
    %add3A_5 = arith.constant 0 : i32
    %add3A_6 = arith.addi %mul3A_2, %add3A_5 : i32
    %scan3A = arith.constant 0 : i32
    %scan3A_7 = arith.constant 0 : i32
    %scan3A_8 = arith.constant 50 : i32
    %scan3A_9 = arith.addi %scan3A_7, %scan3A_8 : i32
    %scan3A_10 = arith.constant 1 : i32
    scf.for %scan3A_1061 = %scan3A_7 to %scan3A_9 step %scan3A_10  : i32 {
      %mul3A_1062 = arith.constant 4 : i32
      %mul3A_1063 = arith.muli %scan3A_1061, %mul3A_1062 : i32
      %add3A_1064 = arith.constant 0 : i32
      %add3A_1065 = arith.addi %mul3A_1063, %add3A_1064 : i32
      %mul3A_1066 = arith.constant 128 : i32
      %mul3A_1067 = arith.muli %add3A_1065, %mul3A_1066 : i32
      %dma_start3A_1068 = tpu.memref_slice %arg7[%mul3A_1067] : memref<25600xi32, #tpu.memory_space<vmem>> -> memref<128xi32, #tpu.memory_space<vmem>>
      %dma_start3A_1069 = tpu.memref_slice %arg2[%add3A_1065, %add3A_6] : memref<200x16384xi32, #tpu.memory_space<hbm>> -> memref<1x128xi32, #tpu.memory_space<hbm>>
      %dma_start3A_1070 = tpu.memref_squeeze %dma_start3A_1069 : memref<1x128xi32, #tpu.memory_space<hbm>> -> memref<128xi32, #tpu.memory_space<hbm>>
      %dma_start3A_1071 = tpu.memref_slice %arg7[%mul3A_1067] : memref<25600xi32, #tpu.memory_space<vmem>> -> memref<128xi32, #tpu.memory_space<vmem>>
      %dma_start3A_1072 = tpu.memref_slice %arg2[%add3A_1065, %add3A_6] : memref<200x16384xi32, #tpu.memory_space<hbm>> -> memref<1x128xi32, #tpu.memory_space<hbm>>
      %dma_start3A_1073 = tpu.memref_squeeze %dma_start3A_1072 : memref<1x128xi32, #tpu.memory_space<hbm>> -> memref<128xi32, #tpu.memory_space<hbm>>
      tpu.enqueue_dma source(%dma_start3A_1073 : memref<128xi32, #tpu.memory_space<hbm>>) target(%dma_start3A_1071 : memref<128xi32, #tpu.memory_space<vmem>>) target_semaphore(%arg16 : memref<!tpu.dma_semaphore, #tpu.memory_space<semaphore_mem>>)
      %mul3A_1074 = arith.constant 4 : i32
      %mul3A_1075 = arith.muli %scan3A_1061, %mul3A_1074 : i32
      %add3A_1076 = arith.constant 1 : i32
      %add3A_1077 = arith.addi %mul3A_1075, %add3A_1076 : i32
      %mul3A_1078 = arith.constant 128 : i32
      %mul3A_1079 = arith.muli %add3A_1077, %mul3A_1078 : i32
      %dma_start3A_1080 = tpu.memref_slice %arg7[%mul3A_1079] : memref<25600xi32, #tpu.memory_space<vmem>> -> memref<128xi32, #tpu.memory_space<vmem>>
      %dma_start3A_1081 = tpu.memref_slice %arg2[%add3A_1077, %add3A_6] : memref<200x16384xi32, #tpu.memory_space<hbm>> -> memref<1x128xi32, #tpu.memory_space<hbm>>
      %dma_start3A_1082 = tpu.memref_squeeze %dma_start3A_1081 : memref<1x128xi32, #tpu.memory_space<hbm>> -> memref<128xi32, #tpu.memory_space<hbm>>
      %dma_start3A_1083 = tpu.memref_slice %arg7[%mul3A_1079] : memref<25600xi32, #tpu.memory_space<vmem>> -> memref<128xi32, #tpu.memory_space<vmem>>
      %dma_start3A_1084 = tpu.memref_slice %arg2[%add3A_1077, %add3A_6] : memref<200x16384xi32, #tpu.memory_space<hbm>> -> memref<1x128xi32, #tpu.memory_space<hbm>>
      %dma_start3A_1085 = tpu.memref_squeeze %dma_start3A_1084 : memref<1x128xi32, #tpu.memory_space<hbm>> -> memref<128xi32, #tpu.memory_space<hbm>>
      tpu.enqueue_dma source(%dma_start3A_1085 : memref<128xi32, #tpu.memory_space<hbm>>) target(%dma_start3A_1083 : memref<128xi32, #tpu.memory_space<vmem>>) target_semaphore(%arg16 : memref<!tpu.dma_semaphore, #tpu.memory_space<semaphore_mem>>)
      %mul3A_1086 = arith.constant 4 : i32
      %mul3A_1087 = arith.muli %scan3A_1061, %mul3A_1086 : i32
      %add3A_1088 = arith.constant 2 : i32
      %add3A_1089 = arith.addi %mul3A_1087, %add3A_1088 : i32
      %mul3A_1090 = arith.constant 128 : i32
      %mul3A_1091 = arith.muli %add3A_1089, %mul3A_1090 : i32
      %dma_start3A_1092 = tpu.memref_slice %arg7[%mul3A_1091] : memref<25600xi32, #tpu.memory_space<vmem>> -> memref<128xi32, #tpu.memory_space<vmem>>
      %dma_start3A_1093 = tpu.memref_slice %arg2[%add3A_1089, %add3A_6] : memref<200x16384xi32, #tpu.memory_space<hbm>> -> memref<1x128xi32, #tpu.memory_space<hbm>>
      %dma_start3A_1094 = tpu.memref_squeeze %dma_start3A_1093 : memref<1x128xi32, #tpu.memory_space<hbm>> -> memref<128xi32, #tpu.memory_space<hbm>>
      %dma_start3A_1095 = tpu.memref_slice %arg7[%mul3A_1091] : memref<25600xi32, #tpu.memory_space<vmem>> -> memref<128xi32, #tpu.memory_space<vmem>>
      %dma_start3A_1096 = tpu.memref_slice %arg2[%add3A_1089, %add3A_6] : memref<200x16384xi32, #tpu.memory_space<hbm>> -> memref<1x128xi32, #tpu.memory_space<hbm>>
      %dma_start3A_1097 = tpu.memref_squeeze %dma_start3A_1096 : memref<1x128xi32, #tpu.memory_space<hbm>> -> memref<128xi32, #tpu.memory_space<hbm>>
      tpu.enqueue_dma source(%dma_start3A_1097 : memref<128xi32, #tpu.memory_space<hbm>>) target(%dma_start3A_1095 : memref<128xi32, #tpu.memory_space<vmem>>) target_semaphore(%arg16 : memref<!tpu.dma_semaphore, #tpu.memory_space<semaphore_mem>>)
      %mul3A_1098 = arith.constant 4 : i32
      %mul3A_1099 = arith.muli %scan3A_1061, %mul3A_1098 : i32
      %add3A_1100 = arith.constant 3 : i32
      %add3A_1101 = arith.addi %mul3A_1099, %add3A_1100 : i32
      %mul3A_1102 = arith.constant 128 : i32
      %mul3A_1103 = arith.muli %add3A_1101, %mul3A_1102 : i32
      %dma_start3A_1104 = tpu.memref_slice %arg7[%mul3A_1103] : memref<25600xi32, #tpu.memory_space<vmem>> -> memref<128xi32, #tpu.memory_space<vmem>>
      %dma_start3A_1105 = tpu.memref_slice %arg2[%add3A_1101, %add3A_6] : memref<200x16384xi32, #tpu.memory_space<hbm>> -> memref<1x128xi32, #tpu.memory_space<hbm>>
      %dma_start3A_1106 = tpu.memref_squeeze %dma_start3A_1105 : memref<1x128xi32, #tpu.memory_space<hbm>> -> memref<128xi32, #tpu.memory_space<hbm>>
      %dma_start3A_1107 = tpu.memref_slice %arg7[%mul3A_1103] : memref<25600xi32, #tpu.memory_space<vmem>> -> memref<128xi32, #tpu.memory_space<vmem>>
      %dma_start3A_1108 = tpu.memref_slice %arg2[%add3A_1101, %add3A_6] : memref<200x16384xi32, #tpu.memory_space<hbm>> -> memref<1x128xi32, #tpu.memory_space<hbm>>
      %dma_start3A_1109 = tpu.memref_squeeze %dma_start3A_1108 : memref<1x128xi32, #tpu.memory_space<hbm>> -> memref<128xi32, #tpu.memory_space<hbm>>
      tpu.enqueue_dma source(%dma_start3A_1109 : memref<128xi32, #tpu.memory_space<hbm>>) target(%dma_start3A_1107 : memref<128xi32, #tpu.memory_space<vmem>>) target_semaphore(%arg16 : memref<!tpu.dma_semaphore, #tpu.memory_space<semaphore_mem>>)
    }
    %scan3A_11 = arith.constant 50 : i32
    %scan3A_12 = arith.constant 0 : i32
    %scan3A_13 = arith.constant 0 : i32
    %scan3A_14 = arith.constant 50 : i32
    %scan3A_15 = arith.addi %scan3A_13, %scan3A_14 : i32
    %scan3A_16 = arith.constant 1 : i32
    scf.for %scan3A_1061 = %scan3A_13 to %scan3A_15 step %scan3A_16  : i32 {
      %mul3A_1062 = arith.constant 4 : i32
      %mul3A_1063 = arith.muli %scan3A_1061, %mul3A_1062 : i32
      %add3A_1064 = arith.constant 0 : i32
      %add3A_1065 = arith.addi %mul3A_1063, %add3A_1064 : i32
      %mul3A_1066 = arith.constant 128 : i32
      %mul3A_1067 = arith.muli %add3A_1065, %mul3A_1066 : i32
      %dma_wait3A_1068 = tpu.memref_slice %arg7[%mul3A_1067] : memref<25600xi32, #tpu.memory_space<vmem>> -> memref<128xi32, #tpu.memory_space<vmem>>
      %dma_wait3A_1069 = tpu.memref_slice %arg2[%add3A_1065, %add3A_6] : memref<200x16384xi32, #tpu.memory_space<hbm>> -> memref<1x128xi32, #tpu.memory_space<hbm>>
      %dma_wait3A_1070 = tpu.memref_squeeze %dma_wait3A_1069 : memref<1x128xi32, #tpu.memory_space<hbm>> -> memref<128xi32, #tpu.memory_space<hbm>>
      %dma_wait3A_1071 = tpu.memref_slice %arg7[%mul3A_1067] : memref<25600xi32, #tpu.memory_space<vmem>> -> memref<128xi32, #tpu.memory_space<vmem>>
      %dma_wait3A_1072 = tpu.memref_slice %arg2[%add3A_1065, %add3A_6] : memref<200x16384xi32, #tpu.memory_space<hbm>> -> memref<1x128xi32, #tpu.memory_space<hbm>>
      %dma_wait3A_1073 = tpu.memref_squeeze %dma_wait3A_1072 : memref<1x128xi32, #tpu.memory_space<hbm>> -> memref<128xi32, #tpu.memory_space<hbm>>
      tpu.wait_dma2 semaphore(%arg16 : memref<!tpu.dma_semaphore, #tpu.memory_space<semaphore_mem>>) src(%dma_wait3A_1073 : memref<128xi32, #tpu.memory_space<hbm>>) dst(%dma_wait3A_1071 : memref<128xi32, #tpu.memory_space<vmem>>)
      %mul3A_1074 = arith.constant 4 : i32
      %mul3A_1075 = arith.muli %scan3A_1061, %mul3A_1074 : i32
      %add3A_1076 = arith.constant 1 : i32
      %add3A_1077 = arith.addi %mul3A_1075, %add3A_1076 : i32
      %mul3A_1078 = arith.constant 128 : i32
      %mul3A_1079 = arith.muli %add3A_1077, %mul3A_1078 : i32
      %dma_wait3A_1080 = tpu.memref_slice %arg7[%mul3A_1079] : memref<25600xi32, #tpu.memory_space<vmem>> -> memref<128xi32, #tpu.memory_space<vmem>>
      %dma_wait3A_1081 = tpu.memref_slice %arg2[%add3A_1077, %add3A_6] : memref<200x16384xi32, #tpu.memory_space<hbm>> -> memref<1x128xi32, #tpu.memory_space<hbm>>
      %dma_wait3A_1082 = tpu.memref_squeeze %dma_wait3A_1081 : memref<1x128xi32, #tpu.memory_space<hbm>> -> memref<128xi32, #tpu.memory_space<hbm>>
      %dma_wait3A_1083 = tpu.memref_slice %arg7[%mul3A_1079] : memref<25600xi32, #tpu.memory_space<vmem>> -> memref<128xi32, #tpu.memory_space<vmem>>
      %dma_wait3A_1084 = tpu.memref_slice %arg2[%add3A_1077, %add3A_6] : memref<200x16384xi32, #tpu.memory_space<hbm>> -> memref<1x128xi32, #tpu.memory_space<hbm>>
      %dma_wait3A_1085 = tpu.memref_squeeze %dma_wait3A_1084 : memref<1x128xi32, #tpu.memory_space<hbm>> -> memref<128xi32, #tpu.memory_space<hbm>>
      tpu.wait_dma2 semaphore(%arg16 : memref<!tpu.dma_semaphore, #tpu.memory_space<semaphore_mem>>) src(%dma_wait3A_1085 : memref<128xi32, #tpu.memory_space<hbm>>) dst(%dma_wait3A_1083 : memref<128xi32, #tpu.memory_space<vmem>>)
      %mul3A_1086 = arith.constant 4 : i32
      %mul3A_1087 = arith.muli %scan3A_1061, %mul3A_1086 : i32
      %add3A_1088 = arith.constant 2 : i32
      %add3A_1089 = arith.addi %mul3A_1087, %add3A_1088 : i32
      %mul3A_1090 = arith.constant 128 : i32
      %mul3A_1091 = arith.muli %add3A_1089, %mul3A_1090 : i32
      %dma_wait3A_1092 = tpu.memref_slice %arg7[%mul3A_1091] : memref<25600xi32, #tpu.memory_space<vmem>> -> memref<128xi32, #tpu.memory_space<vmem>>
      %dma_wait3A_1093 = tpu.memref_slice %arg2[%add3A_1089, %add3A_6] : memref<200x16384xi32, #tpu.memory_space<hbm>> -> memref<1x128xi32, #tpu.memory_space<hbm>>
      %dma_wait3A_1094 = tpu.memref_squeeze %dma_wait3A_1093 : memref<1x128xi32, #tpu.memory_space<hbm>> -> memref<128xi32, #tpu.memory_space<hbm>>
      %dma_wait3A_1095 = tpu.memref_slice %arg7[%mul3A_1091] : memref<25600xi32, #tpu.memory_space<vmem>> -> memref<128xi32, #tpu.memory_space<vmem>>
      %dma_wait3A_1096 = tpu.memref_slice %arg2[%add3A_1089, %add3A_6] : memref<200x16384xi32, #tpu.memory_space<hbm>> -> memref<1x128xi32, #tpu.memory_space<hbm>>
      %dma_wait3A_1097 = tpu.memref_squeeze %dma_wait3A_1096 : memref<1x128xi32, #tpu.memory_space<hbm>> -> memref<128xi32, #tpu.memory_space<hbm>>
      tpu.wait_dma2 semaphore(%arg16 : memref<!tpu.dma_semaphore, #tpu.memory_space<semaphore_mem>>) src(%dma_wait3A_1097 : memref<128xi32, #tpu.memory_space<hbm>>) dst(%dma_wait3A_1095 : memref<128xi32, #tpu.memory_space<vmem>>)
      %mul3A_1098 = arith.constant 4 : i32
      %mul3A_1099 = arith.muli %scan3A_1061, %mul3A_1098 : i32
      %add3A_1100 = arith.constant 3 : i32
      %add3A_1101 = arith.addi %mul3A_1099, %add3A_1100 : i32
      %mul3A_1102 = arith.constant 128 : i32
      %mul3A_1103 = arith.muli %add3A_1101, %mul3A_1102 : i32
      %dma_wait3A_1104 = tpu.memref_slice %arg7[%mul3A_1103] : memref<25600xi32, #tpu.memory_space<vmem>> -> memref<128xi32, #tpu.memory_space<vmem>>
      %dma_wait3A_1105 = tpu.memref_slice %arg2[%add3A_1101, %add3A_6] : memref<200x16384xi32, #tpu.memory_space<hbm>> -> memref<1x128xi32, #tpu.memory_space<hbm>>
      %dma_wait3A_1106 = tpu.memref_squeeze %dma_wait3A_1105 : memref<1x128xi32, #tpu.memory_space<hbm>> -> memref<128xi32, #tpu.memory_space<hbm>>
      %dma_wait3A_1107 = tpu.memref_slice %arg7[%mul3A_1103] : memref<25600xi32, #tpu.memory_space<vmem>> -> memref<128xi32, #tpu.memory_space<vmem>>
      %dma_wait3A_1108 = tpu.memref_slice %arg2[%add3A_1101, %add3A_6] : memref<200x16384xi32, #tpu.memory_space<hbm>> -> memref<1x128xi32, #tpu.memory_space<hbm>>
      %dma_wait3A_1109 = tpu.memref_squeeze %dma_wait3A_1108 : memref<1x128xi32, #tpu.memory_space<hbm>> -> memref<128xi32, #tpu.memory_space<hbm>>
      tpu.wait_dma2 semaphore(%arg16 : memref<!tpu.dma_semaphore, #tpu.memory_space<semaphore_mem>>) src(%dma_wait3A_1109 : memref<128xi32, #tpu.memory_space<hbm>>) dst(%dma_wait3A_1107 : memref<128xi32, #tpu.memory_space<vmem>>)
    }
    %scan3A_17 = arith.constant 50 : i32
    %dma_start3A = arith.constant 0 : i32
    %dma_start3A_18 = tpu.memref_slice %arg3[%dma_start3A] : memref<1000000xf32, #tpu.memory_space<hbm>> -> memref<1000000xf32, #tpu.memory_space<hbm>>
    tpu.enqueue_indirect_dma source(%dma_start3A_18 : memref<1000000xf32, #tpu.memory_space<hbm>>) target(%arg9 : memref<25600xf32, #tpu.memory_space<vmem>>) offsets(%arg7 : memref<25600xi32, #tpu.memory_space<vmem>>) semaphore(%arg14 : memref<!tpu.dma_semaphore, #tpu.memory_space<semaphore_mem>>)
    %add3A_19 = arith.constant 128 : i32
    %add3A_20 = arith.addi %mul3A_2, %add3A_19 : i32
    %scan3A_21 = arith.constant 0 : i32
    %scan3A_22 = arith.constant 0 : i32
    %scan3A_23 = arith.constant 50 : i32
    %scan3A_24 = arith.addi %scan3A_22, %scan3A_23 : i32
    %scan3A_25 = arith.constant 1 : i32
    scf.for %scan3A_1061 = %scan3A_22 to %scan3A_24 step %scan3A_25  : i32 {
      %mul3A_1062 = arith.constant 4 : i32
      %mul3A_1063 = arith.muli %scan3A_1061, %mul3A_1062 : i32
      %add3A_1064 = arith.constant 0 : i32
      %add3A_1065 = arith.addi %mul3A_1063, %add3A_1064 : i32
      %mul3A_1066 = arith.constant 128 : i32
      %mul3A_1067 = arith.muli %add3A_1065, %mul3A_1066 : i32
      %dma_start3A_1068 = tpu.memref_slice %arg8[%mul3A_1067] : memref<25600xi32, #tpu.memory_space<vmem>> -> memref<128xi32, #tpu.memory_space<vmem>>
      %dma_start3A_1069 = tpu.memref_slice %arg2[%add3A_1065, %add3A_20] : memref<200x16384xi32, #tpu.memory_space<hbm>> -> memref<1x128xi32, #tpu.memory_space<hbm>>
      %dma_start3A_1070 = tpu.memref_squeeze %dma_start3A_1069 : memref<1x128xi32, #tpu.memory_space<hbm>> -> memref<128xi32, #tpu.memory_space<hbm>>
      %dma_start3A_1071 = tpu.memref_slice %arg8[%mul3A_1067] : memref<25600xi32, #tpu.memory_space<vmem>> -> memref<128xi32, #tpu.memory_space<vmem>>
      %dma_start3A_1072 = tpu.memref_slice %arg2[%add3A_1065, %add3A_20] : memref<200x16384xi32, #tpu.memory_space<hbm>> -> memref<1x128xi32, #tpu.memory_space<hbm>>
      %dma_start3A_1073 = tpu.memref_squeeze %dma_start3A_1072 : memref<1x128xi32, #tpu.memory_space<hbm>> -> memref<128xi32, #tpu.memory_space<hbm>>
      tpu.enqueue_dma source(%dma_start3A_1073 : memref<128xi32, #tpu.memory_space<hbm>>) target(%dma_start3A_1071 : memref<128xi32, #tpu.memory_space<vmem>>) target_semaphore(%arg17 : memref<!tpu.dma_semaphore, #tpu.memory_space<semaphore_mem>>)
      %mul3A_1074 = arith.constant 4 : i32
      %mul3A_1075 = arith.muli %scan3A_1061, %mul3A_1074 : i32
      %add3A_1076 = arith.constant 1 : i32
      %add3A_1077 = arith.addi %mul3A_1075, %add3A_1076 : i32
      %mul3A_1078 = arith.constant 128 : i32
      %mul3A_1079 = arith.muli %add3A_1077, %mul3A_1078 : i32
      %dma_start3A_1080 = tpu.memref_slice %arg8[%mul3A_1079] : memref<25600xi32, #tpu.memory_space<vmem>> -> memref<128xi32, #tpu.memory_space<vmem>>
      %dma_start3A_1081 = tpu.memref_slice %arg2[%add3A_1077, %add3A_20] : memref<200x16384xi32, #tpu.memory_space<hbm>> -> memref<1x128xi32, #tpu.memory_space<hbm>>
      %dma_start3A_1082 = tpu.memref_squeeze %dma_start3A_1081 : memref<1x128xi32, #tpu.memory_space<hbm>> -> memref<128xi32, #tpu.memory_space<hbm>>
      %dma_start3A_1083 = tpu.memref_slice %arg8[%mul3A_1079] : memref<25600xi32, #tpu.memory_space<vmem>> -> memref<128xi32, #tpu.memory_space<vmem>>
      %dma_start3A_1084 = tpu.memref_slice %arg2[%add3A_1077, %add3A_20] : memref<200x16384xi32, #tpu.memory_space<hbm>> -> memref<1x128xi32, #tpu.memory_space<hbm>>
      %dma_start3A_1085 = tpu.memref_squeeze %dma_start3A_1084 : memref<1x128xi32, #tpu.memory_space<hbm>> -> memref<128xi32, #tpu.memory_space<hbm>>
      tpu.enqueue_dma source(%dma_start3A_1085 : memref<128xi32, #tpu.memory_space<hbm>>) target(%dma_start3A_1083 : memref<128xi32, #tpu.memory_space<vmem>>) target_semaphore(%arg17 : memref<!tpu.dma_semaphore, #tpu.memory_space<semaphore_mem>>)
      %mul3A_1086 = arith.constant 4 : i32
      %mul3A_1087 = arith.muli %scan3A_1061, %mul3A_1086 : i32
      %add3A_1088 = arith.constant 2 : i32
      %add3A_1089 = arith.addi %mul3A_1087, %add3A_1088 : i32
      %mul3A_1090 = arith.constant 128 : i32
      %mul3A_1091 = arith.muli %add3A_1089, %mul3A_1090 : i32
      %dma_start3A_1092 = tpu.memref_slice %arg8[%mul3A_1091] : memref<25600xi32, #tpu.memory_space<vmem>> -> memref<128xi32, #tpu.memory_space<vmem>>
      %dma_start3A_1093 = tpu.memref_slice %arg2[%add3A_1089, %add3A_20] : memref<200x16384xi32, #tpu.memory_space<hbm>> -> memref<1x128xi32, #tpu.memory_space<hbm>>
      %dma_start3A_1094 = tpu.memref_squeeze %dma_start3A_1093 : memref<1x128xi32, #tpu.memory_space<hbm>> -> memref<128xi32, #tpu.memory_space<hbm>>
      %dma_start3A_1095 = tpu.memref_slice %arg8[%mul3A_1091] : memref<25600xi32, #tpu.memory_space<vmem>> -> memref<128xi32, #tpu.memory_space<vmem>>
      %dma_start3A_1096 = tpu.memref_slice %arg2[%add3A_1089, %add3A_20] : memref<200x16384xi32, #tpu.memory_space<hbm>> -> memref<1x128xi32, #tpu.memory_space<hbm>>
      %dma_start3A_1097 = tpu.memref_squeeze %dma_start3A_1096 : memref<1x128xi32, #tpu.memory_space<hbm>> -> memref<128xi32, #tpu.memory_space<hbm>>
      tpu.enqueue_dma source(%dma_start3A_1097 : memref<128xi32, #tpu.memory_space<hbm>>) target(%dma_start3A_1095 : memref<128xi32, #tpu.memory_space<vmem>>) target_semaphore(%arg17 : memref<!tpu.dma_semaphore, #tpu.memory_space<semaphore_mem>>)
      %mul3A_1098 = arith.constant 4 : i32
      %mul3A_1099 = arith.muli %scan3A_1061, %mul3A_1098 : i32
      %add3A_1100 = arith.constant 3 : i32
      %add3A_1101 = arith.addi %mul3A_1099, %add3A_1100 : i32
      %mul3A_1102 = arith.constant 128 : i32
      %mul3A_1103 = arith.muli %add3A_1101, %mul3A_1102 : i32
      %dma_start3A_1104 = tpu.memref_slice %arg8[%mul3A_1103] : memref<25600xi32, #tpu.memory_space<vmem>> -> memref<128xi32, #tpu.memory_space<vmem>>
      %dma_start3A_1105 = tpu.memref_slice %arg2[%add3A_1101, %add3A_20] : memref<200x16384xi32, #tpu.memory_space<hbm>> -> memref<1x128xi32, #tpu.memory_space<hbm>>
      %dma_start3A_1106 = tpu.memref_squeeze %dma_start3A_1105 : memref<1x128xi32, #tpu.memory_space<hbm>> -> memref<128xi32, #tpu.memory_space<hbm>>
      %dma_start3A_1107 = tpu.memref_slice %arg8[%mul3A_1103] : memref<25600xi32, #tpu.memory_space<vmem>> -> memref<128xi32, #tpu.memory_space<vmem>>
      %dma_start3A_1108 = tpu.memref_slice %arg2[%add3A_1101, %add3A_20] : memref<200x16384xi32, #tpu.memory_space<hbm>> -> memref<1x128xi32, #tpu.memory_space<hbm>>
      %dma_start3A_1109 = tpu.memref_squeeze %dma_start3A_1108 : memref<1x128xi32, #tpu.memory_space<hbm>> -> memref<128xi32, #tpu.memory_space<hbm>>
      tpu.enqueue_dma source(%dma_start3A_1109 : memref<128xi32, #tpu.memory_space<hbm>>) target(%dma_start3A_1107 : memref<128xi32, #tpu.memory_space<vmem>>) target_semaphore(%arg17 : memref<!tpu.dma_semaphore, #tpu.memory_space<semaphore_mem>>)
    }
    %scan3A_26 = arith.constant 50 : i32
    %scan3A_27 = arith.constant 0 : i32
    %scan3A_28 = arith.constant 0 : i32
    %scan3A_29 = arith.constant 50 : i32
    %scan3A_30 = arith.addi %scan3A_28, %scan3A_29 : i32
    %scan3A_31 = arith.constant 1 : i32
    scf.for %scan3A_1061 = %scan3A_28 to %scan3A_30 step %scan3A_31  : i32 {
      %mul3A_1062 = arith.constant 4 : i32
      %mul3A_1063 = arith.muli %scan3A_1061, %mul3A_1062 : i32
      %add3A_1064 = arith.constant 0 : i32
      %add3A_1065 = arith.addi %mul3A_1063, %add3A_1064 : i32
      %mul3A_1066 = arith.constant 128 : i32
      %mul3A_1067 = arith.muli %add3A_1065, %mul3A_1066 : i32
      %dma_wait3A_1068 = tpu.memref_slice %arg8[%mul3A_1067] : memref<25600xi32, #tpu.memory_space<vmem>> -> memref<128xi32, #tpu.memory_space<vmem>>
      %dma_wait3A_1069 = tpu.memref_slice %arg2[%add3A_1065, %add3A_20] : memref<200x16384xi32, #tpu.memory_space<hbm>> -> memref<1x128xi32, #tpu.memory_space<hbm>>
      %dma_wait3A_1070 = tpu.memref_squeeze %dma_wait3A_1069 : memref<1x128xi32, #tpu.memory_space<hbm>> -> memref<128xi32, #tpu.memory_space<hbm>>
      %dma_wait3A_1071 = tpu.memref_slice %arg8[%mul3A_1067] : memref<25600xi32, #tpu.memory_space<vmem>> -> memref<128xi32, #tpu.memory_space<vmem>>
      %dma_wait3A_1072 = tpu.memref_slice %arg2[%add3A_1065, %add3A_20] : memref<200x16384xi32, #tpu.memory_space<hbm>> -> memref<1x128xi32, #tpu.memory_space<hbm>>
      %dma_wait3A_1073 = tpu.memref_squeeze %dma_wait3A_1072 : memref<1x128xi32, #tpu.memory_space<hbm>> -> memref<128xi32, #tpu.memory_space<hbm>>
      tpu.wait_dma2 semaphore(%arg17 : memref<!tpu.dma_semaphore, #tpu.memory_space<semaphore_mem>>) src(%dma_wait3A_1073 : memref<128xi32, #tpu.memory_space<hbm>>) dst(%dma_wait3A_1071 : memref<128xi32, #tpu.memory_space<vmem>>)
      %mul3A_1074 = arith.constant 4 : i32
      %mul3A_1075 = arith.muli %scan3A_1061, %mul3A_1074 : i32
      %add3A_1076 = arith.constant 1 : i32
      %add3A_1077 = arith.addi %mul3A_1075, %add3A_1076 : i32
      %mul3A_1078 = arith.constant 128 : i32
      %mul3A_1079 = arith.muli %add3A_1077, %mul3A_1078 : i32
      %dma_wait3A_1080 = tpu.memref_slice %arg8[%mul3A_1079] : memref<25600xi32, #tpu.memory_space<vmem>> -> memref<128xi32, #tpu.memory_space<vmem>>
      %dma_wait3A_1081 = tpu.memref_slice %arg2[%add3A_1077, %add3A_20] : memref<200x16384xi32, #tpu.memory_space<hbm>> -> memref<1x128xi32, #tpu.memory_space<hbm>>
      %dma_wait3A_1082 = tpu.memref_squeeze %dma_wait3A_1081 : memref<1x128xi32, #tpu.memory_space<hbm>> -> memref<128xi32, #tpu.memory_space<hbm>>
      %dma_wait3A_1083 = tpu.memref_slice %arg8[%mul3A_1079] : memref<25600xi32, #tpu.memory_space<vmem>> -> memref<128xi32, #tpu.memory_space<vmem>>
      %dma_wait3A_1084 = tpu.memref_slice %arg2[%add3A_1077, %add3A_20] : memref<200x16384xi32, #tpu.memory_space<hbm>> -> memref<1x128xi32, #tpu.memory_space<hbm>>
      %dma_wait3A_1085 = tpu.memref_squeeze %dma_wait3A_1084 : memref<1x128xi32, #tpu.memory_space<hbm>> -> memref<128xi32, #tpu.memory_space<hbm>>
      tpu.wait_dma2 semaphore(%arg17 : memref<!tpu.dma_semaphore, #tpu.memory_space<semaphore_mem>>) src(%dma_wait3A_1085 : memref<128xi32, #tpu.memory_space<hbm>>) dst(%dma_wait3A_1083 : memref<128xi32, #tpu.memory_space<vmem>>)
      %mul3A_1086 = arith.constant 4 : i32
      %mul3A_1087 = arith.muli %scan3A_1061, %mul3A_1086 : i32
      %add3A_1088 = arith.constant 2 : i32
      %add3A_1089 = arith.addi %mul3A_1087, %add3A_1088 : i32
      %mul3A_1090 = arith.constant 128 : i32
      %mul3A_1091 = arith.muli %add3A_1089, %mul3A_1090 : i32
      %dma_wait3A_1092 = tpu.memref_slice %arg8[%mul3A_1091] : memref<25600xi32, #tpu.memory_space<vmem>> -> memref<128xi32, #tpu.memory_space<vmem>>
      %dma_wait3A_1093 = tpu.memref_slice %arg2[%add3A_1089, %add3A_20] : memref<200x16384xi32, #tpu.memory_space<hbm>> -> memref<1x128xi32, #tpu.memory_space<hbm>>
      %dma_wait3A_1094 = tpu.memref_squeeze %dma_wait3A_1093 : memref<1x128xi32, #tpu.memory_space<hbm>> -> memref<128xi32, #tpu.memory_space<hbm>>
      %dma_wait3A_1095 = tpu.memref_slice %arg8[%mul3A_1091] : memref<25600xi32, #tpu.memory_space<vmem>> -> memref<128xi32, #tpu.memory_space<vmem>>
      %dma_wait3A_1096 = tpu.memref_slice %arg2[%add3A_1089, %add3A_20] : memref<200x16384xi32, #tpu.memory_space<hbm>> -> memref<1x128xi32, #tpu.memory_space<hbm>>
      %dma_wait3A_1097 = tpu.memref_squeeze %dma_wait3A_1096 : memref<1x128xi32, #tpu.memory_space<hbm>> -> memref<128xi32, #tpu.memory_space<hbm>>
      tpu.wait_dma2 semaphore(%arg17 : memref<!tpu.dma_semaphore, #tpu.memory_space<semaphore_mem>>) src(%dma_wait3A_1097 : memref<128xi32, #tpu.memory_space<hbm>>) dst(%dma_wait3A_1095 : memref<128xi32, #tpu.memory_space<vmem>>)
      %mul3A_1098 = arith.constant 4 : i32
      %mul3A_1099 = arith.muli %scan3A_1061, %mul3A_1098 : i32
      %add3A_1100 = arith.constant 3 : i32
      %add3A_1101 = arith.addi %mul3A_1099, %add3A_1100 : i32
      %mul3A_1102 = arith.constant 128 : i32
      %mul3A_1103 = arith.muli %add3A_1101, %mul3A_1102 : i32
      %dma_wait3A_1104 = tpu.memref_slice %arg8[%mul3A_1103] : memref<25600xi32, #tpu.memory_space<vmem>> -> memref<128xi32, #tpu.memory_space<vmem>>
      %dma_wait3A_1105 = tpu.memref_slice %arg2[%add3A_1101, %add3A_20] : memref<200x16384xi32, #tpu.memory_space<hbm>> -> memref<1x128xi32, #tpu.memory_space<hbm>>
      %dma_wait3A_1106 = tpu.memref_squeeze %dma_wait3A_1105 : memref<1x128xi32, #tpu.memory_space<hbm>> -> memref<128xi32, #tpu.memory_space<hbm>>
      %dma_wait3A_1107 = tpu.memref_slice %arg8[%mul3A_1103] : memref<25600xi32, #tpu.memory_space<vmem>> -> memref<128xi32, #tpu.memory_space<vmem>>
      %dma_wait3A_1108 = tpu.memref_slice %arg2[%add3A_1101, %add3A_20] : memref<200x16384xi32, #tpu.memory_space<hbm>> -> memref<1x128xi32, #tpu.memory_space<hbm>>
      %dma_wait3A_1109 = tpu.memref_squeeze %dma_wait3A_1108 : memref<1x128xi32, #tpu.memory_space<hbm>> -> memref<128xi32, #tpu.memory_space<hbm>>
      tpu.wait_dma2 semaphore(%arg17 : memref<!tpu.dma_semaphore, #tpu.memory_space<semaphore_mem>>) src(%dma_wait3A_1109 : memref<128xi32, #tpu.memory_space<hbm>>) dst(%dma_wait3A_1107 : memref<128xi32, #tpu.memory_space<vmem>>)
    }
    %scan3A_32 = arith.constant 50 : i32
    %dma_start3A_33 = arith.constant 0 : i32
    %dma_start3A_34 = tpu.memref_slice %arg3[%dma_start3A_33] : memref<1000000xf32, #tpu.memory_space<hbm>> -> memref<1000000xf32, #tpu.memory_space<hbm>>
    tpu.enqueue_indirect_dma source(%dma_start3A_34 : memref<1000000xf32, #tpu.memory_space<hbm>>) target(%arg10 : memref<25600xf32, #tpu.memory_space<vmem>>) offsets(%arg8 : memref<25600xi32, #tpu.memory_space<vmem>>) semaphore(%arg15 : memref<!tpu.dma_semaphore, #tpu.memory_space<semaphore_mem>>)
    %dma_wait3A = arith.constant 0 : i32
    %dma_wait3A_35 = tpu.memref_slice %arg3[%dma_wait3A] : memref<1000000xf32, #tpu.memory_space<hbm>> -> memref<1000000xf32, #tpu.memory_space<hbm>>
    tpu.wait_indirect_dma semaphore(%arg14 : memref<!tpu.dma_semaphore, #tpu.memory_space<semaphore_mem>>) src(%dma_wait3A_35 : memref<1000000xf32, #tpu.memory_space<hbm>>) dst(%arg9 : memref<25600xf32, #tpu.memory_space<vmem>>)
    %get3A_36 = arith.constant 0 : index
    %get3A_37 = tpu.vector_load %arg9[%get3A_36] {strides = array<i32>} : memref<25600xf32, #tpu.memory_space<vmem>>, vector<16xf32>,
    %get3A_38 = vector.shape_cast %get3A_37 : vector<16xf32> to vector<16xf32>
    %scan3A_39 = arith.constant 1 : i32
    %scan3A_40 = arith.constant 199 : i32
    %scan3A_41 = arith.addi %scan3A_39, %scan3A_40 : i32
    %scan3A_42 = arith.constant 1 : i32
    %scan3A_43 = scf.for %scan3A_1061 = %scan3A_39 to %scan3A_41 step %scan3A_42 iter_args(%scan3A_1062 = %get3A_38) -> (vector<16xf32>)  : i32 {
      %mul3A_1063 = arith.constant 128 : i32
      %mul3A_1064 = arith.muli %scan3A_1061, %mul3A_1063 : i32
      %add3A_1065 = arith.constant 0 : i32
      %add3A_1066 = arith.addi %mul3A_1064, %add3A_1065 : i32
      %get3A_1067 = arith.index_cast %add3A_1066 : i32 to index
      %get3A_1068 = tpu.vector_load %arg9[%get3A_1067] {strides = array<i32>} : memref<25600xf32, #tpu.memory_space<vmem>>, vector<16xf32>,
      %get3A_1069 = vector.shape_cast %get3A_1068 : vector<16xf32> to vector<16xf32>
      %add3A_1070 = arith.addf %scan3A_1062, %get3A_1069 : vector<16xf32>
      scf.yield %add3A_1070 : vector<16xf32>
    }
    %scan3A_44 = arith.constant 199 : i32
    %add3A_45 = arith.addf %scan3A_43, %get3A_4 : vector<16xf32>
    %neg3A = arith.constant 0.000000e+00 : f32
    %neg3A_46 = vector.broadcast %neg3A : f32 to vector<16xf32>
    %neg3A_47 = arith.subf %neg3A_46, %add3A_45 : vector<16xf32>
    %exp3A = math.exp %neg3A_47 : vector<16xf32>
    %add3A_48 = arith.constant 1.000000e+00 : f32
    %add3A_49 = vector.broadcast %add3A_48 : f32 to vector<16xf32>
    %add3A_50 = arith.addf %add3A_49, %exp3A : vector<16xf32>
    %div3A = arith.constant 1.000000e+00 : f32
    %div3A_51 = vector.broadcast %div3A : f32 to vector<16xf32>
    %div3A_52 = arith.divf %div3A_51, %add3A_50 : vector<16xf32>
    %swap3A = arith.constant 0 : index
    %swap3A_53 = tpu.vector_load %arg11[%swap3A] {strides = array<i32>} : memref<512xf32, #tpu.memory_space<vmem>>, vector<16xf32>,
    %swap3A_54 = vector.shape_cast %swap3A_53 : vector<16xf32> to vector<16xf32>
    %swap3A_55 = vector.shape_cast %div3A_52 : vector<16xf32> to vector<16xf32>
    tpu.vector_store %arg11[%swap3A], %swap3A_55 {strides = array<i32>} : memref<512xf32, #tpu.memory_space<vmem>>, vector<16xf32>,
    %sub3A = arith.constant 1.000000e+00 : f32
    %sub3A_56 = vector.broadcast %sub3A : f32 to vector<16xf32>
    %sub3A_57 = arith.subf %sub3A_56, %div3A_52 : vector<16xf32>
    %swap3A_58 = arith.constant 0 : index
    %swap3A_59 = tpu.vector_load %arg12[%swap3A_58] {strides = array<i32>} : memref<512xf32, #tpu.memory_space<vmem>>, vector<16xf32>,
    %swap3A_60 = vector.shape_cast %swap3A_59 : vector<16xf32> to vector<16xf32>
    %swap3A_61 = vector.shape_cast %sub3A_57 : vector<16xf32> to vector<16xf32>
    tpu.vector_store %arg12[%swap3A_58], %swap3A_61 {strides = array<i32>} : memref<512xf32, #tpu.memory_space<vmem>>, vector<16xf32>,
    %get3A_62 = arith.constant 16 : index
    %get3A_63 = tpu.vector_load %arg9[%get3A_62] {strides = array<i32>} : memref<25600xf32, #tpu.memory_space<vmem>>, vector<16xf32>,
    %get3A_64 = vector.shape_cast %get3A_63 : vector<16xf32> to vector<16xf32>
    %scan3A_65 = arith.constant 1 : i32
    %scan3A_66 = arith.constant 199 : i32
    %scan3A_67 = arith.addi %scan3A_65, %scan3A_66 : i32
    %scan3A_68 = arith.constant 1 : i32
    %scan3A_69 = scf.for %scan3A_1061 = %scan3A_65 to %scan3A_67 step %scan3A_68 iter_args(%scan3A_1062 = %get3A_64) -> (vector<16xf32>)  : i32 {
      %mul3A_1063 = arith.constant 128 : i32
      %mul3A_1064 = arith.muli %scan3A_1061, %mul3A_1063 : i32
      %add3A_1065 = arith.constant 16 : i32
      %add3A_1066 = arith.addi %mul3A_1064, %add3A_1065 : i32
      %get3A_1067 = arith.index_cast %add3A_1066 : i32 to index
      %get3A_1068 = tpu.vector_load %arg9[%get3A_1067] {strides = array<i32>} : memref<25600xf32, #tpu.memory_space<vmem>>, vector<16xf32>,
      %get3A_1069 = vector.shape_cast %get3A_1068 : vector<16xf32> to vector<16xf32>
      %add3A_1070 = arith.addf %scan3A_1062, %get3A_1069 : vector<16xf32>
      scf.yield %add3A_1070 : vector<16xf32>
    }
    %scan3A_70 = arith.constant 199 : i32
    %add3A_71 = arith.addf %scan3A_69, %get3A_4 : vector<16xf32>
    %neg3A_72 = arith.constant 0.000000e+00 : f32
    %neg3A_73 = vector.broadcast %neg3A_72 : f32 to vector<16xf32>
    %neg3A_74 = arith.subf %neg3A_73, %add3A_71 : vector<16xf32>
    %exp3A_75 = math.exp %neg3A_74 : vector<16xf32>
    %add3A_76 = arith.constant 1.000000e+00 : f32
    %add3A_77 = vector.broadcast %add3A_76 : f32 to vector<16xf32>
    %add3A_78 = arith.addf %add3A_77, %exp3A_75 : vector<16xf32>
    %div3A_79 = arith.constant 1.000000e+00 : f32
    %div3A_80 = vector.broadcast %div3A_79 : f32 to vector<16xf32>
    %div3A_81 = arith.divf %div3A_80, %add3A_78 : vector<16xf32>
    %swap3A_82 = arith.constant 16 : index
    %swap3A_83 = tpu.vector_load %arg11[%swap3A_82] {strides = array<i32>} : memref<512xf32, #tpu.memory_space<vmem>>, vector<16xf32>,
    %swap3A_84 = vector.shape_cast %swap3A_83 : vector<16xf32> to vector<16xf32>
    %swap3A_85 = vector.shape_cast %div3A_81 : vector<16xf32> to vector<16xf32>
    tpu.vector_store %arg11[%swap3A_82], %swap3A_85 {strides = array<i32>} : memref<512xf32, #tpu.memory_space<vmem>>, vector<16xf32>,
    %sub3A_86 = arith.constant 1.000000e+00 : f32
    %sub3A_87 = vector.broadcast %sub3A_86 : f32 to vector<16xf32>
    %sub3A_88 = arith.subf %sub3A_87, %div3A_81 : vector<16xf32>
    %swap3A_89 = arith.constant 16 : index
    %swap3A_90 = tpu.vector_load %arg12[%swap3A_89] {strides = array<i32>} : memref<512xf32, #tpu.memory_space<vmem>>, vector<16xf32>,
    %swap3A_91 = vector.shape_cast %swap3A_90 : vector<16xf32> to vector<16xf32>
    %swap3A_92 = vector.shape_cast %sub3A_88 : vector<16xf32> to vector<16xf32>
    tpu.vector_store %arg12[%swap3A_89], %swap3A_92 {strides = array<i32>} : memref<512xf32, #tpu.memory_space<vmem>>, vector<16xf32>,
    %get3A_93 = arith.constant 32 : index
    %get3A_94 = tpu.vector_load %arg9[%get3A_93] {strides = array<i32>} : memref<25600xf32, #tpu.memory_space<vmem>>, vector<16xf32>,
    %get3A_95 = vector.shape_cast %get3A_94 : vector<16xf32> to vector<16xf32>
    %scan3A_96 = arith.constant 1 : i32
    %scan3A_97 = arith.constant 199 : i32
    %scan3A_98 = arith.addi %scan3A_96, %scan3A_97 : i32
    %scan3A_99 = arith.constant 1 : i32
    %scan3A_100 = scf.for %scan3A_1061 = %scan3A_96 to %scan3A_98 step %scan3A_99 iter_args(%scan3A_1062 = %get3A_95) -> (vector<16xf32>)  : i32 {
      %mul3A_1063 = arith.constant 128 : i32
      %mul3A_1064 = arith.muli %scan3A_1061, %mul3A_1063 : i32
      %add3A_1065 = arith.constant 32 : i32
      %add3A_1066 = arith.addi %mul3A_1064, %add3A_1065 : i32
      %get3A_1067 = arith.index_cast %add3A_1066 : i32 to index
      %get3A_1068 = tpu.vector_load %arg9[%get3A_1067] {strides = array<i32>} : memref<25600xf32, #tpu.memory_space<vmem>>, vector<16xf32>,
      %get3A_1069 = vector.shape_cast %get3A_1068 : vector<16xf32> to vector<16xf32>
      %add3A_1070 = arith.addf %scan3A_1062, %get3A_1069 : vector<16xf32>
      scf.yield %add3A_1070 : vector<16xf32>
    }
    %scan3A_101 = arith.constant 199 : i32
    %add3A_102 = arith.addf %scan3A_100, %get3A_4 : vector<16xf32>
    %neg3A_103 = arith.constant 0.000000e+00 : f32
    %neg3A_104 = vector.broadcast %neg3A_103 : f32 to vector<16xf32>
    %neg3A_105 = arith.subf %neg3A_104, %add3A_102 : vector<16xf32>
    %exp3A_106 = math.exp %neg3A_105 : vector<16xf32>
    %add3A_107 = arith.constant 1.000000e+00 : f32
    %add3A_108 = vector.broadcast %add3A_107 : f32 to vector<16xf32>
    %add3A_109 = arith.addf %add3A_108, %exp3A_106 : vector<16xf32>
    %div3A_110 = arith.constant 1.000000e+00 : f32
    %div3A_111 = vector.broadcast %div3A_110 : f32 to vector<16xf32>
    %div3A_112 = arith.divf %div3A_111, %add3A_109 : vector<16xf32>
    %swap3A_113 = arith.constant 32 : index
    %swap3A_114 = tpu.vector_load %arg11[%swap3A_113] {strides = array<i32>} : memref<512xf32, #tpu.memory_space<vmem>>, vector<16xf32>,
    %swap3A_115 = vector.shape_cast %swap3A_114 : vector<16xf32> to vector<16xf32>
    %swap3A_116 = vector.shape_cast %div3A_112 : vector<16xf32> to vector<16xf32>
    tpu.vector_store %arg11[%swap3A_113], %swap3A_116 {strides = array<i32>} : memref<512xf32, #tpu.memory_space<vmem>>, vector<16xf32>,
    %sub3A_117 = arith.constant 1.000000e+00 : f32
    %sub3A_118 = vector.broadcast %sub3A_117 : f32 to vector<16xf32>
    %sub3A_119 = arith.subf %sub3A_118, %div3A_112 : vector<16xf32>
    %swap3A_120 = arith.constant 32 : index
    %swap3A_121 = tpu.vector_load %arg12[%swap3A_120] {strides = array<i32>} : memref<512xf32, #tpu.memory_space<vmem>>, vector<16xf32>,
    %swap3A_122 = vector.shape_cast %swap3A_121 : vector<16xf32> to vector<16xf32>
    %swap3A_123 = vector.shape_cast %sub3A_119 : vector<16xf32> to vector<16xf32>
    tpu.vector_store %arg12[%swap3A_120], %swap3A_123 {strides = array<i32>} : memref<512xf32, #tpu.memory_space<vmem>>, vector<16xf32>,
    %get3A_124 = arith.constant 48 : index
    %get3A_125 = tpu.vector_load %arg9[%get3A_124] {strides = array<i32>} : memref<25600xf32, #tpu.memory_space<vmem>>, vector<16xf32>,
    %get3A_126 = vector.shape_cast %get3A_125 : vector<16xf32> to vector<16xf32>
    %scan3A_127 = arith.constant 1 : i32
    %scan3A_128 = arith.constant 199 : i32
    %scan3A_129 = arith.addi %scan3A_127, %scan3A_128 : i32
    %scan3A_130 = arith.constant 1 : i32
    %scan3A_131 = scf.for %scan3A_1061 = %scan3A_127 to %scan3A_129 step %scan3A_130 iter_args(%scan3A_1062 = %get3A_126) -> (vector<16xf32>)  : i32 {
      %mul3A_1063 = arith.constant 128 : i32
      %mul3A_1064 = arith.muli %scan3A_1061, %mul3A_1063 : i32
      %add3A_1065 = arith.constant 48 : i32
      %add3A_1066 = arith.addi %mul3A_1064, %add3A_1065 : i32
      %get3A_1067 = arith.index_cast %add3A_1066 : i32 to index
      %get3A_1068 = tpu.vector_load %arg9[%get3A_1067] {strides = array<i32>} : memref<25600xf32, #tpu.memory_space<vmem>>, vector<16xf32>,
      %get3A_1069 = vector.shape_cast %get3A_1068 : vector<16xf32> to vector<16xf32>
      %add3A_1070 = arith.addf %scan3A_1062, %get3A_1069 : vector<16xf32>
      scf.yield %add3A_1070 : vector<16xf32>
    }
    %scan3A_132 = arith.constant 199 : i32
    %add3A_133 = arith.addf %scan3A_131, %get3A_4 : vector<16xf32>
    %neg3A_134 = arith.constant 0.000000e+00 : f32
    %neg3A_135 = vector.broadcast %neg3A_134 : f32 to vector<16xf32>
    %neg3A_136 = arith.subf %neg3A_135, %add3A_133 : vector<16xf32>
    %exp3A_137 = math.exp %neg3A_136 : vector<16xf32>
    %add3A_138 = arith.constant 1.000000e+00 : f32
    %add3A_139 = vector.broadcast %add3A_138 : f32 to vector<16xf32>
    %add3A_140 = arith.addf %add3A_139, %exp3A_137 : vector<16xf32>
    %div3A_141 = arith.constant 1.000000e+00 : f32
    %div3A_142 = vector.broadcast %div3A_141 : f32 to vector<16xf32>
    %div3A_143 = arith.divf %div3A_142, %add3A_140 : vector<16xf32>
    %swap3A_144 = arith.constant 48 : index
    %swap3A_145 = tpu.vector_load %arg11[%swap3A_144] {strides = array<i32>} : memref<512xf32, #tpu.memory_space<vmem>>, vector<16xf32>,
    %swap3A_146 = vector.shape_cast %swap3A_145 : vector<16xf32> to vector<16xf32>
    %swap3A_147 = vector.shape_cast %div3A_143 : vector<16xf32> to vector<16xf32>
    tpu.vector_store %arg11[%swap3A_144], %swap3A_147 {strides = array<i32>} : memref<512xf32, #tpu.memory_space<vmem>>, vector<16xf32>,
    %sub3A_148 = arith.constant 1.000000e+00 : f32
    %sub3A_149 = vector.broadcast %sub3A_148 : f32 to vector<16xf32>
    %sub3A_150 = arith.subf %sub3A_149, %div3A_143 : vector<16xf32>
    %swap3A_151 = arith.constant 48 : index
    %swap3A_152 = tpu.vector_load %arg12[%swap3A_151] {strides = array<i32>} : memref<512xf32, #tpu.memory_space<vmem>>, vector<16xf32>,
    %swap3A_153 = vector.shape_cast %swap3A_152 : vector<16xf32> to vector<16xf32>
    %swap3A_154 = vector.shape_cast %sub3A_150 : vector<16xf32> to vector<16xf32>
    tpu.vector_store %arg12[%swap3A_151], %swap3A_154 {strides = array<i32>} : memref<512xf32, #tpu.memory_space<vmem>>, vector<16xf32>,
    %get3A_155 = arith.constant 64 : index
    %get3A_156 = tpu.vector_load %arg9[%get3A_155] {strides = array<i32>} : memref<25600xf32, #tpu.memory_space<vmem>>, vector<16xf32>,
    %get3A_157 = vector.shape_cast %get3A_156 : vector<16xf32> to vector<16xf32>
    %scan3A_158 = arith.constant 1 : i32
    %scan3A_159 = arith.constant 199 : i32
    %scan3A_160 = arith.addi %scan3A_158, %scan3A_159 : i32
    %scan3A_161 = arith.constant 1 : i32
    %scan3A_162 = scf.for %scan3A_1061 = %scan3A_158 to %scan3A_160 step %scan3A_161 iter_args(%scan3A_1062 = %get3A_157) -> (vector<16xf32>)  : i32 {
      %mul3A_1063 = arith.constant 128 : i32
      %mul3A_1064 = arith.muli %scan3A_1061, %mul3A_1063 : i32
      %add3A_1065 = arith.constant 64 : i32
      %add3A_1066 = arith.addi %mul3A_1064, %add3A_1065 : i32
      %get3A_1067 = arith.index_cast %add3A_1066 : i32 to index
      %get3A_1068 = tpu.vector_load %arg9[%get3A_1067] {strides = array<i32>} : memref<25600xf32, #tpu.memory_space<vmem>>, vector<16xf32>,
      %get3A_1069 = vector.shape_cast %get3A_1068 : vector<16xf32> to vector<16xf32>
      %add3A_1070 = arith.addf %scan3A_1062, %get3A_1069 : vector<16xf32>
      scf.yield %add3A_1070 : vector<16xf32>
    }
    %scan3A_163 = arith.constant 199 : i32
    %add3A_164 = arith.addf %scan3A_162, %get3A_4 : vector<16xf32>
    %neg3A_165 = arith.constant 0.000000e+00 : f32
    %neg3A_166 = vector.broadcast %neg3A_165 : f32 to vector<16xf32>
    %neg3A_167 = arith.subf %neg3A_166, %add3A_164 : vector<16xf32>
    %exp3A_168 = math.exp %neg3A_167 : vector<16xf32>
    %add3A_169 = arith.constant 1.000000e+00 : f32
    %add3A_170 = vector.broadcast %add3A_169 : f32 to vector<16xf32>
    %add3A_171 = arith.addf %add3A_170, %exp3A_168 : vector<16xf32>
    %div3A_172 = arith.constant 1.000000e+00 : f32
    %div3A_173 = vector.broadcast %div3A_172 : f32 to vector<16xf32>
    %div3A_174 = arith.divf %div3A_173, %add3A_171 : vector<16xf32>
    %swap3A_175 = arith.constant 64 : index
    %swap3A_176 = tpu.vector_load %arg11[%swap3A_175] {strides = array<i32>} : memref<512xf32, #tpu.memory_space<vmem>>, vector<16xf32>,
    %swap3A_177 = vector.shape_cast %swap3A_176 : vector<16xf32> to vector<16xf32>
    %swap3A_178 = vector.shape_cast %div3A_174 : vector<16xf32> to vector<16xf32>
    tpu.vector_store %arg11[%swap3A_175], %swap3A_178 {strides = array<i32>} : memref<512xf32, #tpu.memory_space<vmem>>, vector<16xf32>,
    %sub3A_179 = arith.constant 1.000000e+00 : f32
    %sub3A_180 = vector.broadcast %sub3A_179 : f32 to vector<16xf32>
    %sub3A_181 = arith.subf %sub3A_180, %div3A_174 : vector<16xf32>
    %swap3A_182 = arith.constant 64 : index
    %swap3A_183 = tpu.vector_load %arg12[%swap3A_182] {strides = array<i32>} : memref<512xf32, #tpu.memory_space<vmem>>, vector<16xf32>,
    %swap3A_184 = vector.shape_cast %swap3A_183 : vector<16xf32> to vector<16xf32>
    %swap3A_185 = vector.shape_cast %sub3A_181 : vector<16xf32> to vector<16xf32>
    tpu.vector_store %arg12[%swap3A_182], %swap3A_185 {strides = array<i32>} : memref<512xf32, #tpu.memory_space<vmem>>, vector<16xf32>,
    %get3A_186 = arith.constant 80 : index
    %get3A_187 = tpu.vector_load %arg9[%get3A_186] {strides = array<i32>} : memref<25600xf32, #tpu.memory_space<vmem>>, vector<16xf32>,
    %get3A_188 = vector.shape_cast %get3A_187 : vector<16xf32> to vector<16xf32>
    %scan3A_189 = arith.constant 1 : i32
    %scan3A_190 = arith.constant 199 : i32
    %scan3A_191 = arith.addi %scan3A_189, %scan3A_190 : i32
    %scan3A_192 = arith.constant 1 : i32
    %scan3A_193 = scf.for %scan3A_1061 = %scan3A_189 to %scan3A_191 step %scan3A_192 iter_args(%scan3A_1062 = %get3A_188) -> (vector<16xf32>)  : i32 {
      %mul3A_1063 = arith.constant 128 : i32
      %mul3A_1064 = arith.muli %scan3A_1061, %mul3A_1063 : i32
      %add3A_1065 = arith.constant 80 : i32
      %add3A_1066 = arith.addi %mul3A_1064, %add3A_1065 : i32
      %get3A_1067 = arith.index_cast %add3A_1066 : i32 to index
      %get3A_1068 = tpu.vector_load %arg9[%get3A_1067] {strides = array<i32>} : memref<25600xf32, #tpu.memory_space<vmem>>, vector<16xf32>,
      %get3A_1069 = vector.shape_cast %get3A_1068 : vector<16xf32> to vector<16xf32>
      %add3A_1070 = arith.addf %scan3A_1062, %get3A_1069 : vector<16xf32>
      scf.yield %add3A_1070 : vector<16xf32>
    }
    %scan3A_194 = arith.constant 199 : i32
    %add3A_195 = arith.addf %scan3A_193, %get3A_4 : vector<16xf32>
    %neg3A_196 = arith.constant 0.000000e+00 : f32
    %neg3A_197 = vector.broadcast %neg3A_196 : f32 to vector<16xf32>
    %neg3A_198 = arith.subf %neg3A_197, %add3A_195 : vector<16xf32>
    %exp3A_199 = math.exp %neg3A_198 : vector<16xf32>
    %add3A_200 = arith.constant 1.000000e+00 : f32
    %add3A_201 = vector.broadcast %add3A_200 : f32 to vector<16xf32>
    %add3A_202 = arith.addf %add3A_201, %exp3A_199 : vector<16xf32>
    %div3A_203 = arith.constant 1.000000e+00 : f32
    %div3A_204 = vector.broadcast %div3A_203 : f32 to vector<16xf32>
    %div3A_205 = arith.divf %div3A_204, %add3A_202 : vector<16xf32>
    %swap3A_206 = arith.constant 80 : index
    %swap3A_207 = tpu.vector_load %arg11[%swap3A_206] {strides = array<i32>} : memref<512xf32, #tpu.memory_space<vmem>>, vector<16xf32>,
    %swap3A_208 = vector.shape_cast %swap3A_207 : vector<16xf32> to vector<16xf32>
    %swap3A_209 = vector.shape_cast %div3A_205 : vector<16xf32> to vector<16xf32>
    tpu.vector_store %arg11[%swap3A_206], %swap3A_209 {strides = array<i32>} : memref<512xf32, #tpu.memory_space<vmem>>, vector<16xf32>,
    %sub3A_210 = arith.constant 1.000000e+00 : f32
    %sub3A_211 = vector.broadcast %sub3A_210 : f32 to vector<16xf32>
    %sub3A_212 = arith.subf %sub3A_211, %div3A_205 : vector<16xf32>
    %swap3A_213 = arith.constant 80 : index
    %swap3A_214 = tpu.vector_load %arg12[%swap3A_213] {strides = array<i32>} : memref<512xf32, #tpu.memory_space<vmem>>, vector<16xf32>,
    %swap3A_215 = vector.shape_cast %swap3A_214 : vector<16xf32> to vector<16xf32>
    %swap3A_216 = vector.shape_cast %sub3A_212 : vector<16xf32> to vector<16xf32>
    tpu.vector_store %arg12[%swap3A_213], %swap3A_216 {strides = array<i32>} : memref<512xf32, #tpu.memory_space<vmem>>, vector<16xf32>,
    %get3A_217 = arith.constant 96 : index
    %get3A_218 = tpu.vector_load %arg9[%get3A_217] {strides = array<i32>} : memref<25600xf32, #tpu.memory_space<vmem>>, vector<16xf32>,
    %get3A_219 = vector.shape_cast %get3A_218 : vector<16xf32> to vector<16xf32>
    %scan3A_220 = arith.constant 1 : i32
    %scan3A_221 = arith.constant 199 : i32
    %scan3A_222 = arith.addi %scan3A_220, %scan3A_221 : i32
    %scan3A_223 = arith.constant 1 : i32
    %scan3A_224 = scf.for %scan3A_1061 = %scan3A_220 to %scan3A_222 step %scan3A_223 iter_args(%scan3A_1062 = %get3A_219) -> (vector<16xf32>)  : i32 {
      %mul3A_1063 = arith.constant 128 : i32
      %mul3A_1064 = arith.muli %scan3A_1061, %mul3A_1063 : i32
      %add3A_1065 = arith.constant 96 : i32
      %add3A_1066 = arith.addi %mul3A_1064, %add3A_1065 : i32
      %get3A_1067 = arith.index_cast %add3A_1066 : i32 to index
      %get3A_1068 = tpu.vector_load %arg9[%get3A_1067] {strides = array<i32>} : memref<25600xf32, #tpu.memory_space<vmem>>, vector<16xf32>,
      %get3A_1069 = vector.shape_cast %get3A_1068 : vector<16xf32> to vector<16xf32>
      %add3A_1070 = arith.addf %scan3A_1062, %get3A_1069 : vector<16xf32>
      scf.yield %add3A_1070 : vector<16xf32>
    }
    %scan3A_225 = arith.constant 199 : i32
    %add3A_226 = arith.addf %scan3A_224, %get3A_4 : vector<16xf32>
    %neg3A_227 = arith.constant 0.000000e+00 : f32
    %neg3A_228 = vector.broadcast %neg3A_227 : f32 to vector<16xf32>
    %neg3A_229 = arith.subf %neg3A_228, %add3A_226 : vector<16xf32>
    %exp3A_230 = math.exp %neg3A_229 : vector<16xf32>
    %add3A_231 = arith.constant 1.000000e+00 : f32
    %add3A_232 = vector.broadcast %add3A_231 : f32 to vector<16xf32>
    %add3A_233 = arith.addf %add3A_232, %exp3A_230 : vector<16xf32>
    %div3A_234 = arith.constant 1.000000e+00 : f32
    %div3A_235 = vector.broadcast %div3A_234 : f32 to vector<16xf32>
    %div3A_236 = arith.divf %div3A_235, %add3A_233 : vector<16xf32>
    %swap3A_237 = arith.constant 96 : index
    %swap3A_238 = tpu.vector_load %arg11[%swap3A_237] {strides = array<i32>} : memref<512xf32, #tpu.memory_space<vmem>>, vector<16xf32>,
    %swap3A_239 = vector.shape_cast %swap3A_238 : vector<16xf32> to vector<16xf32>
    %swap3A_240 = vector.shape_cast %div3A_236 : vector<16xf32> to vector<16xf32>
    tpu.vector_store %arg11[%swap3A_237], %swap3A_240 {strides = array<i32>} : memref<512xf32, #tpu.memory_space<vmem>>, vector<16xf32>,
    %sub3A_241 = arith.constant 1.000000e+00 : f32
    %sub3A_242 = vector.broadcast %sub3A_241 : f32 to vector<16xf32>
    %sub3A_243 = arith.subf %sub3A_242, %div3A_236 : vector<16xf32>
    %swap3A_244 = arith.constant 96 : index
    %swap3A_245 = tpu.vector_load %arg12[%swap3A_244] {strides = array<i32>} : memref<512xf32, #tpu.memory_space<vmem>>, vector<16xf32>,
    %swap3A_246 = vector.shape_cast %swap3A_245 : vector<16xf32> to vector<16xf32>
    %swap3A_247 = vector.shape_cast %sub3A_243 : vector<16xf32> to vector<16xf32>
    tpu.vector_store %arg12[%swap3A_244], %swap3A_247 {strides = array<i32>} : memref<512xf32, #tpu.memory_space<vmem>>, vector<16xf32>,
    %get3A_248 = arith.constant 112 : index
    %get3A_249 = tpu.vector_load %arg9[%get3A_248] {strides = array<i32>} : memref<25600xf32, #tpu.memory_space<vmem>>, vector<16xf32>,
    %get3A_250 = vector.shape_cast %get3A_249 : vector<16xf32> to vector<16xf32>
    %scan3A_251 = arith.constant 1 : i32
    %scan3A_252 = arith.constant 199 : i32
    %scan3A_253 = arith.addi %scan3A_251, %scan3A_252 : i32
    %scan3A_254 = arith.constant 1 : i32
    %scan3A_255 = scf.for %scan3A_1061 = %scan3A_251 to %scan3A_253 step %scan3A_254 iter_args(%scan3A_1062 = %get3A_250) -> (vector<16xf32>)  : i32 {
      %mul3A_1063 = arith.constant 128 : i32
      %mul3A_1064 = arith.muli %scan3A_1061, %mul3A_1063 : i32
      %add3A_1065 = arith.constant 112 : i32
      %add3A_1066 = arith.addi %mul3A_1064, %add3A_1065 : i32
      %get3A_1067 = arith.index_cast %add3A_1066 : i32 to index
      %get3A_1068 = tpu.vector_load %arg9[%get3A_1067] {strides = array<i32>} : memref<25600xf32, #tpu.memory_space<vmem>>, vector<16xf32>,
      %get3A_1069 = vector.shape_cast %get3A_1068 : vector<16xf32> to vector<16xf32>
      %add3A_1070 = arith.addf %scan3A_1062, %get3A_1069 : vector<16xf32>
      scf.yield %add3A_1070 : vector<16xf32>
    }
    %scan3A_256 = arith.constant 199 : i32
    %add3A_257 = arith.addf %scan3A_255, %get3A_4 : vector<16xf32>
    %neg3A_258 = arith.constant 0.000000e+00 : f32
    %neg3A_259 = vector.broadcast %neg3A_258 : f32 to vector<16xf32>
    %neg3A_260 = arith.subf %neg3A_259, %add3A_257 : vector<16xf32>
    %exp3A_261 = math.exp %neg3A_260 : vector<16xf32>
    %add3A_262 = arith.constant 1.000000e+00 : f32
    %add3A_263 = vector.broadcast %add3A_262 : f32 to vector<16xf32>
    %add3A_264 = arith.addf %add3A_263, %exp3A_261 : vector<16xf32>
    %div3A_265 = arith.constant 1.000000e+00 : f32
    %div3A_266 = vector.broadcast %div3A_265 : f32 to vector<16xf32>
    %div3A_267 = arith.divf %div3A_266, %add3A_264 : vector<16xf32>
    %swap3A_268 = arith.constant 112 : index
    %swap3A_269 = tpu.vector_load %arg11[%swap3A_268] {strides = array<i32>} : memref<512xf32, #tpu.memory_space<vmem>>, vector<16xf32>,
    %swap3A_270 = vector.shape_cast %swap3A_269 : vector<16xf32> to vector<16xf32>
    %swap3A_271 = vector.shape_cast %div3A_267 : vector<16xf32> to vector<16xf32>
    tpu.vector_store %arg11[%swap3A_268], %swap3A_271 {strides = array<i32>} : memref<512xf32, #tpu.memory_space<vmem>>, vector<16xf32>,
    %sub3A_272 = arith.constant 1.000000e+00 : f32
    %sub3A_273 = vector.broadcast %sub3A_272 : f32 to vector<16xf32>
    %sub3A_274 = arith.subf %sub3A_273, %div3A_267 : vector<16xf32>
    %swap3A_275 = arith.constant 112 : index
    %swap3A_276 = tpu.vector_load %arg12[%swap3A_275] {strides = array<i32>} : memref<512xf32, #tpu.memory_space<vmem>>, vector<16xf32>,
    %swap3A_277 = vector.shape_cast %swap3A_276 : vector<16xf32> to vector<16xf32>
    %swap3A_278 = vector.shape_cast %sub3A_274 : vector<16xf32> to vector<16xf32>
    tpu.vector_store %arg12[%swap3A_275], %swap3A_278 {strides = array<i32>} : memref<512xf32, #tpu.memory_space<vmem>>, vector<16xf32>,
    %add3A_279 = arith.constant 256 : i32
    %add3A_280 = arith.addi %mul3A_2, %add3A_279 : i32
    %scan3A_281 = arith.constant 0 : i32
    %scan3A_282 = arith.constant 0 : i32
    %scan3A_283 = arith.constant 50 : i32
    %scan3A_284 = arith.addi %scan3A_282, %scan3A_283 : i32
    %scan3A_285 = arith.constant 1 : i32
    scf.for %scan3A_1061 = %scan3A_282 to %scan3A_284 step %scan3A_285  : i32 {
      %mul3A_1062 = arith.constant 4 : i32
      %mul3A_1063 = arith.muli %scan3A_1061, %mul3A_1062 : i32
      %add3A_1064 = arith.constant 0 : i32
      %add3A_1065 = arith.addi %mul3A_1063, %add3A_1064 : i32
      %mul3A_1066 = arith.constant 128 : i32
      %mul3A_1067 = arith.muli %add3A_1065, %mul3A_1066 : i32
      %dma_start3A_1068 = tpu.memref_slice %arg7[%mul3A_1067] : memref<25600xi32, #tpu.memory_space<vmem>> -> memref<128xi32, #tpu.memory_space<vmem>>
      %dma_start3A_1069 = tpu.memref_slice %arg2[%add3A_1065, %add3A_280] : memref<200x16384xi32, #tpu.memory_space<hbm>> -> memref<1x128xi32, #tpu.memory_space<hbm>>
      %dma_start3A_1070 = tpu.memref_squeeze %dma_start3A_1069 : memref<1x128xi32, #tpu.memory_space<hbm>> -> memref<128xi32, #tpu.memory_space<hbm>>
      %dma_start3A_1071 = tpu.memref_slice %arg7[%mul3A_1067] : memref<25600xi32, #tpu.memory_space<vmem>> -> memref<128xi32, #tpu.memory_space<vmem>>
      %dma_start3A_1072 = tpu.memref_slice %arg2[%add3A_1065, %add3A_280] : memref<200x16384xi32, #tpu.memory_space<hbm>> -> memref<1x128xi32, #tpu.memory_space<hbm>>
      %dma_start3A_1073 = tpu.memref_squeeze %dma_start3A_1072 : memref<1x128xi32, #tpu.memory_space<hbm>> -> memref<128xi32, #tpu.memory_space<hbm>>
      tpu.enqueue_dma source(%dma_start3A_1073 : memref<128xi32, #tpu.memory_space<hbm>>) target(%dma_start3A_1071 : memref<128xi32, #tpu.memory_space<vmem>>) target_semaphore(%arg16 : memref<!tpu.dma_semaphore, #tpu.memory_space<semaphore_mem>>)
      %mul3A_1074 = arith.constant 4 : i32
      %mul3A_1075 = arith.muli %scan3A_1061, %mul3A_1074 : i32
      %add3A_1076 = arith.constant 1 : i32
      %add3A_1077 = arith.addi %mul3A_1075, %add3A_1076 : i32
      %mul3A_1078 = arith.constant 128 : i32
      %mul3A_1079 = arith.muli %add3A_1077, %mul3A_1078 : i32
      %dma_start3A_1080 = tpu.memref_slice %arg7[%mul3A_1079] : memref<25600xi32, #tpu.memory_space<vmem>> -> memref<128xi32, #tpu.memory_space<vmem>>
      %dma_start3A_1081 = tpu.memref_slice %arg2[%add3A_1077, %add3A_280] : memref<200x16384xi32, #tpu.memory_space<hbm>> -> memref<1x128xi32, #tpu.memory_space<hbm>>
      %dma_start3A_1082 = tpu.memref_squeeze %dma_start3A_1081 : memref<1x128xi32, #tpu.memory_space<hbm>> -> memref<128xi32, #tpu.memory_space<hbm>>
      %dma_start3A_1083 = tpu.memref_slice %arg7[%mul3A_1079] : memref<25600xi32, #tpu.memory_space<vmem>> -> memref<128xi32, #tpu.memory_space<vmem>>
      %dma_start3A_1084 = tpu.memref_slice %arg2[%add3A_1077, %add3A_280] : memref<200x16384xi32, #tpu.memory_space<hbm>> -> memref<1x128xi32, #tpu.memory_space<hbm>>
      %dma_start3A_1085 = tpu.memref_squeeze %dma_start3A_1084 : memref<1x128xi32, #tpu.memory_space<hbm>> -> memref<128xi32, #tpu.memory_space<hbm>>
      tpu.enqueue_dma source(%dma_start3A_1085 : memref<128xi32, #tpu.memory_space<hbm>>) target(%dma_start3A_1083 : memref<128xi32, #tpu.memory_space<vmem>>) target_semaphore(%arg16 : memref<!tpu.dma_semaphore, #tpu.memory_space<semaphore_mem>>)
      %mul3A_1086 = arith.constant 4 : i32
      %mul3A_1087 = arith.muli %scan3A_1061, %mul3A_1086 : i32
      %add3A_1088 = arith.constant 2 : i32
      %add3A_1089 = arith.addi %mul3A_1087, %add3A_1088 : i32
      %mul3A_1090 = arith.constant 128 : i32
      %mul3A_1091 = arith.muli %add3A_1089, %mul3A_1090 : i32
      %dma_start3A_1092 = tpu.memref_slice %arg7[%mul3A_1091] : memref<25600xi32, #tpu.memory_space<vmem>> -> memref<128xi32, #tpu.memory_space<vmem>>
      %dma_start3A_1093 = tpu.memref_slice %arg2[%add3A_1089, %add3A_280] : memref<200x16384xi32, #tpu.memory_space<hbm>> -> memref<1x128xi32, #tpu.memory_space<hbm>>
      %dma_start3A_1094 = tpu.memref_squeeze %dma_start3A_1093 : memref<1x128xi32, #tpu.memory_space<hbm>> -> memref<128xi32, #tpu.memory_space<hbm>>
      %dma_start3A_1095 = tpu.memref_slice %arg7[%mul3A_1091] : memref<25600xi32, #tpu.memory_space<vmem>> -> memref<128xi32, #tpu.memory_space<vmem>>
      %dma_start3A_1096 = tpu.memref_slice %arg2[%add3A_1089, %add3A_280] : memref<200x16384xi32, #tpu.memory_space<hbm>> -> memref<1x128xi32, #tpu.memory_space<hbm>>
      %dma_start3A_1097 = tpu.memref_squeeze %dma_start3A_1096 : memref<1x128xi32, #tpu.memory_space<hbm>> -> memref<128xi32, #tpu.memory_space<hbm>>
      tpu.enqueue_dma source(%dma_start3A_1097 : memref<128xi32, #tpu.memory_space<hbm>>) target(%dma_start3A_1095 : memref<128xi32, #tpu.memory_space<vmem>>) target_semaphore(%arg16 : memref<!tpu.dma_semaphore, #tpu.memory_space<semaphore_mem>>)
      %mul3A_1098 = arith.constant 4 : i32
      %mul3A_1099 = arith.muli %scan3A_1061, %mul3A_1098 : i32
      %add3A_1100 = arith.constant 3 : i32
      %add3A_1101 = arith.addi %mul3A_1099, %add3A_1100 : i32
      %mul3A_1102 = arith.constant 128 : i32
      %mul3A_1103 = arith.muli %add3A_1101, %mul3A_1102 : i32
      %dma_start3A_1104 = tpu.memref_slice %arg7[%mul3A_1103] : memref<25600xi32, #tpu.memory_space<vmem>> -> memref<128xi32, #tpu.memory_space<vmem>>
      %dma_start3A_1105 = tpu.memref_slice %arg2[%add3A_1101, %add3A_280] : memref<200x16384xi32, #tpu.memory_space<hbm>> -> memref<1x128xi32, #tpu.memory_space<hbm>>
      %dma_start3A_1106 = tpu.memref_squeeze %dma_start3A_1105 : memref<1x128xi32, #tpu.memory_space<hbm>> -> memref<128xi32, #tpu.memory_space<hbm>>
      %dma_start3A_1107 = tpu.memref_slice %arg7[%mul3A_1103] : memref<25600xi32, #tpu.memory_space<vmem>> -> memref<128xi32, #tpu.memory_space<vmem>>
      %dma_start3A_1108 = tpu.memref_slice %arg2[%add3A_1101, %add3A_280] : memref<200x16384xi32, #tpu.memory_space<hbm>> -> memref<1x128xi32, #tpu.memory_space<hbm>>
      %dma_start3A_1109 = tpu.memref_squeeze %dma_start3A_1108 : memref<1x128xi32, #tpu.memory_space<hbm>> -> memref<128xi32, #tpu.memory_space<hbm>>
      tpu.enqueue_dma source(%dma_start3A_1109 : memref<128xi32, #tpu.memory_space<hbm>>) target(%dma_start3A_1107 : memref<128xi32, #tpu.memory_space<vmem>>) target_semaphore(%arg16 : memref<!tpu.dma_semaphore, #tpu.memory_space<semaphore_mem>>)
    }
    %scan3A_286 = arith.constant 50 : i32
    %scan3A_287 = arith.constant 0 : i32
    %scan3A_288 = arith.constant 0 : i32
    %scan3A_289 = arith.constant 50 : i32
    %scan3A_290 = arith.addi %scan3A_288, %scan3A_289 : i32
    %scan3A_291 = arith.constant 1 : i32
    scf.for %scan3A_1061 = %scan3A_288 to %scan3A_290 step %scan3A_291  : i32 {
      %mul3A_1062 = arith.constant 4 : i32
      %mul3A_1063 = arith.muli %scan3A_1061, %mul3A_1062 : i32
      %add3A_1064 = arith.constant 0 : i32
      %add3A_1065 = arith.addi %mul3A_1063, %add3A_1064 : i32
      %mul3A_1066 = arith.constant 128 : i32
      %mul3A_1067 = arith.muli %add3A_1065, %mul3A_1066 : i32
      %dma_wait3A_1068 = tpu.memref_slice %arg7[%mul3A_1067] : memref<25600xi32, #tpu.memory_space<vmem>> -> memref<128xi32, #tpu.memory_space<vmem>>
      %dma_wait3A_1069 = tpu.memref_slice %arg2[%add3A_1065, %add3A_280] : memref<200x16384xi32, #tpu.memory_space<hbm>> -> memref<1x128xi32, #tpu.memory_space<hbm>>
      %dma_wait3A_1070 = tpu.memref_squeeze %dma_wait3A_1069 : memref<1x128xi32, #tpu.memory_space<hbm>> -> memref<128xi32, #tpu.memory_space<hbm>>
      %dma_wait3A_1071 = tpu.memref_slice %arg7[%mul3A_1067] : memref<25600xi32, #tpu.memory_space<vmem>> -> memref<128xi32, #tpu.memory_space<vmem>>
      %dma_wait3A_1072 = tpu.memref_slice %arg2[%add3A_1065, %add3A_280] : memref<200x16384xi32, #tpu.memory_space<hbm>> -> memref<1x128xi32, #tpu.memory_space<hbm>>
      %dma_wait3A_1073 = tpu.memref_squeeze %dma_wait3A_1072 : memref<1x128xi32, #tpu.memory_space<hbm>> -> memref<128xi32, #tpu.memory_space<hbm>>
      tpu.wait_dma2 semaphore(%arg16 : memref<!tpu.dma_semaphore, #tpu.memory_space<semaphore_mem>>) src(%dma_wait3A_1073 : memref<128xi32, #tpu.memory_space<hbm>>) dst(%dma_wait3A_1071 : memref<128xi32, #tpu.memory_space<vmem>>)
      %mul3A_1074 = arith.constant 4 : i32
      %mul3A_1075 = arith.muli %scan3A_1061, %mul3A_1074 : i32
      %add3A_1076 = arith.constant 1 : i32
      %add3A_1077 = arith.addi %mul3A_1075, %add3A_1076 : i32
      %mul3A_1078 = arith.constant 128 : i32
      %mul3A_1079 = arith.muli %add3A_1077, %mul3A_1078 : i32
      %dma_wait3A_1080 = tpu.memref_slice %arg7[%mul3A_1079] : memref<25600xi32, #tpu.memory_space<vmem>> -> memref<128xi32, #tpu.memory_space<vmem>>
      %dma_wait3A_1081 = tpu.memref_slice %arg2[%add3A_1077, %add3A_280] : memref<200x16384xi32, #tpu.memory_space<hbm>> -> memref<1x128xi32, #tpu.memory_space<hbm>>
      %dma_wait3A_1082 = tpu.memref_squeeze %dma_wait3A_1081 : memref<1x128xi32, #tpu.memory_space<hbm>> -> memref<128xi32, #tpu.memory_space<hbm>>
      %dma_wait3A_1083 = tpu.memref_slice %arg7[%mul3A_1079] : memref<25600xi32, #tpu.memory_space<vmem>> -> memref<128xi32, #tpu.memory_space<vmem>>
      %dma_wait3A_1084 = tpu.memref_slice %arg2[%add3A_1077, %add3A_280] : memref<200x16384xi32, #tpu.memory_space<hbm>> -> memref<1x128xi32, #tpu.memory_space<hbm>>
      %dma_wait3A_1085 = tpu.memref_squeeze %dma_wait3A_1084 : memref<1x128xi32, #tpu.memory_space<hbm>> -> memref<128xi32, #tpu.memory_space<hbm>>
      tpu.wait_dma2 semaphore(%arg16 : memref<!tpu.dma_semaphore, #tpu.memory_space<semaphore_mem>>) src(%dma_wait3A_1085 : memref<128xi32, #tpu.memory_space<hbm>>) dst(%dma_wait3A_1083 : memref<128xi32, #tpu.memory_space<vmem>>)
      %mul3A_1086 = arith.constant 4 : i32
      %mul3A_1087 = arith.muli %scan3A_1061, %mul3A_1086 : i32
      %add3A_1088 = arith.constant 2 : i32
      %add3A_1089 = arith.addi %mul3A_1087, %add3A_1088 : i32
      %mul3A_1090 = arith.constant 128 : i32
      %mul3A_1091 = arith.muli %add3A_1089, %mul3A_1090 : i32
      %dma_wait3A_1092 = tpu.memref_slice %arg7[%mul3A_1091] : memref<25600xi32, #tpu.memory_space<vmem>> -> memref<128xi32, #tpu.memory_space<vmem>>
      %dma_wait3A_1093 = tpu.memref_slice %arg2[%add3A_1089, %add3A_280] : memref<200x16384xi32, #tpu.memory_space<hbm>> -> memref<1x128xi32, #tpu.memory_space<hbm>>
      %dma_wait3A_1094 = tpu.memref_squeeze %dma_wait3A_1093 : memref<1x128xi32, #tpu.memory_space<hbm>> -> memref<128xi32, #tpu.memory_space<hbm>>
      %dma_wait3A_1095 = tpu.memref_slice %arg7[%mul3A_1091] : memref<25600xi32, #tpu.memory_space<vmem>> -> memref<128xi32, #tpu.memory_space<vmem>>
      %dma_wait3A_1096 = tpu.memref_slice %arg2[%add3A_1089, %add3A_280] : memref<200x16384xi32, #tpu.memory_space<hbm>> -> memref<1x128xi32, #tpu.memory_space<hbm>>
      %dma_wait3A_1097 = tpu.memref_squeeze %dma_wait3A_1096 : memref<1x128xi32, #tpu.memory_space<hbm>> -> memref<128xi32, #tpu.memory_space<hbm>>
      tpu.wait_dma2 semaphore(%arg16 : memref<!tpu.dma_semaphore, #tpu.memory_space<semaphore_mem>>) src(%dma_wait3A_1097 : memref<128xi32, #tpu.memory_space<hbm>>) dst(%dma_wait3A_1095 : memref<128xi32, #tpu.memory_space<vmem>>)
      %mul3A_1098 = arith.constant 4 : i32
      %mul3A_1099 = arith.muli %scan3A_1061, %mul3A_1098 : i32
      %add3A_1100 = arith.constant 3 : i32
      %add3A_1101 = arith.addi %mul3A_1099, %add3A_1100 : i32
      %mul3A_1102 = arith.constant 128 : i32
      %mul3A_1103 = arith.muli %add3A_1101, %mul3A_1102 : i32
      %dma_wait3A_1104 = tpu.memref_slice %arg7[%mul3A_1103] : memref<25600xi32, #tpu.memory_space<vmem>> -> memref<128xi32, #tpu.memory_space<vmem>>
      %dma_wait3A_1105 = tpu.memref_slice %arg2[%add3A_1101, %add3A_280] : memref<200x16384xi32, #tpu.memory_space<hbm>> -> memref<1x128xi32, #tpu.memory_space<hbm>>
      %dma_wait3A_1106 = tpu.memref_squeeze %dma_wait3A_1105 : memref<1x128xi32, #tpu.memory_space<hbm>> -> memref<128xi32, #tpu.memory_space<hbm>>
      %dma_wait3A_1107 = tpu.memref_slice %arg7[%mul3A_1103] : memref<25600xi32, #tpu.memory_space<vmem>> -> memref<128xi32, #tpu.memory_space<vmem>>
      %dma_wait3A_1108 = tpu.memref_slice %arg2[%add3A_1101, %add3A_280] : memref<200x16384xi32, #tpu.memory_space<hbm>> -> memref<1x128xi32, #tpu.memory_space<hbm>>
      %dma_wait3A_1109 = tpu.memref_squeeze %dma_wait3A_1108 : memref<1x128xi32, #tpu.memory_space<hbm>> -> memref<128xi32, #tpu.memory_space<hbm>>
      tpu.wait_dma2 semaphore(%arg16 : memref<!tpu.dma_semaphore, #tpu.memory_space<semaphore_mem>>) src(%dma_wait3A_1109 : memref<128xi32, #tpu.memory_space<hbm>>) dst(%dma_wait3A_1107 : memref<128xi32, #tpu.memory_space<vmem>>)
    }
    %scan3A_292 = arith.constant 50 : i32
    %dma_start3A_293 = arith.constant 0 : i32
    %dma_start3A_294 = tpu.memref_slice %arg3[%dma_start3A_293] : memref<1000000xf32, #tpu.memory_space<hbm>> -> memref<1000000xf32, #tpu.memory_space<hbm>>
    tpu.enqueue_indirect_dma source(%dma_start3A_294 : memref<1000000xf32, #tpu.memory_space<hbm>>) target(%arg9 : memref<25600xf32, #tpu.memory_space<vmem>>) offsets(%arg7 : memref<25600xi32, #tpu.memory_space<vmem>>) semaphore(%arg14 : memref<!tpu.dma_semaphore, #tpu.memory_space<semaphore_mem>>)
    %dma_wait3A_295 = arith.constant 0 : i32
    %dma_wait3A_296 = tpu.memref_slice %arg3[%dma_wait3A_295] : memref<1000000xf32, #tpu.memory_space<hbm>> -> memref<1000000xf32, #tpu.memory_space<hbm>>
    tpu.wait_indirect_dma semaphore(%arg15 : memref<!tpu.dma_semaphore, #tpu.memory_space<semaphore_mem>>) src(%dma_wait3A_296 : memref<1000000xf32, #tpu.memory_space<hbm>>) dst(%arg10 : memref<25600xf32, #tpu.memory_space<vmem>>)
    %get3A_297 = arith.constant 0 : index
    %get3A_298 = tpu.vector_load %arg10[%get3A_297] {strides = array<i32>} : memref<25600xf32, #tpu.memory_space<vmem>>, vector<16xf32>,
    %get3A_299 = vector.shape_cast %get3A_298 : vector<16xf32> to vector<16xf32>
    %scan3A_300 = arith.constant 1 : i32
    %scan3A_301 = arith.constant 199 : i32
    %scan3A_302 = arith.addi %scan3A_300, %scan3A_301 : i32
    %scan3A_303 = arith.constant 1 : i32
    %scan3A_304 = scf.for %scan3A_1061 = %scan3A_300 to %scan3A_302 step %scan3A_303 iter_args(%scan3A_1062 = %get3A_299) -> (vector<16xf32>)  : i32 {
      %mul3A_1063 = arith.constant 128 : i32
      %mul3A_1064 = arith.muli %scan3A_1061, %mul3A_1063 : i32
      %add3A_1065 = arith.constant 0 : i32
      %add3A_1066 = arith.addi %mul3A_1064, %add3A_1065 : i32
      %get3A_1067 = arith.index_cast %add3A_1066 : i32 to index
      %get3A_1068 = tpu.vector_load %arg10[%get3A_1067] {strides = array<i32>} : memref<25600xf32, #tpu.memory_space<vmem>>, vector<16xf32>,
      %get3A_1069 = vector.shape_cast %get3A_1068 : vector<16xf32> to vector<16xf32>
      %add3A_1070 = arith.addf %scan3A_1062, %get3A_1069 : vector<16xf32>
      scf.yield %add3A_1070 : vector<16xf32>
    }
    %scan3A_305 = arith.constant 199 : i32
    %add3A_306 = arith.addf %scan3A_304, %get3A_4 : vector<16xf32>
    %neg3A_307 = arith.constant 0.000000e+00 : f32
    %neg3A_308 = vector.broadcast %neg3A_307 : f32 to vector<16xf32>
    %neg3A_309 = arith.subf %neg3A_308, %add3A_306 : vector<16xf32>
    %exp3A_310 = math.exp %neg3A_309 : vector<16xf32>
    %add3A_311 = arith.constant 1.000000e+00 : f32
    %add3A_312 = vector.broadcast %add3A_311 : f32 to vector<16xf32>
    %add3A_313 = arith.addf %add3A_312, %exp3A_310 : vector<16xf32>
    %div3A_314 = arith.constant 1.000000e+00 : f32
    %div3A_315 = vector.broadcast %div3A_314 : f32 to vector<16xf32>
    %div3A_316 = arith.divf %div3A_315, %add3A_313 : vector<16xf32>
    %swap3A_317 = arith.constant 128 : index
    %swap3A_318 = tpu.vector_load %arg11[%swap3A_317] {strides = array<i32>} : memref<512xf32, #tpu.memory_space<vmem>>, vector<16xf32>,
    %swap3A_319 = vector.shape_cast %swap3A_318 : vector<16xf32> to vector<16xf32>
    %swap3A_320 = vector.shape_cast %div3A_316 : vector<16xf32> to vector<16xf32>
    tpu.vector_store %arg11[%swap3A_317], %swap3A_320 {strides = array<i32>} : memref<512xf32, #tpu.memory_space<vmem>>, vector<16xf32>,
    %sub3A_321 = arith.constant 1.000000e+00 : f32
    %sub3A_322 = vector.broadcast %sub3A_321 : f32 to vector<16xf32>
    %sub3A_323 = arith.subf %sub3A_322, %div3A_316 : vector<16xf32>
    %swap3A_324 = arith.constant 128 : index
    %swap3A_325 = tpu.vector_load %arg12[%swap3A_324] {strides = array<i32>} : memref<512xf32, #tpu.memory_space<vmem>>, vector<16xf32>,
    %swap3A_326 = vector.shape_cast %swap3A_325 : vector<16xf32> to vector<16xf32>
    %swap3A_327 = vector.shape_cast %sub3A_323 : vector<16xf32> to vector<16xf32>
    tpu.vector_store %arg12[%swap3A_324], %swap3A_327 {strides = array<i32>} : memref<512xf32, #tpu.memory_space<vmem>>, vector<16xf32>,
    %get3A_328 = arith.constant 16 : index
    %get3A_329 = tpu.vector_load %arg10[%get3A_328] {strides = array<i32>} : memref<25600xf32, #tpu.memory_space<vmem>>, vector<16xf32>,
    %get3A_330 = vector.shape_cast %get3A_329 : vector<16xf32> to vector<16xf32>
    %scan3A_331 = arith.constant 1 : i32
    %scan3A_332 = arith.constant 199 : i32
    %scan3A_333 = arith.addi %scan3A_331, %scan3A_332 : i32
    %scan3A_334 = arith.constant 1 : i32
    %scan3A_335 = scf.for %scan3A_1061 = %scan3A_331 to %scan3A_333 step %scan3A_334 iter_args(%scan3A_1062 = %get3A_330) -> (vector<16xf32>)  : i32 {
      %mul3A_1063 = arith.constant 128 : i32
      %mul3A_1064 = arith.muli %scan3A_1061, %mul3A_1063 : i32
      %add3A_1065 = arith.constant 16 : i32
      %add3A_1066 = arith.addi %mul3A_1064, %add3A_1065 : i32
      %get3A_1067 = arith.index_cast %add3A_1066 : i32 to index
      %get3A_1068 = tpu.vector_load %arg10[%get3A_1067] {strides = array<i32>} : memref<25600xf32, #tpu.memory_space<vmem>>, vector<16xf32>,
      %get3A_1069 = vector.shape_cast %get3A_1068 : vector<16xf32> to vector<16xf32>
      %add3A_1070 = arith.addf %scan3A_1062, %get3A_1069 : vector<16xf32>
      scf.yield %add3A_1070 : vector<16xf32>
    }
    %scan3A_336 = arith.constant 199 : i32
    %add3A_337 = arith.addf %scan3A_335, %get3A_4 : vector<16xf32>
    %neg3A_338 = arith.constant 0.000000e+00 : f32
    %neg3A_339 = vector.broadcast %neg3A_338 : f32 to vector<16xf32>
    %neg3A_340 = arith.subf %neg3A_339, %add3A_337 : vector<16xf32>
    %exp3A_341 = math.exp %neg3A_340 : vector<16xf32>
    %add3A_342 = arith.constant 1.000000e+00 : f32
    %add3A_343 = vector.broadcast %add3A_342 : f32 to vector<16xf32>
    %add3A_344 = arith.addf %add3A_343, %exp3A_341 : vector<16xf32>
    %div3A_345 = arith.constant 1.000000e+00 : f32
    %div3A_346 = vector.broadcast %div3A_345 : f32 to vector<16xf32>
    %div3A_347 = arith.divf %div3A_346, %add3A_344 : vector<16xf32>
    %swap3A_348 = arith.constant 144 : index
    %swap3A_349 = tpu.vector_load %arg11[%swap3A_348] {strides = array<i32>} : memref<512xf32, #tpu.memory_space<vmem>>, vector<16xf32>,
    %swap3A_350 = vector.shape_cast %swap3A_349 : vector<16xf32> to vector<16xf32>
    %swap3A_351 = vector.shape_cast %div3A_347 : vector<16xf32> to vector<16xf32>
    tpu.vector_store %arg11[%swap3A_348], %swap3A_351 {strides = array<i32>} : memref<512xf32, #tpu.memory_space<vmem>>, vector<16xf32>,
    %sub3A_352 = arith.constant 1.000000e+00 : f32
    %sub3A_353 = vector.broadcast %sub3A_352 : f32 to vector<16xf32>
    %sub3A_354 = arith.subf %sub3A_353, %div3A_347 : vector<16xf32>
    %swap3A_355 = arith.constant 144 : index
    %swap3A_356 = tpu.vector_load %arg12[%swap3A_355] {strides = array<i32>} : memref<512xf32, #tpu.memory_space<vmem>>, vector<16xf32>,
    %swap3A_357 = vector.shape_cast %swap3A_356 : vector<16xf32> to vector<16xf32>
    %swap3A_358 = vector.shape_cast %sub3A_354 : vector<16xf32> to vector<16xf32>
    tpu.vector_store %arg12[%swap3A_355], %swap3A_358 {strides = array<i32>} : memref<512xf32, #tpu.memory_space<vmem>>, vector<16xf32>,
    %get3A_359 = arith.constant 32 : index
    %get3A_360 = tpu.vector_load %arg10[%get3A_359] {strides = array<i32>} : memref<25600xf32, #tpu.memory_space<vmem>>, vector<16xf32>,
    %get3A_361 = vector.shape_cast %get3A_360 : vector<16xf32> to vector<16xf32>
    %scan3A_362 = arith.constant 1 : i32
    %scan3A_363 = arith.constant 199 : i32
    %scan3A_364 = arith.addi %scan3A_362, %scan3A_363 : i32
    %scan3A_365 = arith.constant 1 : i32
    %scan3A_366 = scf.for %scan3A_1061 = %scan3A_362 to %scan3A_364 step %scan3A_365 iter_args(%scan3A_1062 = %get3A_361) -> (vector<16xf32>)  : i32 {
      %mul3A_1063 = arith.constant 128 : i32
      %mul3A_1064 = arith.muli %scan3A_1061, %mul3A_1063 : i32
      %add3A_1065 = arith.constant 32 : i32
      %add3A_1066 = arith.addi %mul3A_1064, %add3A_1065 : i32
      %get3A_1067 = arith.index_cast %add3A_1066 : i32 to index
      %get3A_1068 = tpu.vector_load %arg10[%get3A_1067] {strides = array<i32>} : memref<25600xf32, #tpu.memory_space<vmem>>, vector<16xf32>,
      %get3A_1069 = vector.shape_cast %get3A_1068 : vector<16xf32> to vector<16xf32>
      %add3A_1070 = arith.addf %scan3A_1062, %get3A_1069 : vector<16xf32>
      scf.yield %add3A_1070 : vector<16xf32>
    }
    %scan3A_367 = arith.constant 199 : i32
    %add3A_368 = arith.addf %scan3A_366, %get3A_4 : vector<16xf32>
    %neg3A_369 = arith.constant 0.000000e+00 : f32
    %neg3A_370 = vector.broadcast %neg3A_369 : f32 to vector<16xf32>
    %neg3A_371 = arith.subf %neg3A_370, %add3A_368 : vector<16xf32>
    %exp3A_372 = math.exp %neg3A_371 : vector<16xf32>
    %add3A_373 = arith.constant 1.000000e+00 : f32
    %add3A_374 = vector.broadcast %add3A_373 : f32 to vector<16xf32>
    %add3A_375 = arith.addf %add3A_374, %exp3A_372 : vector<16xf32>
    %div3A_376 = arith.constant 1.000000e+00 : f32
    %div3A_377 = vector.broadcast %div3A_376 : f32 to vector<16xf32>
    %div3A_378 = arith.divf %div3A_377, %add3A_375 : vector<16xf32>
    %swap3A_379 = arith.constant 160 : index
    %swap3A_380 = tpu.vector_load %arg11[%swap3A_379] {strides = array<i32>} : memref<512xf32, #tpu.memory_space<vmem>>, vector<16xf32>,
    %swap3A_381 = vector.shape_cast %swap3A_380 : vector<16xf32> to vector<16xf32>
    %swap3A_382 = vector.shape_cast %div3A_378 : vector<16xf32> to vector<16xf32>
    tpu.vector_store %arg11[%swap3A_379], %swap3A_382 {strides = array<i32>} : memref<512xf32, #tpu.memory_space<vmem>>, vector<16xf32>,
    %sub3A_383 = arith.constant 1.000000e+00 : f32
    %sub3A_384 = vector.broadcast %sub3A_383 : f32 to vector<16xf32>
    %sub3A_385 = arith.subf %sub3A_384, %div3A_378 : vector<16xf32>
    %swap3A_386 = arith.constant 160 : index
    %swap3A_387 = tpu.vector_load %arg12[%swap3A_386] {strides = array<i32>} : memref<512xf32, #tpu.memory_space<vmem>>, vector<16xf32>,
    %swap3A_388 = vector.shape_cast %swap3A_387 : vector<16xf32> to vector<16xf32>
    %swap3A_389 = vector.shape_cast %sub3A_385 : vector<16xf32> to vector<16xf32>
    tpu.vector_store %arg12[%swap3A_386], %swap3A_389 {strides = array<i32>} : memref<512xf32, #tpu.memory_space<vmem>>, vector<16xf32>,
    %get3A_390 = arith.constant 48 : index
    %get3A_391 = tpu.vector_load %arg10[%get3A_390] {strides = array<i32>} : memref<25600xf32, #tpu.memory_space<vmem>>, vector<16xf32>,
    %get3A_392 = vector.shape_cast %get3A_391 : vector<16xf32> to vector<16xf32>
    %scan3A_393 = arith.constant 1 : i32
    %scan3A_394 = arith.constant 199 : i32
    %scan3A_395 = arith.addi %scan3A_393, %scan3A_394 : i32
    %scan3A_396 = arith.constant 1 : i32
    %scan3A_397 = scf.for %scan3A_1061 = %scan3A_393 to %scan3A_395 step %scan3A_396 iter_args(%scan3A_1062 = %get3A_392) -> (vector<16xf32>)  : i32 {
      %mul3A_1063 = arith.constant 128 : i32
      %mul3A_1064 = arith.muli %scan3A_1061, %mul3A_1063 : i32
      %add3A_1065 = arith.constant 48 : i32
      %add3A_1066 = arith.addi %mul3A_1064, %add3A_1065 : i32
      %get3A_1067 = arith.index_cast %add3A_1066 : i32 to index
      %get3A_1068 = tpu.vector_load %arg10[%get3A_1067] {strides = array<i32>} : memref<25600xf32, #tpu.memory_space<vmem>>, vector<16xf32>,
      %get3A_1069 = vector.shape_cast %get3A_1068 : vector<16xf32> to vector<16xf32>
      %add3A_1070 = arith.addf %scan3A_1062, %get3A_1069 : vector<16xf32>
      scf.yield %add3A_1070 : vector<16xf32>
    }
    %scan3A_398 = arith.constant 199 : i32
    %add3A_399 = arith.addf %scan3A_397, %get3A_4 : vector<16xf32>
    %neg3A_400 = arith.constant 0.000000e+00 : f32
    %neg3A_401 = vector.broadcast %neg3A_400 : f32 to vector<16xf32>
    %neg3A_402 = arith.subf %neg3A_401, %add3A_399 : vector<16xf32>
    %exp3A_403 = math.exp %neg3A_402 : vector<16xf32>
    %add3A_404 = arith.constant 1.000000e+00 : f32
    %add3A_405 = vector.broadcast %add3A_404 : f32 to vector<16xf32>
    %add3A_406 = arith.addf %add3A_405, %exp3A_403 : vector<16xf32>
    %div3A_407 = arith.constant 1.000000e+00 : f32
    %div3A_408 = vector.broadcast %div3A_407 : f32 to vector<16xf32>
    %div3A_409 = arith.divf %div3A_408, %add3A_406 : vector<16xf32>
    %swap3A_410 = arith.constant 176 : index
    %swap3A_411 = tpu.vector_load %arg11[%swap3A_410] {strides = array<i32>} : memref<512xf32, #tpu.memory_space<vmem>>, vector<16xf32>,
    %swap3A_412 = vector.shape_cast %swap3A_411 : vector<16xf32> to vector<16xf32>
    %swap3A_413 = vector.shape_cast %div3A_409 : vector<16xf32> to vector<16xf32>
    tpu.vector_store %arg11[%swap3A_410], %swap3A_413 {strides = array<i32>} : memref<512xf32, #tpu.memory_space<vmem>>, vector<16xf32>,
    %sub3A_414 = arith.constant 1.000000e+00 : f32
    %sub3A_415 = vector.broadcast %sub3A_414 : f32 to vector<16xf32>
    %sub3A_416 = arith.subf %sub3A_415, %div3A_409 : vector<16xf32>
    %swap3A_417 = arith.constant 176 : index
    %swap3A_418 = tpu.vector_load %arg12[%swap3A_417] {strides = array<i32>} : memref<512xf32, #tpu.memory_space<vmem>>, vector<16xf32>,
    %swap3A_419 = vector.shape_cast %swap3A_418 : vector<16xf32> to vector<16xf32>
    %swap3A_420 = vector.shape_cast %sub3A_416 : vector<16xf32> to vector<16xf32>
    tpu.vector_store %arg12[%swap3A_417], %swap3A_420 {strides = array<i32>} : memref<512xf32, #tpu.memory_space<vmem>>, vector<16xf32>,
    %get3A_421 = arith.constant 64 : index
    %get3A_422 = tpu.vector_load %arg10[%get3A_421] {strides = array<i32>} : memref<25600xf32, #tpu.memory_space<vmem>>, vector<16xf32>,
    %get3A_423 = vector.shape_cast %get3A_422 : vector<16xf32> to vector<16xf32>
    %scan3A_424 = arith.constant 1 : i32
    %scan3A_425 = arith.constant 199 : i32
    %scan3A_426 = arith.addi %scan3A_424, %scan3A_425 : i32
    %scan3A_427 = arith.constant 1 : i32
    %scan3A_428 = scf.for %scan3A_1061 = %scan3A_424 to %scan3A_426 step %scan3A_427 iter_args(%scan3A_1062 = %get3A_423) -> (vector<16xf32>)  : i32 {
      %mul3A_1063 = arith.constant 128 : i32
      %mul3A_1064 = arith.muli %scan3A_1061, %mul3A_1063 : i32
      %add3A_1065 = arith.constant 64 : i32
      %add3A_1066 = arith.addi %mul3A_1064, %add3A_1065 : i32
      %get3A_1067 = arith.index_cast %add3A_1066 : i32 to index
      %get3A_1068 = tpu.vector_load %arg10[%get3A_1067] {strides = array<i32>} : memref<25600xf32, #tpu.memory_space<vmem>>, vector<16xf32>,
      %get3A_1069 = vector.shape_cast %get3A_1068 : vector<16xf32> to vector<16xf32>
      %add3A_1070 = arith.addf %scan3A_1062, %get3A_1069 : vector<16xf32>
      scf.yield %add3A_1070 : vector<16xf32>
    }
    %scan3A_429 = arith.constant 199 : i32
    %add3A_430 = arith.addf %scan3A_428, %get3A_4 : vector<16xf32>
    %neg3A_431 = arith.constant 0.000000e+00 : f32
    %neg3A_432 = vector.broadcast %neg3A_431 : f32 to vector<16xf32>
    %neg3A_433 = arith.subf %neg3A_432, %add3A_430 : vector<16xf32>
    %exp3A_434 = math.exp %neg3A_433 : vector<16xf32>
    %add3A_435 = arith.constant 1.000000e+00 : f32
    %add3A_436 = vector.broadcast %add3A_435 : f32 to vector<16xf32>
    %add3A_437 = arith.addf %add3A_436, %exp3A_434 : vector<16xf32>
    %div3A_438 = arith.constant 1.000000e+00 : f32
    %div3A_439 = vector.broadcast %div3A_438 : f32 to vector<16xf32>
    %div3A_440 = arith.divf %div3A_439, %add3A_437 : vector<16xf32>
    %swap3A_441 = arith.constant 192 : index
    %swap3A_442 = tpu.vector_load %arg11[%swap3A_441] {strides = array<i32>} : memref<512xf32, #tpu.memory_space<vmem>>, vector<16xf32>,
    %swap3A_443 = vector.shape_cast %swap3A_442 : vector<16xf32> to vector<16xf32>
    %swap3A_444 = vector.shape_cast %div3A_440 : vector<16xf32> to vector<16xf32>
    tpu.vector_store %arg11[%swap3A_441], %swap3A_444 {strides = array<i32>} : memref<512xf32, #tpu.memory_space<vmem>>, vector<16xf32>,
    %sub3A_445 = arith.constant 1.000000e+00 : f32
    %sub3A_446 = vector.broadcast %sub3A_445 : f32 to vector<16xf32>
    %sub3A_447 = arith.subf %sub3A_446, %div3A_440 : vector<16xf32>
    %swap3A_448 = arith.constant 192 : index
    %swap3A_449 = tpu.vector_load %arg12[%swap3A_448] {strides = array<i32>} : memref<512xf32, #tpu.memory_space<vmem>>, vector<16xf32>,
    %swap3A_450 = vector.shape_cast %swap3A_449 : vector<16xf32> to vector<16xf32>
    %swap3A_451 = vector.shape_cast %sub3A_447 : vector<16xf32> to vector<16xf32>
    tpu.vector_store %arg12[%swap3A_448], %swap3A_451 {strides = array<i32>} : memref<512xf32, #tpu.memory_space<vmem>>, vector<16xf32>,
    %get3A_452 = arith.constant 80 : index
    %get3A_453 = tpu.vector_load %arg10[%get3A_452] {strides = array<i32>} : memref<25600xf32, #tpu.memory_space<vmem>>, vector<16xf32>,
    %get3A_454 = vector.shape_cast %get3A_453 : vector<16xf32> to vector<16xf32>
    %scan3A_455 = arith.constant 1 : i32
    %scan3A_456 = arith.constant 199 : i32
    %scan3A_457 = arith.addi %scan3A_455, %scan3A_456 : i32
    %scan3A_458 = arith.constant 1 : i32
    %scan3A_459 = scf.for %scan3A_1061 = %scan3A_455 to %scan3A_457 step %scan3A_458 iter_args(%scan3A_1062 = %get3A_454) -> (vector<16xf32>)  : i32 {
      %mul3A_1063 = arith.constant 128 : i32
      %mul3A_1064 = arith.muli %scan3A_1061, %mul3A_1063 : i32
      %add3A_1065 = arith.constant 80 : i32
      %add3A_1066 = arith.addi %mul3A_1064, %add3A_1065 : i32
      %get3A_1067 = arith.index_cast %add3A_1066 : i32 to index
      %get3A_1068 = tpu.vector_load %arg10[%get3A_1067] {strides = array<i32>} : memref<25600xf32, #tpu.memory_space<vmem>>, vector<16xf32>,
      %get3A_1069 = vector.shape_cast %get3A_1068 : vector<16xf32> to vector<16xf32>
      %add3A_1070 = arith.addf %scan3A_1062, %get3A_1069 : vector<16xf32>
      scf.yield %add3A_1070 : vector<16xf32>
    }
    %scan3A_460 = arith.constant 199 : i32
    %add3A_461 = arith.addf %scan3A_459, %get3A_4 : vector<16xf32>
    %neg3A_462 = arith.constant 0.000000e+00 : f32
    %neg3A_463 = vector.broadcast %neg3A_462 : f32 to vector<16xf32>
    %neg3A_464 = arith.subf %neg3A_463, %add3A_461 : vector<16xf32>
    %exp3A_465 = math.exp %neg3A_464 : vector<16xf32>
    %add3A_466 = arith.constant 1.000000e+00 : f32
    %add3A_467 = vector.broadcast %add3A_466 : f32 to vector<16xf32>
    %add3A_468 = arith.addf %add3A_467, %exp3A_465 : vector<16xf32>
    %div3A_469 = arith.constant 1.000000e+00 : f32
    %div3A_470 = vector.broadcast %div3A_469 : f32 to vector<16xf32>
    %div3A_471 = arith.divf %div3A_470, %add3A_468 : vector<16xf32>
    %swap3A_472 = arith.constant 208 : index
    %swap3A_473 = tpu.vector_load %arg11[%swap3A_472] {strides = array<i32>} : memref<512xf32, #tpu.memory_space<vmem>>, vector<16xf32>,
    %swap3A_474 = vector.shape_cast %swap3A_473 : vector<16xf32> to vector<16xf32>
    %swap3A_475 = vector.shape_cast %div3A_471 : vector<16xf32> to vector<16xf32>
    tpu.vector_store %arg11[%swap3A_472], %swap3A_475 {strides = array<i32>} : memref<512xf32, #tpu.memory_space<vmem>>, vector<16xf32>,
    %sub3A_476 = arith.constant 1.000000e+00 : f32
    %sub3A_477 = vector.broadcast %sub3A_476 : f32 to vector<16xf32>
    %sub3A_478 = arith.subf %sub3A_477, %div3A_471 : vector<16xf32>
    %swap3A_479 = arith.constant 208 : index
    %swap3A_480 = tpu.vector_load %arg12[%swap3A_479] {strides = array<i32>} : memref<512xf32, #tpu.memory_space<vmem>>, vector<16xf32>,
    %swap3A_481 = vector.shape_cast %swap3A_480 : vector<16xf32> to vector<16xf32>
    %swap3A_482 = vector.shape_cast %sub3A_478 : vector<16xf32> to vector<16xf32>
    tpu.vector_store %arg12[%swap3A_479], %swap3A_482 {strides = array<i32>} : memref<512xf32, #tpu.memory_space<vmem>>, vector<16xf32>,
    %get3A_483 = arith.constant 96 : index
    %get3A_484 = tpu.vector_load %arg10[%get3A_483] {strides = array<i32>} : memref<25600xf32, #tpu.memory_space<vmem>>, vector<16xf32>,
    %get3A_485 = vector.shape_cast %get3A_484 : vector<16xf32> to vector<16xf32>
    %scan3A_486 = arith.constant 1 : i32
    %scan3A_487 = arith.constant 199 : i32
    %scan3A_488 = arith.addi %scan3A_486, %scan3A_487 : i32
    %scan3A_489 = arith.constant 1 : i32
    %scan3A_490 = scf.for %scan3A_1061 = %scan3A_486 to %scan3A_488 step %scan3A_489 iter_args(%scan3A_1062 = %get3A_485) -> (vector<16xf32>)  : i32 {
      %mul3A_1063 = arith.constant 128 : i32
      %mul3A_1064 = arith.muli %scan3A_1061, %mul3A_1063 : i32
      %add3A_1065 = arith.constant 96 : i32
      %add3A_1066 = arith.addi %mul3A_1064, %add3A_1065 : i32
      %get3A_1067 = arith.index_cast %add3A_1066 : i32 to index
      %get3A_1068 = tpu.vector_load %arg10[%get3A_1067] {strides = array<i32>} : memref<25600xf32, #tpu.memory_space<vmem>>, vector<16xf32>,
      %get3A_1069 = vector.shape_cast %get3A_1068 : vector<16xf32> to vector<16xf32>
      %add3A_1070 = arith.addf %scan3A_1062, %get3A_1069 : vector<16xf32>
      scf.yield %add3A_1070 : vector<16xf32>
    }
    %scan3A_491 = arith.constant 199 : i32
    %add3A_492 = arith.addf %scan3A_490, %get3A_4 : vector<16xf32>
    %neg3A_493 = arith.constant 0.000000e+00 : f32
    %neg3A_494 = vector.broadcast %neg3A_493 : f32 to vector<16xf32>
    %neg3A_495 = arith.subf %neg3A_494, %add3A_492 : vector<16xf32>
    %exp3A_496 = math.exp %neg3A_495 : vector<16xf32>
    %add3A_497 = arith.constant 1.000000e+00 : f32
    %add3A_498 = vector.broadcast %add3A_497 : f32 to vector<16xf32>
    %add3A_499 = arith.addf %add3A_498, %exp3A_496 : vector<16xf32>
    %div3A_500 = arith.constant 1.000000e+00 : f32
    %div3A_501 = vector.broadcast %div3A_500 : f32 to vector<16xf32>
    %div3A_502 = arith.divf %div3A_501, %add3A_499 : vector<16xf32>
    %swap3A_503 = arith.constant 224 : index
    %swap3A_504 = tpu.vector_load %arg11[%swap3A_503] {strides = array<i32>} : memref<512xf32, #tpu.memory_space<vmem>>, vector<16xf32>,
    %swap3A_505 = vector.shape_cast %swap3A_504 : vector<16xf32> to vector<16xf32>
    %swap3A_506 = vector.shape_cast %div3A_502 : vector<16xf32> to vector<16xf32>
    tpu.vector_store %arg11[%swap3A_503], %swap3A_506 {strides = array<i32>} : memref<512xf32, #tpu.memory_space<vmem>>, vector<16xf32>,
    %sub3A_507 = arith.constant 1.000000e+00 : f32
    %sub3A_508 = vector.broadcast %sub3A_507 : f32 to vector<16xf32>
    %sub3A_509 = arith.subf %sub3A_508, %div3A_502 : vector<16xf32>
    %swap3A_510 = arith.constant 224 : index
    %swap3A_511 = tpu.vector_load %arg12[%swap3A_510] {strides = array<i32>} : memref<512xf32, #tpu.memory_space<vmem>>, vector<16xf32>,
    %swap3A_512 = vector.shape_cast %swap3A_511 : vector<16xf32> to vector<16xf32>
    %swap3A_513 = vector.shape_cast %sub3A_509 : vector<16xf32> to vector<16xf32>
    tpu.vector_store %arg12[%swap3A_510], %swap3A_513 {strides = array<i32>} : memref<512xf32, #tpu.memory_space<vmem>>, vector<16xf32>,
    %get3A_514 = arith.constant 112 : index
    %get3A_515 = tpu.vector_load %arg10[%get3A_514] {strides = array<i32>} : memref<25600xf32, #tpu.memory_space<vmem>>, vector<16xf32>,
    %get3A_516 = vector.shape_cast %get3A_515 : vector<16xf32> to vector<16xf32>
    %scan3A_517 = arith.constant 1 : i32
    %scan3A_518 = arith.constant 199 : i32
    %scan3A_519 = arith.addi %scan3A_517, %scan3A_518 : i32
    %scan3A_520 = arith.constant 1 : i32
    %scan3A_521 = scf.for %scan3A_1061 = %scan3A_517 to %scan3A_519 step %scan3A_520 iter_args(%scan3A_1062 = %get3A_516) -> (vector<16xf32>)  : i32 {
      %mul3A_1063 = arith.constant 128 : i32
      %mul3A_1064 = arith.muli %scan3A_1061, %mul3A_1063 : i32
      %add3A_1065 = arith.constant 112 : i32
      %add3A_1066 = arith.addi %mul3A_1064, %add3A_1065 : i32
      %get3A_1067 = arith.index_cast %add3A_1066 : i32 to index
      %get3A_1068 = tpu.vector_load %arg10[%get3A_1067] {strides = array<i32>} : memref<25600xf32, #tpu.memory_space<vmem>>, vector<16xf32>,
      %get3A_1069 = vector.shape_cast %get3A_1068 : vector<16xf32> to vector<16xf32>
      %add3A_1070 = arith.addf %scan3A_1062, %get3A_1069 : vector<16xf32>
      scf.yield %add3A_1070 : vector<16xf32>
    }
    %scan3A_522 = arith.constant 199 : i32
    %add3A_523 = arith.addf %scan3A_521, %get3A_4 : vector<16xf32>
    %neg3A_524 = arith.constant 0.000000e+00 : f32
    %neg3A_525 = vector.broadcast %neg3A_524 : f32 to vector<16xf32>
    %neg3A_526 = arith.subf %neg3A_525, %add3A_523 : vector<16xf32>
    %exp3A_527 = math.exp %neg3A_526 : vector<16xf32>
    %add3A_528 = arith.constant 1.000000e+00 : f32
    %add3A_529 = vector.broadcast %add3A_528 : f32 to vector<16xf32>
    %add3A_530 = arith.addf %add3A_529, %exp3A_527 : vector<16xf32>
    %div3A_531 = arith.constant 1.000000e+00 : f32
    %div3A_532 = vector.broadcast %div3A_531 : f32 to vector<16xf32>
    %div3A_533 = arith.divf %div3A_532, %add3A_530 : vector<16xf32>
    %swap3A_534 = arith.constant 240 : index
    %swap3A_535 = tpu.vector_load %arg11[%swap3A_534] {strides = array<i32>} : memref<512xf32, #tpu.memory_space<vmem>>, vector<16xf32>,
    %swap3A_536 = vector.shape_cast %swap3A_535 : vector<16xf32> to vector<16xf32>
    %swap3A_537 = vector.shape_cast %div3A_533 : vector<16xf32> to vector<16xf32>
    tpu.vector_store %arg11[%swap3A_534], %swap3A_537 {strides = array<i32>} : memref<512xf32, #tpu.memory_space<vmem>>, vector<16xf32>,
    %sub3A_538 = arith.constant 1.000000e+00 : f32
    %sub3A_539 = vector.broadcast %sub3A_538 : f32 to vector<16xf32>
    %sub3A_540 = arith.subf %sub3A_539, %div3A_533 : vector<16xf32>
    %swap3A_541 = arith.constant 240 : index
    %swap3A_542 = tpu.vector_load %arg12[%swap3A_541] {strides = array<i32>} : memref<512xf32, #tpu.memory_space<vmem>>, vector<16xf32>,
    %swap3A_543 = vector.shape_cast %swap3A_542 : vector<16xf32> to vector<16xf32>
    %swap3A_544 = vector.shape_cast %sub3A_540 : vector<16xf32> to vector<16xf32>
    tpu.vector_store %arg12[%swap3A_541], %swap3A_544 {strides = array<i32>} : memref<512xf32, #tpu.memory_space<vmem>>, vector<16xf32>,
    %add3A_545 = arith.constant 384 : i32
    %add3A_546 = arith.addi %mul3A_2, %add3A_545 : i32
    %scan3A_547 = arith.constant 0 : i32
    %scan3A_548 = arith.constant 0 : i32
    %scan3A_549 = arith.constant 50 : i32
    %scan3A_550 = arith.addi %scan3A_548, %scan3A_549 : i32
    %scan3A_551 = arith.constant 1 : i32
    scf.for %scan3A_1061 = %scan3A_548 to %scan3A_550 step %scan3A_551  : i32 {
      %mul3A_1062 = arith.constant 4 : i32
      %mul3A_1063 = arith.muli %scan3A_1061, %mul3A_1062 : i32
      %add3A_1064 = arith.constant 0 : i32
      %add3A_1065 = arith.addi %mul3A_1063, %add3A_1064 : i32
      %mul3A_1066 = arith.constant 128 : i32
      %mul3A_1067 = arith.muli %add3A_1065, %mul3A_1066 : i32
      %dma_start3A_1068 = tpu.memref_slice %arg8[%mul3A_1067] : memref<25600xi32, #tpu.memory_space<vmem>> -> memref<128xi32, #tpu.memory_space<vmem>>
      %dma_start3A_1069 = tpu.memref_slice %arg2[%add3A_1065, %add3A_546] : memref<200x16384xi32, #tpu.memory_space<hbm>> -> memref<1x128xi32, #tpu.memory_space<hbm>>
      %dma_start3A_1070 = tpu.memref_squeeze %dma_start3A_1069 : memref<1x128xi32, #tpu.memory_space<hbm>> -> memref<128xi32, #tpu.memory_space<hbm>>
      %dma_start3A_1071 = tpu.memref_slice %arg8[%mul3A_1067] : memref<25600xi32, #tpu.memory_space<vmem>> -> memref<128xi32, #tpu.memory_space<vmem>>
      %dma_start3A_1072 = tpu.memref_slice %arg2[%add3A_1065, %add3A_546] : memref<200x16384xi32, #tpu.memory_space<hbm>> -> memref<1x128xi32, #tpu.memory_space<hbm>>
      %dma_start3A_1073 = tpu.memref_squeeze %dma_start3A_1072 : memref<1x128xi32, #tpu.memory_space<hbm>> -> memref<128xi32, #tpu.memory_space<hbm>>
      tpu.enqueue_dma source(%dma_start3A_1073 : memref<128xi32, #tpu.memory_space<hbm>>) target(%dma_start3A_1071 : memref<128xi32, #tpu.memory_space<vmem>>) target_semaphore(%arg17 : memref<!tpu.dma_semaphore, #tpu.memory_space<semaphore_mem>>)
      %mul3A_1074 = arith.constant 4 : i32
      %mul3A_1075 = arith.muli %scan3A_1061, %mul3A_1074 : i32
      %add3A_1076 = arith.constant 1 : i32
      %add3A_1077 = arith.addi %mul3A_1075, %add3A_1076 : i32
      %mul3A_1078 = arith.constant 128 : i32
      %mul3A_1079 = arith.muli %add3A_1077, %mul3A_1078 : i32
      %dma_start3A_1080 = tpu.memref_slice %arg8[%mul3A_1079] : memref<25600xi32, #tpu.memory_space<vmem>> -> memref<128xi32, #tpu.memory_space<vmem>>
      %dma_start3A_1081 = tpu.memref_slice %arg2[%add3A_1077, %add3A_546] : memref<200x16384xi32, #tpu.memory_space<hbm>> -> memref<1x128xi32, #tpu.memory_space<hbm>>
      %dma_start3A_1082 = tpu.memref_squeeze %dma_start3A_1081 : memref<1x128xi32, #tpu.memory_space<hbm>> -> memref<128xi32, #tpu.memory_space<hbm>>
      %dma_start3A_1083 = tpu.memref_slice %arg8[%mul3A_1079] : memref<25600xi32, #tpu.memory_space<vmem>> -> memref<128xi32, #tpu.memory_space<vmem>>
      %dma_start3A_1084 = tpu.memref_slice %arg2[%add3A_1077, %add3A_546] : memref<200x16384xi32, #tpu.memory_space<hbm>> -> memref<1x128xi32, #tpu.memory_space<hbm>>
      %dma_start3A_1085 = tpu.memref_squeeze %dma_start3A_1084 : memref<1x128xi32, #tpu.memory_space<hbm>> -> memref<128xi32, #tpu.memory_space<hbm>>
      tpu.enqueue_dma source(%dma_start3A_1085 : memref<128xi32, #tpu.memory_space<hbm>>) target(%dma_start3A_1083 : memref<128xi32, #tpu.memory_space<vmem>>) target_semaphore(%arg17 : memref<!tpu.dma_semaphore, #tpu.memory_space<semaphore_mem>>)
      %mul3A_1086 = arith.constant 4 : i32
      %mul3A_1087 = arith.muli %scan3A_1061, %mul3A_1086 : i32
      %add3A_1088 = arith.constant 2 : i32
      %add3A_1089 = arith.addi %mul3A_1087, %add3A_1088 : i32
      %mul3A_1090 = arith.constant 128 : i32
      %mul3A_1091 = arith.muli %add3A_1089, %mul3A_1090 : i32
      %dma_start3A_1092 = tpu.memref_slice %arg8[%mul3A_1091] : memref<25600xi32, #tpu.memory_space<vmem>> -> memref<128xi32, #tpu.memory_space<vmem>>
      %dma_start3A_1093 = tpu.memref_slice %arg2[%add3A_1089, %add3A_546] : memref<200x16384xi32, #tpu.memory_space<hbm>> -> memref<1x128xi32, #tpu.memory_space<hbm>>
      %dma_start3A_1094 = tpu.memref_squeeze %dma_start3A_1093 : memref<1x128xi32, #tpu.memory_space<hbm>> -> memref<128xi32, #tpu.memory_space<hbm>>
      %dma_start3A_1095 = tpu.memref_slice %arg8[%mul3A_1091] : memref<25600xi32, #tpu.memory_space<vmem>> -> memref<128xi32, #tpu.memory_space<vmem>>
      %dma_start3A_1096 = tpu.memref_slice %arg2[%add3A_1089, %add3A_546] : memref<200x16384xi32, #tpu.memory_space<hbm>> -> memref<1x128xi32, #tpu.memory_space<hbm>>
      %dma_start3A_1097 = tpu.memref_squeeze %dma_start3A_1096 : memref<1x128xi32, #tpu.memory_space<hbm>> -> memref<128xi32, #tpu.memory_space<hbm>>
      tpu.enqueue_dma source(%dma_start3A_1097 : memref<128xi32, #tpu.memory_space<hbm>>) target(%dma_start3A_1095 : memref<128xi32, #tpu.memory_space<vmem>>) target_semaphore(%arg17 : memref<!tpu.dma_semaphore, #tpu.memory_space<semaphore_mem>>)
      %mul3A_1098 = arith.constant 4 : i32
      %mul3A_1099 = arith.muli %scan3A_1061, %mul3A_1098 : i32
      %add3A_1100 = arith.constant 3 : i32
      %add3A_1101 = arith.addi %mul3A_1099, %add3A_1100 : i32
      %mul3A_1102 = arith.constant 128 : i32
      %mul3A_1103 = arith.muli %add3A_1101, %mul3A_1102 : i32
      %dma_start3A_1104 = tpu.memref_slice %arg8[%mul3A_1103] : memref<25600xi32, #tpu.memory_space<vmem>> -> memref<128xi32, #tpu.memory_space<vmem>>
      %dma_start3A_1105 = tpu.memref_slice %arg2[%add3A_1101, %add3A_546] : memref<200x16384xi32, #tpu.memory_space<hbm>> -> memref<1x128xi32, #tpu.memory_space<hbm>>
      %dma_start3A_1106 = tpu.memref_squeeze %dma_start3A_1105 : memref<1x128xi32, #tpu.memory_space<hbm>> -> memref<128xi32, #tpu.memory_space<hbm>>
      %dma_start3A_1107 = tpu.memref_slice %arg8[%mul3A_1103] : memref<25600xi32, #tpu.memory_space<vmem>> -> memref<128xi32, #tpu.memory_space<vmem>>
      %dma_start3A_1108 = tpu.memref_slice %arg2[%add3A_1101, %add3A_546] : memref<200x16384xi32, #tpu.memory_space<hbm>> -> memref<1x128xi32, #tpu.memory_space<hbm>>
      %dma_start3A_1109 = tpu.memref_squeeze %dma_start3A_1108 : memref<1x128xi32, #tpu.memory_space<hbm>> -> memref<128xi32, #tpu.memory_space<hbm>>
      tpu.enqueue_dma source(%dma_start3A_1109 : memref<128xi32, #tpu.memory_space<hbm>>) target(%dma_start3A_1107 : memref<128xi32, #tpu.memory_space<vmem>>) target_semaphore(%arg17 : memref<!tpu.dma_semaphore, #tpu.memory_space<semaphore_mem>>)
    }
    %scan3A_552 = arith.constant 50 : i32
    %scan3A_553 = arith.constant 0 : i32
    %scan3A_554 = arith.constant 0 : i32
    %scan3A_555 = arith.constant 50 : i32
    %scan3A_556 = arith.addi %scan3A_554, %scan3A_555 : i32
    %scan3A_557 = arith.constant 1 : i32
    scf.for %scan3A_1061 = %scan3A_554 to %scan3A_556 step %scan3A_557  : i32 {
      %mul3A_1062 = arith.constant 4 : i32
      %mul3A_1063 = arith.muli %scan3A_1061, %mul3A_1062 : i32
      %add3A_1064 = arith.constant 0 : i32
      %add3A_1065 = arith.addi %mul3A_1063, %add3A_1064 : i32
      %mul3A_1066 = arith.constant 128 : i32
      %mul3A_1067 = arith.muli %add3A_1065, %mul3A_1066 : i32
      %dma_wait3A_1068 = tpu.memref_slice %arg8[%mul3A_1067] : memref<25600xi32, #tpu.memory_space<vmem>> -> memref<128xi32, #tpu.memory_space<vmem>>
      %dma_wait3A_1069 = tpu.memref_slice %arg2[%add3A_1065, %add3A_546] : memref<200x16384xi32, #tpu.memory_space<hbm>> -> memref<1x128xi32, #tpu.memory_space<hbm>>
      %dma_wait3A_1070 = tpu.memref_squeeze %dma_wait3A_1069 : memref<1x128xi32, #tpu.memory_space<hbm>> -> memref<128xi32, #tpu.memory_space<hbm>>
      %dma_wait3A_1071 = tpu.memref_slice %arg8[%mul3A_1067] : memref<25600xi32, #tpu.memory_space<vmem>> -> memref<128xi32, #tpu.memory_space<vmem>>
      %dma_wait3A_1072 = tpu.memref_slice %arg2[%add3A_1065, %add3A_546] : memref<200x16384xi32, #tpu.memory_space<hbm>> -> memref<1x128xi32, #tpu.memory_space<hbm>>
      %dma_wait3A_1073 = tpu.memref_squeeze %dma_wait3A_1072 : memref<1x128xi32, #tpu.memory_space<hbm>> -> memref<128xi32, #tpu.memory_space<hbm>>
      tpu.wait_dma2 semaphore(%arg17 : memref<!tpu.dma_semaphore, #tpu.memory_space<semaphore_mem>>) src(%dma_wait3A_1073 : memref<128xi32, #tpu.memory_space<hbm>>) dst(%dma_wait3A_1071 : memref<128xi32, #tpu.memory_space<vmem>>)
      %mul3A_1074 = arith.constant 4 : i32
      %mul3A_1075 = arith.muli %scan3A_1061, %mul3A_1074 : i32
      %add3A_1076 = arith.constant 1 : i32
      %add3A_1077 = arith.addi %mul3A_1075, %add3A_1076 : i32
      %mul3A_1078 = arith.constant 128 : i32
      %mul3A_1079 = arith.muli %add3A_1077, %mul3A_1078 : i32
      %dma_wait3A_1080 = tpu.memref_slice %arg8[%mul3A_1079] : memref<25600xi32, #tpu.memory_space<vmem>> -> memref<128xi32, #tpu.memory_space<vmem>>
      %dma_wait3A_1081 = tpu.memref_slice %arg2[%add3A_1077, %add3A_546] : memref<200x16384xi32, #tpu.memory_space<hbm>> -> memref<1x128xi32, #tpu.memory_space<hbm>>
      %dma_wait3A_1082 = tpu.memref_squeeze %dma_wait3A_1081 : memref<1x128xi32, #tpu.memory_space<hbm>> -> memref<128xi32, #tpu.memory_space<hbm>>
      %dma_wait3A_1083 = tpu.memref_slice %arg8[%mul3A_1079] : memref<25600xi32, #tpu.memory_space<vmem>> -> memref<128xi32, #tpu.memory_space<vmem>>
      %dma_wait3A_1084 = tpu.memref_slice %arg2[%add3A_1077, %add3A_546] : memref<200x16384xi32, #tpu.memory_space<hbm>> -> memref<1x128xi32, #tpu.memory_space<hbm>>
      %dma_wait3A_1085 = tpu.memref_squeeze %dma_wait3A_1084 : memref<1x128xi32, #tpu.memory_space<hbm>> -> memref<128xi32, #tpu.memory_space<hbm>>
      tpu.wait_dma2 semaphore(%arg17 : memref<!tpu.dma_semaphore, #tpu.memory_space<semaphore_mem>>) src(%dma_wait3A_1085 : memref<128xi32, #tpu.memory_space<hbm>>) dst(%dma_wait3A_1083 : memref<128xi32, #tpu.memory_space<vmem>>)
      %mul3A_1086 = arith.constant 4 : i32
      %mul3A_1087 = arith.muli %scan3A_1061, %mul3A_1086 : i32
      %add3A_1088 = arith.constant 2 : i32
      %add3A_1089 = arith.addi %mul3A_1087, %add3A_1088 : i32
      %mul3A_1090 = arith.constant 128 : i32
      %mul3A_1091 = arith.muli %add3A_1089, %mul3A_1090 : i32
      %dma_wait3A_1092 = tpu.memref_slice %arg8[%mul3A_1091] : memref<25600xi32, #tpu.memory_space<vmem>> -> memref<128xi32, #tpu.memory_space<vmem>>
      %dma_wait3A_1093 = tpu.memref_slice %arg2[%add3A_1089, %add3A_546] : memref<200x16384xi32, #tpu.memory_space<hbm>> -> memref<1x128xi32, #tpu.memory_space<hbm>>
      %dma_wait3A_1094 = tpu.memref_squeeze %dma_wait3A_1093 : memref<1x128xi32, #tpu.memory_space<hbm>> -> memref<128xi32, #tpu.memory_space<hbm>>
      %dma_wait3A_1095 = tpu.memref_slice %arg8[%mul3A_1091] : memref<25600xi32, #tpu.memory_space<vmem>> -> memref<128xi32, #tpu.memory_space<vmem>>
      %dma_wait3A_1096 = tpu.memref_slice %arg2[%add3A_1089, %add3A_546] : memref<200x16384xi32, #tpu.memory_space<hbm>> -> memref<1x128xi32, #tpu.memory_space<hbm>>
      %dma_wait3A_1097 = tpu.memref_squeeze %dma_wait3A_1096 : memref<1x128xi32, #tpu.memory_space<hbm>> -> memref<128xi32, #tpu.memory_space<hbm>>
      tpu.wait_dma2 semaphore(%arg17 : memref<!tpu.dma_semaphore, #tpu.memory_space<semaphore_mem>>) src(%dma_wait3A_1097 : memref<128xi32, #tpu.memory_space<hbm>>) dst(%dma_wait3A_1095 : memref<128xi32, #tpu.memory_space<vmem>>)
      %mul3A_1098 = arith.constant 4 : i32
      %mul3A_1099 = arith.muli %scan3A_1061, %mul3A_1098 : i32
      %add3A_1100 = arith.constant 3 : i32
      %add3A_1101 = arith.addi %mul3A_1099, %add3A_1100 : i32
      %mul3A_1102 = arith.constant 128 : i32
      %mul3A_1103 = arith.muli %add3A_1101, %mul3A_1102 : i32
      %dma_wait3A_1104 = tpu.memref_slice %arg8[%mul3A_1103] : memref<25600xi32, #tpu.memory_space<vmem>> -> memref<128xi32, #tpu.memory_space<vmem>>
      %dma_wait3A_1105 = tpu.memref_slice %arg2[%add3A_1101, %add3A_546] : memref<200x16384xi32, #tpu.memory_space<hbm>> -> memref<1x128xi32, #tpu.memory_space<hbm>>
      %dma_wait3A_1106 = tpu.memref_squeeze %dma_wait3A_1105 : memref<1x128xi32, #tpu.memory_space<hbm>> -> memref<128xi32, #tpu.memory_space<hbm>>
      %dma_wait3A_1107 = tpu.memref_slice %arg8[%mul3A_1103] : memref<25600xi32, #tpu.memory_space<vmem>> -> memref<128xi32, #tpu.memory_space<vmem>>
      %dma_wait3A_1108 = tpu.memref_slice %arg2[%add3A_1101, %add3A_546] : memref<200x16384xi32, #tpu.memory_space<hbm>> -> memref<1x128xi32, #tpu.memory_space<hbm>>
      %dma_wait3A_1109 = tpu.memref_squeeze %dma_wait3A_1108 : memref<1x128xi32, #tpu.memory_space<hbm>> -> memref<128xi32, #tpu.memory_space<hbm>>
      tpu.wait_dma2 semaphore(%arg17 : memref<!tpu.dma_semaphore, #tpu.memory_space<semaphore_mem>>) src(%dma_wait3A_1109 : memref<128xi32, #tpu.memory_space<hbm>>) dst(%dma_wait3A_1107 : memref<128xi32, #tpu.memory_space<vmem>>)
    }
    %scan3A_558 = arith.constant 50 : i32
    %dma_start3A_559 = arith.constant 0 : i32
    %dma_start3A_560 = tpu.memref_slice %arg3[%dma_start3A_559] : memref<1000000xf32, #tpu.memory_space<hbm>> -> memref<1000000xf32, #tpu.memory_space<hbm>>
    tpu.enqueue_indirect_dma source(%dma_start3A_560 : memref<1000000xf32, #tpu.memory_space<hbm>>) target(%arg10 : memref<25600xf32, #tpu.memory_space<vmem>>) offsets(%arg8 : memref<25600xi32, #tpu.memory_space<vmem>>) semaphore(%arg15 : memref<!tpu.dma_semaphore, #tpu.memory_space<semaphore_mem>>)
    %dma_wait3A_561 = arith.constant 0 : i32
    %dma_wait3A_562 = tpu.memref_slice %arg3[%dma_wait3A_561] : memref<1000000xf32, #tpu.memory_space<hbm>> -> memref<1000000xf32, #tpu.memory_space<hbm>>
    tpu.wait_indirect_dma semaphore(%arg14 : memref<!tpu.dma_semaphore, #tpu.memory_space<semaphore_mem>>) src(%dma_wait3A_562 : memref<1000000xf32, #tpu.memory_space<hbm>>) dst(%arg9 : memref<25600xf32, #tpu.memory_space<vmem>>)
    %get3A_563 = arith.constant 0 : index
    %get3A_564 = tpu.vector_load %arg9[%get3A_563] {strides = array<i32>} : memref<25600xf32, #tpu.memory_space<vmem>>, vector<16xf32>,
    %get3A_565 = vector.shape_cast %get3A_564 : vector<16xf32> to vector<16xf32>
    %scan3A_566 = arith.constant 1 : i32
    %scan3A_567 = arith.constant 199 : i32
    %scan3A_568 = arith.addi %scan3A_566, %scan3A_567 : i32
    %scan3A_569 = arith.constant 1 : i32
    %scan3A_570 = scf.for %scan3A_1061 = %scan3A_566 to %scan3A_568 step %scan3A_569 iter_args(%scan3A_1062 = %get3A_565) -> (vector<16xf32>)  : i32 {
      %mul3A_1063 = arith.constant 128 : i32
      %mul3A_1064 = arith.muli %scan3A_1061, %mul3A_1063 : i32
      %add3A_1065 = arith.constant 0 : i32
      %add3A_1066 = arith.addi %mul3A_1064, %add3A_1065 : i32
      %get3A_1067 = arith.index_cast %add3A_1066 : i32 to index
      %get3A_1068 = tpu.vector_load %arg9[%get3A_1067] {strides = array<i32>} : memref<25600xf32, #tpu.memory_space<vmem>>, vector<16xf32>,
      %get3A_1069 = vector.shape_cast %get3A_1068 : vector<16xf32> to vector<16xf32>
      %add3A_1070 = arith.addf %scan3A_1062, %get3A_1069 : vector<16xf32>
      scf.yield %add3A_1070 : vector<16xf32>
    }
    %scan3A_571 = arith.constant 199 : i32
    %add3A_572 = arith.addf %scan3A_570, %get3A_4 : vector<16xf32>
    %neg3A_573 = arith.constant 0.000000e+00 : f32
    %neg3A_574 = vector.broadcast %neg3A_573 : f32 to vector<16xf32>
    %neg3A_575 = arith.subf %neg3A_574, %add3A_572 : vector<16xf32>
    %exp3A_576 = math.exp %neg3A_575 : vector<16xf32>
    %add3A_577 = arith.constant 1.000000e+00 : f32
    %add3A_578 = vector.broadcast %add3A_577 : f32 to vector<16xf32>
    %add3A_579 = arith.addf %add3A_578, %exp3A_576 : vector<16xf32>
    %div3A_580 = arith.constant 1.000000e+00 : f32
    %div3A_581 = vector.broadcast %div3A_580 : f32 to vector<16xf32>
    %div3A_582 = arith.divf %div3A_581, %add3A_579 : vector<16xf32>
    %swap3A_583 = arith.constant 256 : index
    %swap3A_584 = tpu.vector_load %arg11[%swap3A_583] {strides = array<i32>} : memref<512xf32, #tpu.memory_space<vmem>>, vector<16xf32>,
    %swap3A_585 = vector.shape_cast %swap3A_584 : vector<16xf32> to vector<16xf32>
    %swap3A_586 = vector.shape_cast %div3A_582 : vector<16xf32> to vector<16xf32>
    tpu.vector_store %arg11[%swap3A_583], %swap3A_586 {strides = array<i32>} : memref<512xf32, #tpu.memory_space<vmem>>, vector<16xf32>,
    %sub3A_587 = arith.constant 1.000000e+00 : f32
    %sub3A_588 = vector.broadcast %sub3A_587 : f32 to vector<16xf32>
    %sub3A_589 = arith.subf %sub3A_588, %div3A_582 : vector<16xf32>
    %swap3A_590 = arith.constant 256 : index
    %swap3A_591 = tpu.vector_load %arg12[%swap3A_590] {strides = array<i32>} : memref<512xf32, #tpu.memory_space<vmem>>, vector<16xf32>,
    %swap3A_592 = vector.shape_cast %swap3A_591 : vector<16xf32> to vector<16xf32>
    %swap3A_593 = vector.shape_cast %sub3A_589 : vector<16xf32> to vector<16xf32>
    tpu.vector_store %arg12[%swap3A_590], %swap3A_593 {strides = array<i32>} : memref<512xf32, #tpu.memory_space<vmem>>, vector<16xf32>,
    %get3A_594 = arith.constant 16 : index
    %get3A_595 = tpu.vector_load %arg9[%get3A_594] {strides = array<i32>} : memref<25600xf32, #tpu.memory_space<vmem>>, vector<16xf32>,
    %get3A_596 = vector.shape_cast %get3A_595 : vector<16xf32> to vector<16xf32>
    %scan3A_597 = arith.constant 1 : i32
    %scan3A_598 = arith.constant 199 : i32
    %scan3A_599 = arith.addi %scan3A_597, %scan3A_598 : i32
    %scan3A_600 = arith.constant 1 : i32
    %scan3A_601 = scf.for %scan3A_1061 = %scan3A_597 to %scan3A_599 step %scan3A_600 iter_args(%scan3A_1062 = %get3A_596) -> (vector<16xf32>)  : i32 {
      %mul3A_1063 = arith.constant 128 : i32
      %mul3A_1064 = arith.muli %scan3A_1061, %mul3A_1063 : i32
      %add3A_1065 = arith.constant 16 : i32
      %add3A_1066 = arith.addi %mul3A_1064, %add3A_1065 : i32
      %get3A_1067 = arith.index_cast %add3A_1066 : i32 to index
      %get3A_1068 = tpu.vector_load %arg9[%get3A_1067] {strides = array<i32>} : memref<25600xf32, #tpu.memory_space<vmem>>, vector<16xf32>,
      %get3A_1069 = vector.shape_cast %get3A_1068 : vector<16xf32> to vector<16xf32>
      %add3A_1070 = arith.addf %scan3A_1062, %get3A_1069 : vector<16xf32>
      scf.yield %add3A_1070 : vector<16xf32>
    }
    %scan3A_602 = arith.constant 199 : i32
    %add3A_603 = arith.addf %scan3A_601, %get3A_4 : vector<16xf32>
    %neg3A_604 = arith.constant 0.000000e+00 : f32
    %neg3A_605 = vector.broadcast %neg3A_604 : f32 to vector<16xf32>
    %neg3A_606 = arith.subf %neg3A_605, %add3A_603 : vector<16xf32>
    %exp3A_607 = math.exp %neg3A_606 : vector<16xf32>
    %add3A_608 = arith.constant 1.000000e+00 : f32
    %add3A_609 = vector.broadcast %add3A_608 : f32 to vector<16xf32>
    %add3A_610 = arith.addf %add3A_609, %exp3A_607 : vector<16xf32>
    %div3A_611 = arith.constant 1.000000e+00 : f32
    %div3A_612 = vector.broadcast %div3A_611 : f32 to vector<16xf32>
    %div3A_613 = arith.divf %div3A_612, %add3A_610 : vector<16xf32>
    %swap3A_614 = arith.constant 272 : index
    %swap3A_615 = tpu.vector_load %arg11[%swap3A_614] {strides = array<i32>} : memref<512xf32, #tpu.memory_space<vmem>>, vector<16xf32>,
    %swap3A_616 = vector.shape_cast %swap3A_615 : vector<16xf32> to vector<16xf32>
    %swap3A_617 = vector.shape_cast %div3A_613 : vector<16xf32> to vector<16xf32>
    tpu.vector_store %arg11[%swap3A_614], %swap3A_617 {strides = array<i32>} : memref<512xf32, #tpu.memory_space<vmem>>, vector<16xf32>,
    %sub3A_618 = arith.constant 1.000000e+00 : f32
    %sub3A_619 = vector.broadcast %sub3A_618 : f32 to vector<16xf32>
    %sub3A_620 = arith.subf %sub3A_619, %div3A_613 : vector<16xf32>
    %swap3A_621 = arith.constant 272 : index
    %swap3A_622 = tpu.vector_load %arg12[%swap3A_621] {strides = array<i32>} : memref<512xf32, #tpu.memory_space<vmem>>, vector<16xf32>,
    %swap3A_623 = vector.shape_cast %swap3A_622 : vector<16xf32> to vector<16xf32>
    %swap3A_624 = vector.shape_cast %sub3A_620 : vector<16xf32> to vector<16xf32>
    tpu.vector_store %arg12[%swap3A_621], %swap3A_624 {strides = array<i32>} : memref<512xf32, #tpu.memory_space<vmem>>, vector<16xf32>,
    %get3A_625 = arith.constant 32 : index
    %get3A_626 = tpu.vector_load %arg9[%get3A_625] {strides = array<i32>} : memref<25600xf32, #tpu.memory_space<vmem>>, vector<16xf32>,
    %get3A_627 = vector.shape_cast %get3A_626 : vector<16xf32> to vector<16xf32>
    %scan3A_628 = arith.constant 1 : i32
    %scan3A_629 = arith.constant 199 : i32
    %scan3A_630 = arith.addi %scan3A_628, %scan3A_629 : i32
    %scan3A_631 = arith.constant 1 : i32
    %scan3A_632 = scf.for %scan3A_1061 = %scan3A_628 to %scan3A_630 step %scan3A_631 iter_args(%scan3A_1062 = %get3A_627) -> (vector<16xf32>)  : i32 {
      %mul3A_1063 = arith.constant 128 : i32
      %mul3A_1064 = arith.muli %scan3A_1061, %mul3A_1063 : i32
      %add3A_1065 = arith.constant 32 : i32
      %add3A_1066 = arith.addi %mul3A_1064, %add3A_1065 : i32
      %get3A_1067 = arith.index_cast %add3A_1066 : i32 to index
      %get3A_1068 = tpu.vector_load %arg9[%get3A_1067] {strides = array<i32>} : memref<25600xf32, #tpu.memory_space<vmem>>, vector<16xf32>,
      %get3A_1069 = vector.shape_cast %get3A_1068 : vector<16xf32> to vector<16xf32>
      %add3A_1070 = arith.addf %scan3A_1062, %get3A_1069 : vector<16xf32>
      scf.yield %add3A_1070 : vector<16xf32>
    }
    %scan3A_633 = arith.constant 199 : i32
    %add3A_634 = arith.addf %scan3A_632, %get3A_4 : vector<16xf32>
    %neg3A_635 = arith.constant 0.000000e+00 : f32
    %neg3A_636 = vector.broadcast %neg3A_635 : f32 to vector<16xf32>
    %neg3A_637 = arith.subf %neg3A_636, %add3A_634 : vector<16xf32>
    %exp3A_638 = math.exp %neg3A_637 : vector<16xf32>
    %add3A_639 = arith.constant 1.000000e+00 : f32
    %add3A_640 = vector.broadcast %add3A_639 : f32 to vector<16xf32>
    %add3A_641 = arith.addf %add3A_640, %exp3A_638 : vector<16xf32>
    %div3A_642 = arith.constant 1.000000e+00 : f32
    %div3A_643 = vector.broadcast %div3A_642 : f32 to vector<16xf32>
    %div3A_644 = arith.divf %div3A_643, %add3A_641 : vector<16xf32>
    %swap3A_645 = arith.constant 288 : index
    %swap3A_646 = tpu.vector_load %arg11[%swap3A_645] {strides = array<i32>} : memref<512xf32, #tpu.memory_space<vmem>>, vector<16xf32>,
    %swap3A_647 = vector.shape_cast %swap3A_646 : vector<16xf32> to vector<16xf32>
    %swap3A_648 = vector.shape_cast %div3A_644 : vector<16xf32> to vector<16xf32>
    tpu.vector_store %arg11[%swap3A_645], %swap3A_648 {strides = array<i32>} : memref<512xf32, #tpu.memory_space<vmem>>, vector<16xf32>,
    %sub3A_649 = arith.constant 1.000000e+00 : f32
    %sub3A_650 = vector.broadcast %sub3A_649 : f32 to vector<16xf32>
    %sub3A_651 = arith.subf %sub3A_650, %div3A_644 : vector<16xf32>
    %swap3A_652 = arith.constant 288 : index
    %swap3A_653 = tpu.vector_load %arg12[%swap3A_652] {strides = array<i32>} : memref<512xf32, #tpu.memory_space<vmem>>, vector<16xf32>,
    %swap3A_654 = vector.shape_cast %swap3A_653 : vector<16xf32> to vector<16xf32>
    %swap3A_655 = vector.shape_cast %sub3A_651 : vector<16xf32> to vector<16xf32>
    tpu.vector_store %arg12[%swap3A_652], %swap3A_655 {strides = array<i32>} : memref<512xf32, #tpu.memory_space<vmem>>, vector<16xf32>,
    %get3A_656 = arith.constant 48 : index
    %get3A_657 = tpu.vector_load %arg9[%get3A_656] {strides = array<i32>} : memref<25600xf32, #tpu.memory_space<vmem>>, vector<16xf32>,
    %get3A_658 = vector.shape_cast %get3A_657 : vector<16xf32> to vector<16xf32>
    %scan3A_659 = arith.constant 1 : i32
    %scan3A_660 = arith.constant 199 : i32
    %scan3A_661 = arith.addi %scan3A_659, %scan3A_660 : i32
    %scan3A_662 = arith.constant 1 : i32
    %scan3A_663 = scf.for %scan3A_1061 = %scan3A_659 to %scan3A_661 step %scan3A_662 iter_args(%scan3A_1062 = %get3A_658) -> (vector<16xf32>)  : i32 {
      %mul3A_1063 = arith.constant 128 : i32
      %mul3A_1064 = arith.muli %scan3A_1061, %mul3A_1063 : i32
      %add3A_1065 = arith.constant 48 : i32
      %add3A_1066 = arith.addi %mul3A_1064, %add3A_1065 : i32
      %get3A_1067 = arith.index_cast %add3A_1066 : i32 to index
      %get3A_1068 = tpu.vector_load %arg9[%get3A_1067] {strides = array<i32>} : memref<25600xf32, #tpu.memory_space<vmem>>, vector<16xf32>,
      %get3A_1069 = vector.shape_cast %get3A_1068 : vector<16xf32> to vector<16xf32>
      %add3A_1070 = arith.addf %scan3A_1062, %get3A_1069 : vector<16xf32>
      scf.yield %add3A_1070 : vector<16xf32>
    }
    %scan3A_664 = arith.constant 199 : i32
    %add3A_665 = arith.addf %scan3A_663, %get3A_4 : vector<16xf32>
    %neg3A_666 = arith.constant 0.000000e+00 : f32
    %neg3A_667 = vector.broadcast %neg3A_666 : f32 to vector<16xf32>
    %neg3A_668 = arith.subf %neg3A_667, %add3A_665 : vector<16xf32>
    %exp3A_669 = math.exp %neg3A_668 : vector<16xf32>
    %add3A_670 = arith.constant 1.000000e+00 : f32
    %add3A_671 = vector.broadcast %add3A_670 : f32 to vector<16xf32>
    %add3A_672 = arith.addf %add3A_671, %exp3A_669 : vector<16xf32>
    %div3A_673 = arith.constant 1.000000e+00 : f32
    %div3A_674 = vector.broadcast %div3A_673 : f32 to vector<16xf32>
    %div3A_675 = arith.divf %div3A_674, %add3A_672 : vector<16xf32>
    %swap3A_676 = arith.constant 304 : index
    %swap3A_677 = tpu.vector_load %arg11[%swap3A_676] {strides = array<i32>} : memref<512xf32, #tpu.memory_space<vmem>>, vector<16xf32>,
    %swap3A_678 = vector.shape_cast %swap3A_677 : vector<16xf32> to vector<16xf32>
    %swap3A_679 = vector.shape_cast %div3A_675 : vector<16xf32> to vector<16xf32>
    tpu.vector_store %arg11[%swap3A_676], %swap3A_679 {strides = array<i32>} : memref<512xf32, #tpu.memory_space<vmem>>, vector<16xf32>,
    %sub3A_680 = arith.constant 1.000000e+00 : f32
    %sub3A_681 = vector.broadcast %sub3A_680 : f32 to vector<16xf32>
    %sub3A_682 = arith.subf %sub3A_681, %div3A_675 : vector<16xf32>
    %swap3A_683 = arith.constant 304 : index
    %swap3A_684 = tpu.vector_load %arg12[%swap3A_683] {strides = array<i32>} : memref<512xf32, #tpu.memory_space<vmem>>, vector<16xf32>,
    %swap3A_685 = vector.shape_cast %swap3A_684 : vector<16xf32> to vector<16xf32>
    %swap3A_686 = vector.shape_cast %sub3A_682 : vector<16xf32> to vector<16xf32>
    tpu.vector_store %arg12[%swap3A_683], %swap3A_686 {strides = array<i32>} : memref<512xf32, #tpu.memory_space<vmem>>, vector<16xf32>,
    %get3A_687 = arith.constant 64 : index
    %get3A_688 = tpu.vector_load %arg9[%get3A_687] {strides = array<i32>} : memref<25600xf32, #tpu.memory_space<vmem>>, vector<16xf32>,
    %get3A_689 = vector.shape_cast %get3A_688 : vector<16xf32> to vector<16xf32>
    %scan3A_690 = arith.constant 1 : i32
    %scan3A_691 = arith.constant 199 : i32
    %scan3A_692 = arith.addi %scan3A_690, %scan3A_691 : i32
    %scan3A_693 = arith.constant 1 : i32
    %scan3A_694 = scf.for %scan3A_1061 = %scan3A_690 to %scan3A_692 step %scan3A_693 iter_args(%scan3A_1062 = %get3A_689) -> (vector<16xf32>)  : i32 {
      %mul3A_1063 = arith.constant 128 : i32
      %mul3A_1064 = arith.muli %scan3A_1061, %mul3A_1063 : i32
      %add3A_1065 = arith.constant 64 : i32
      %add3A_1066 = arith.addi %mul3A_1064, %add3A_1065 : i32
      %get3A_1067 = arith.index_cast %add3A_1066 : i32 to index
      %get3A_1068 = tpu.vector_load %arg9[%get3A_1067] {strides = array<i32>} : memref<25600xf32, #tpu.memory_space<vmem>>, vector<16xf32>,
      %get3A_1069 = vector.shape_cast %get3A_1068 : vector<16xf32> to vector<16xf32>
      %add3A_1070 = arith.addf %scan3A_1062, %get3A_1069 : vector<16xf32>
      scf.yield %add3A_1070 : vector<16xf32>
    }
    %scan3A_695 = arith.constant 199 : i32
    %add3A_696 = arith.addf %scan3A_694, %get3A_4 : vector<16xf32>
    %neg3A_697 = arith.constant 0.000000e+00 : f32
    %neg3A_698 = vector.broadcast %neg3A_697 : f32 to vector<16xf32>
    %neg3A_699 = arith.subf %neg3A_698, %add3A_696 : vector<16xf32>
    %exp3A_700 = math.exp %neg3A_699 : vector<16xf32>
    %add3A_701 = arith.constant 1.000000e+00 : f32
    %add3A_702 = vector.broadcast %add3A_701 : f32 to vector<16xf32>
    %add3A_703 = arith.addf %add3A_702, %exp3A_700 : vector<16xf32>
    %div3A_704 = arith.constant 1.000000e+00 : f32
    %div3A_705 = vector.broadcast %div3A_704 : f32 to vector<16xf32>
    %div3A_706 = arith.divf %div3A_705, %add3A_703 : vector<16xf32>
    %swap3A_707 = arith.constant 320 : index
    %swap3A_708 = tpu.vector_load %arg11[%swap3A_707] {strides = array<i32>} : memref<512xf32, #tpu.memory_space<vmem>>, vector<16xf32>,
    %swap3A_709 = vector.shape_cast %swap3A_708 : vector<16xf32> to vector<16xf32>
    %swap3A_710 = vector.shape_cast %div3A_706 : vector<16xf32> to vector<16xf32>
    tpu.vector_store %arg11[%swap3A_707], %swap3A_710 {strides = array<i32>} : memref<512xf32, #tpu.memory_space<vmem>>, vector<16xf32>,
    %sub3A_711 = arith.constant 1.000000e+00 : f32
    %sub3A_712 = vector.broadcast %sub3A_711 : f32 to vector<16xf32>
    %sub3A_713 = arith.subf %sub3A_712, %div3A_706 : vector<16xf32>
    %swap3A_714 = arith.constant 320 : index
    %swap3A_715 = tpu.vector_load %arg12[%swap3A_714] {strides = array<i32>} : memref<512xf32, #tpu.memory_space<vmem>>, vector<16xf32>,
    %swap3A_716 = vector.shape_cast %swap3A_715 : vector<16xf32> to vector<16xf32>
    %swap3A_717 = vector.shape_cast %sub3A_713 : vector<16xf32> to vector<16xf32>
    tpu.vector_store %arg12[%swap3A_714], %swap3A_717 {strides = array<i32>} : memref<512xf32, #tpu.memory_space<vmem>>, vector<16xf32>,
    %get3A_718 = arith.constant 80 : index
    %get3A_719 = tpu.vector_load %arg9[%get3A_718] {strides = array<i32>} : memref<25600xf32, #tpu.memory_space<vmem>>, vector<16xf32>,
    %get3A_720 = vector.shape_cast %get3A_719 : vector<16xf32> to vector<16xf32>
    %scan3A_721 = arith.constant 1 : i32
    %scan3A_722 = arith.constant 199 : i32
    %scan3A_723 = arith.addi %scan3A_721, %scan3A_722 : i32
    %scan3A_724 = arith.constant 1 : i32
    %scan3A_725 = scf.for %scan3A_1061 = %scan3A_721 to %scan3A_723 step %scan3A_724 iter_args(%scan3A_1062 = %get3A_720) -> (vector<16xf32>)  : i32 {
      %mul3A_1063 = arith.constant 128 : i32
      %mul3A_1064 = arith.muli %scan3A_1061, %mul3A_1063 : i32
      %add3A_1065 = arith.constant 80 : i32
      %add3A_1066 = arith.addi %mul3A_1064, %add3A_1065 : i32
      %get3A_1067 = arith.index_cast %add3A_1066 : i32 to index
      %get3A_1068 = tpu.vector_load %arg9[%get3A_1067] {strides = array<i32>} : memref<25600xf32, #tpu.memory_space<vmem>>, vector<16xf32>,
      %get3A_1069 = vector.shape_cast %get3A_1068 : vector<16xf32> to vector<16xf32>
      %add3A_1070 = arith.addf %scan3A_1062, %get3A_1069 : vector<16xf32>
      scf.yield %add3A_1070 : vector<16xf32>
    }
    %scan3A_726 = arith.constant 199 : i32
    %add3A_727 = arith.addf %scan3A_725, %get3A_4 : vector<16xf32>
    %neg3A_728 = arith.constant 0.000000e+00 : f32
    %neg3A_729 = vector.broadcast %neg3A_728 : f32 to vector<16xf32>
    %neg3A_730 = arith.subf %neg3A_729, %add3A_727 : vector<16xf32>
    %exp3A_731 = math.exp %neg3A_730 : vector<16xf32>
    %add3A_732 = arith.constant 1.000000e+00 : f32
    %add3A_733 = vector.broadcast %add3A_732 : f32 to vector<16xf32>
    %add3A_734 = arith.addf %add3A_733, %exp3A_731 : vector<16xf32>
    %div3A_735 = arith.constant 1.000000e+00 : f32
    %div3A_736 = vector.broadcast %div3A_735 : f32 to vector<16xf32>
    %div3A_737 = arith.divf %div3A_736, %add3A_734 : vector<16xf32>
    %swap3A_738 = arith.constant 336 : index
    %swap3A_739 = tpu.vector_load %arg11[%swap3A_738] {strides = array<i32>} : memref<512xf32, #tpu.memory_space<vmem>>, vector<16xf32>,
    %swap3A_740 = vector.shape_cast %swap3A_739 : vector<16xf32> to vector<16xf32>
    %swap3A_741 = vector.shape_cast %div3A_737 : vector<16xf32> to vector<16xf32>
    tpu.vector_store %arg11[%swap3A_738], %swap3A_741 {strides = array<i32>} : memref<512xf32, #tpu.memory_space<vmem>>, vector<16xf32>,
    %sub3A_742 = arith.constant 1.000000e+00 : f32
    %sub3A_743 = vector.broadcast %sub3A_742 : f32 to vector<16xf32>
    %sub3A_744 = arith.subf %sub3A_743, %div3A_737 : vector<16xf32>
    %swap3A_745 = arith.constant 336 : index
    %swap3A_746 = tpu.vector_load %arg12[%swap3A_745] {strides = array<i32>} : memref<512xf32, #tpu.memory_space<vmem>>, vector<16xf32>,
    %swap3A_747 = vector.shape_cast %swap3A_746 : vector<16xf32> to vector<16xf32>
    %swap3A_748 = vector.shape_cast %sub3A_744 : vector<16xf32> to vector<16xf32>
    tpu.vector_store %arg12[%swap3A_745], %swap3A_748 {strides = array<i32>} : memref<512xf32, #tpu.memory_space<vmem>>, vector<16xf32>,
    %get3A_749 = arith.constant 96 : index
    %get3A_750 = tpu.vector_load %arg9[%get3A_749] {strides = array<i32>} : memref<25600xf32, #tpu.memory_space<vmem>>, vector<16xf32>,
    %get3A_751 = vector.shape_cast %get3A_750 : vector<16xf32> to vector<16xf32>
    %scan3A_752 = arith.constant 1 : i32
    %scan3A_753 = arith.constant 199 : i32
    %scan3A_754 = arith.addi %scan3A_752, %scan3A_753 : i32
    %scan3A_755 = arith.constant 1 : i32
    %scan3A_756 = scf.for %scan3A_1061 = %scan3A_752 to %scan3A_754 step %scan3A_755 iter_args(%scan3A_1062 = %get3A_751) -> (vector<16xf32>)  : i32 {
      %mul3A_1063 = arith.constant 128 : i32
      %mul3A_1064 = arith.muli %scan3A_1061, %mul3A_1063 : i32
      %add3A_1065 = arith.constant 96 : i32
      %add3A_1066 = arith.addi %mul3A_1064, %add3A_1065 : i32
      %get3A_1067 = arith.index_cast %add3A_1066 : i32 to index
      %get3A_1068 = tpu.vector_load %arg9[%get3A_1067] {strides = array<i32>} : memref<25600xf32, #tpu.memory_space<vmem>>, vector<16xf32>,
      %get3A_1069 = vector.shape_cast %get3A_1068 : vector<16xf32> to vector<16xf32>
      %add3A_1070 = arith.addf %scan3A_1062, %get3A_1069 : vector<16xf32>
      scf.yield %add3A_1070 : vector<16xf32>
    }
    %scan3A_757 = arith.constant 199 : i32
    %add3A_758 = arith.addf %scan3A_756, %get3A_4 : vector<16xf32>
    %neg3A_759 = arith.constant 0.000000e+00 : f32
    %neg3A_760 = vector.broadcast %neg3A_759 : f32 to vector<16xf32>
    %neg3A_761 = arith.subf %neg3A_760, %add3A_758 : vector<16xf32>
    %exp3A_762 = math.exp %neg3A_761 : vector<16xf32>
    %add3A_763 = arith.constant 1.000000e+00 : f32
    %add3A_764 = vector.broadcast %add3A_763 : f32 to vector<16xf32>
    %add3A_765 = arith.addf %add3A_764, %exp3A_762 : vector<16xf32>
    %div3A_766 = arith.constant 1.000000e+00 : f32
    %div3A_767 = vector.broadcast %div3A_766 : f32 to vector<16xf32>
    %div3A_768 = arith.divf %div3A_767, %add3A_765 : vector<16xf32>
    %swap3A_769 = arith.constant 352 : index
    %swap3A_770 = tpu.vector_load %arg11[%swap3A_769] {strides = array<i32>} : memref<512xf32, #tpu.memory_space<vmem>>, vector<16xf32>,
    %swap3A_771 = vector.shape_cast %swap3A_770 : vector<16xf32> to vector<16xf32>
    %swap3A_772 = vector.shape_cast %div3A_768 : vector<16xf32> to vector<16xf32>
    tpu.vector_store %arg11[%swap3A_769], %swap3A_772 {strides = array<i32>} : memref<512xf32, #tpu.memory_space<vmem>>, vector<16xf32>,
    %sub3A_773 = arith.constant 1.000000e+00 : f32
    %sub3A_774 = vector.broadcast %sub3A_773 : f32 to vector<16xf32>
    %sub3A_775 = arith.subf %sub3A_774, %div3A_768 : vector<16xf32>
    %swap3A_776 = arith.constant 352 : index
    %swap3A_777 = tpu.vector_load %arg12[%swap3A_776] {strides = array<i32>} : memref<512xf32, #tpu.memory_space<vmem>>, vector<16xf32>,
    %swap3A_778 = vector.shape_cast %swap3A_777 : vector<16xf32> to vector<16xf32>
    %swap3A_779 = vector.shape_cast %sub3A_775 : vector<16xf32> to vector<16xf32>
    tpu.vector_store %arg12[%swap3A_776], %swap3A_779 {strides = array<i32>} : memref<512xf32, #tpu.memory_space<vmem>>, vector<16xf32>,
    %get3A_780 = arith.constant 112 : index
    %get3A_781 = tpu.vector_load %arg9[%get3A_780] {strides = array<i32>} : memref<25600xf32, #tpu.memory_space<vmem>>, vector<16xf32>,
    %get3A_782 = vector.shape_cast %get3A_781 : vector<16xf32> to vector<16xf32>
    %scan3A_783 = arith.constant 1 : i32
    %scan3A_784 = arith.constant 199 : i32
    %scan3A_785 = arith.addi %scan3A_783, %scan3A_784 : i32
    %scan3A_786 = arith.constant 1 : i32
    %scan3A_787 = scf.for %scan3A_1061 = %scan3A_783 to %scan3A_785 step %scan3A_786 iter_args(%scan3A_1062 = %get3A_782) -> (vector<16xf32>)  : i32 {
      %mul3A_1063 = arith.constant 128 : i32
      %mul3A_1064 = arith.muli %scan3A_1061, %mul3A_1063 : i32
      %add3A_1065 = arith.constant 112 : i32
      %add3A_1066 = arith.addi %mul3A_1064, %add3A_1065 : i32
      %get3A_1067 = arith.index_cast %add3A_1066 : i32 to index
      %get3A_1068 = tpu.vector_load %arg9[%get3A_1067] {strides = array<i32>} : memref<25600xf32, #tpu.memory_space<vmem>>, vector<16xf32>,
      %get3A_1069 = vector.shape_cast %get3A_1068 : vector<16xf32> to vector<16xf32>
      %add3A_1070 = arith.addf %scan3A_1062, %get3A_1069 : vector<16xf32>
      scf.yield %add3A_1070 : vector<16xf32>
    }
    %scan3A_788 = arith.constant 199 : i32
    %add3A_789 = arith.addf %scan3A_787, %get3A_4 : vector<16xf32>
    %neg3A_790 = arith.constant 0.000000e+00 : f32
    %neg3A_791 = vector.broadcast %neg3A_790 : f32 to vector<16xf32>
    %neg3A_792 = arith.subf %neg3A_791, %add3A_789 : vector<16xf32>
    %exp3A_793 = math.exp %neg3A_792 : vector<16xf32>
    %add3A_794 = arith.constant 1.000000e+00 : f32
    %add3A_795 = vector.broadcast %add3A_794 : f32 to vector<16xf32>
    %add3A_796 = arith.addf %add3A_795, %exp3A_793 : vector<16xf32>
    %div3A_797 = arith.constant 1.000000e+00 : f32
    %div3A_798 = vector.broadcast %div3A_797 : f32 to vector<16xf32>
    %div3A_799 = arith.divf %div3A_798, %add3A_796 : vector<16xf32>
    %swap3A_800 = arith.constant 368 : index
    %swap3A_801 = tpu.vector_load %arg11[%swap3A_800] {strides = array<i32>} : memref<512xf32, #tpu.memory_space<vmem>>, vector<16xf32>,
    %swap3A_802 = vector.shape_cast %swap3A_801 : vector<16xf32> to vector<16xf32>
    %swap3A_803 = vector.shape_cast %div3A_799 : vector<16xf32> to vector<16xf32>
    tpu.vector_store %arg11[%swap3A_800], %swap3A_803 {strides = array<i32>} : memref<512xf32, #tpu.memory_space<vmem>>, vector<16xf32>,
    %sub3A_804 = arith.constant 1.000000e+00 : f32
    %sub3A_805 = vector.broadcast %sub3A_804 : f32 to vector<16xf32>
    %sub3A_806 = arith.subf %sub3A_805, %div3A_799 : vector<16xf32>
    %swap3A_807 = arith.constant 368 : index
    %swap3A_808 = tpu.vector_load %arg12[%swap3A_807] {strides = array<i32>} : memref<512xf32, #tpu.memory_space<vmem>>, vector<16xf32>,
    %swap3A_809 = vector.shape_cast %swap3A_808 : vector<16xf32> to vector<16xf32>
    %swap3A_810 = vector.shape_cast %sub3A_806 : vector<16xf32> to vector<16xf32>
    tpu.vector_store %arg12[%swap3A_807], %swap3A_810 {strides = array<i32>} : memref<512xf32, #tpu.memory_space<vmem>>, vector<16xf32>,
    %dma_wait3A_811 = arith.constant 0 : i32
    %dma_wait3A_812 = tpu.memref_slice %arg3[%dma_wait3A_811] : memref<1000000xf32, #tpu.memory_space<hbm>> -> memref<1000000xf32, #tpu.memory_space<hbm>>
    tpu.wait_indirect_dma semaphore(%arg15 : memref<!tpu.dma_semaphore, #tpu.memory_space<semaphore_mem>>) src(%dma_wait3A_812 : memref<1000000xf32, #tpu.memory_space<hbm>>) dst(%arg10 : memref<25600xf32, #tpu.memory_space<vmem>>)
    %get3A_813 = arith.constant 0 : index
    %get3A_814 = tpu.vector_load %arg10[%get3A_813] {strides = array<i32>} : memref<25600xf32, #tpu.memory_space<vmem>>, vector<16xf32>,
    %get3A_815 = vector.shape_cast %get3A_814 : vector<16xf32> to vector<16xf32>
    %scan3A_816 = arith.constant 1 : i32
    %scan3A_817 = arith.constant 199 : i32
    %scan3A_818 = arith.addi %scan3A_816, %scan3A_817 : i32
    %scan3A_819 = arith.constant 1 : i32
    %scan3A_820 = scf.for %scan3A_1061 = %scan3A_816 to %scan3A_818 step %scan3A_819 iter_args(%scan3A_1062 = %get3A_815) -> (vector<16xf32>)  : i32 {
      %mul3A_1063 = arith.constant 128 : i32
      %mul3A_1064 = arith.muli %scan3A_1061, %mul3A_1063 : i32
      %add3A_1065 = arith.constant 0 : i32
      %add3A_1066 = arith.addi %mul3A_1064, %add3A_1065 : i32
      %get3A_1067 = arith.index_cast %add3A_1066 : i32 to index
      %get3A_1068 = tpu.vector_load %arg10[%get3A_1067] {strides = array<i32>} : memref<25600xf32, #tpu.memory_space<vmem>>, vector<16xf32>,
      %get3A_1069 = vector.shape_cast %get3A_1068 : vector<16xf32> to vector<16xf32>
      %add3A_1070 = arith.addf %scan3A_1062, %get3A_1069 : vector<16xf32>
      scf.yield %add3A_1070 : vector<16xf32>
    }
    %scan3A_821 = arith.constant 199 : i32
    %add3A_822 = arith.addf %scan3A_820, %get3A_4 : vector<16xf32>
    %neg3A_823 = arith.constant 0.000000e+00 : f32
    %neg3A_824 = vector.broadcast %neg3A_823 : f32 to vector<16xf32>
    %neg3A_825 = arith.subf %neg3A_824, %add3A_822 : vector<16xf32>
    %exp3A_826 = math.exp %neg3A_825 : vector<16xf32>
    %add3A_827 = arith.constant 1.000000e+00 : f32
    %add3A_828 = vector.broadcast %add3A_827 : f32 to vector<16xf32>
    %add3A_829 = arith.addf %add3A_828, %exp3A_826 : vector<16xf32>
    %div3A_830 = arith.constant 1.000000e+00 : f32
    %div3A_831 = vector.broadcast %div3A_830 : f32 to vector<16xf32>
    %div3A_832 = arith.divf %div3A_831, %add3A_829 : vector<16xf32>
    %swap3A_833 = arith.constant 384 : index
    %swap3A_834 = tpu.vector_load %arg11[%swap3A_833] {strides = array<i32>} : memref<512xf32, #tpu.memory_space<vmem>>, vector<16xf32>,
    %swap3A_835 = vector.shape_cast %swap3A_834 : vector<16xf32> to vector<16xf32>
    %swap3A_836 = vector.shape_cast %div3A_832 : vector<16xf32> to vector<16xf32>
    tpu.vector_store %arg11[%swap3A_833], %swap3A_836 {strides = array<i32>} : memref<512xf32, #tpu.memory_space<vmem>>, vector<16xf32>,
    %sub3A_837 = arith.constant 1.000000e+00 : f32
    %sub3A_838 = vector.broadcast %sub3A_837 : f32 to vector<16xf32>
    %sub3A_839 = arith.subf %sub3A_838, %div3A_832 : vector<16xf32>
    %swap3A_840 = arith.constant 384 : index
    %swap3A_841 = tpu.vector_load %arg12[%swap3A_840] {strides = array<i32>} : memref<512xf32, #tpu.memory_space<vmem>>, vector<16xf32>,
    %swap3A_842 = vector.shape_cast %swap3A_841 : vector<16xf32> to vector<16xf32>
    %swap3A_843 = vector.shape_cast %sub3A_839 : vector<16xf32> to vector<16xf32>
    tpu.vector_store %arg12[%swap3A_840], %swap3A_843 {strides = array<i32>} : memref<512xf32, #tpu.memory_space<vmem>>, vector<16xf32>,
    %get3A_844 = arith.constant 16 : index
    %get3A_845 = tpu.vector_load %arg10[%get3A_844] {strides = array<i32>} : memref<25600xf32, #tpu.memory_space<vmem>>, vector<16xf32>,
    %get3A_846 = vector.shape_cast %get3A_845 : vector<16xf32> to vector<16xf32>
    %scan3A_847 = arith.constant 1 : i32
    %scan3A_848 = arith.constant 199 : i32
    %scan3A_849 = arith.addi %scan3A_847, %scan3A_848 : i32
    %scan3A_850 = arith.constant 1 : i32
    %scan3A_851 = scf.for %scan3A_1061 = %scan3A_847 to %scan3A_849 step %scan3A_850 iter_args(%scan3A_1062 = %get3A_846) -> (vector<16xf32>)  : i32 {
      %mul3A_1063 = arith.constant 128 : i32
      %mul3A_1064 = arith.muli %scan3A_1061, %mul3A_1063 : i32
      %add3A_1065 = arith.constant 16 : i32
      %add3A_1066 = arith.addi %mul3A_1064, %add3A_1065 : i32
      %get3A_1067 = arith.index_cast %add3A_1066 : i32 to index
      %get3A_1068 = tpu.vector_load %arg10[%get3A_1067] {strides = array<i32>} : memref<25600xf32, #tpu.memory_space<vmem>>, vector<16xf32>,
      %get3A_1069 = vector.shape_cast %get3A_1068 : vector<16xf32> to vector<16xf32>
      %add3A_1070 = arith.addf %scan3A_1062, %get3A_1069 : vector<16xf32>
      scf.yield %add3A_1070 : vector<16xf32>
    }
    %scan3A_852 = arith.constant 199 : i32
    %add3A_853 = arith.addf %scan3A_851, %get3A_4 : vector<16xf32>
    %neg3A_854 = arith.constant 0.000000e+00 : f32
    %neg3A_855 = vector.broadcast %neg3A_854 : f32 to vector<16xf32>
    %neg3A_856 = arith.subf %neg3A_855, %add3A_853 : vector<16xf32>
    %exp3A_857 = math.exp %neg3A_856 : vector<16xf32>
    %add3A_858 = arith.constant 1.000000e+00 : f32
    %add3A_859 = vector.broadcast %add3A_858 : f32 to vector<16xf32>
    %add3A_860 = arith.addf %add3A_859, %exp3A_857 : vector<16xf32>
    %div3A_861 = arith.constant 1.000000e+00 : f32
    %div3A_862 = vector.broadcast %div3A_861 : f32 to vector<16xf32>
    %div3A_863 = arith.divf %div3A_862, %add3A_860 : vector<16xf32>
    %swap3A_864 = arith.constant 400 : index
    %swap3A_865 = tpu.vector_load %arg11[%swap3A_864] {strides = array<i32>} : memref<512xf32, #tpu.memory_space<vmem>>, vector<16xf32>,
    %swap3A_866 = vector.shape_cast %swap3A_865 : vector<16xf32> to vector<16xf32>
    %swap3A_867 = vector.shape_cast %div3A_863 : vector<16xf32> to vector<16xf32>
    tpu.vector_store %arg11[%swap3A_864], %swap3A_867 {strides = array<i32>} : memref<512xf32, #tpu.memory_space<vmem>>, vector<16xf32>,
    %sub3A_868 = arith.constant 1.000000e+00 : f32
    %sub3A_869 = vector.broadcast %sub3A_868 : f32 to vector<16xf32>
    %sub3A_870 = arith.subf %sub3A_869, %div3A_863 : vector<16xf32>
    %swap3A_871 = arith.constant 400 : index
    %swap3A_872 = tpu.vector_load %arg12[%swap3A_871] {strides = array<i32>} : memref<512xf32, #tpu.memory_space<vmem>>, vector<16xf32>,
    %swap3A_873 = vector.shape_cast %swap3A_872 : vector<16xf32> to vector<16xf32>
    %swap3A_874 = vector.shape_cast %sub3A_870 : vector<16xf32> to vector<16xf32>
    tpu.vector_store %arg12[%swap3A_871], %swap3A_874 {strides = array<i32>} : memref<512xf32, #tpu.memory_space<vmem>>, vector<16xf32>,
    %get3A_875 = arith.constant 32 : index
    %get3A_876 = tpu.vector_load %arg10[%get3A_875] {strides = array<i32>} : memref<25600xf32, #tpu.memory_space<vmem>>, vector<16xf32>,
    %get3A_877 = vector.shape_cast %get3A_876 : vector<16xf32> to vector<16xf32>
    %scan3A_878 = arith.constant 1 : i32
    %scan3A_879 = arith.constant 199 : i32
    %scan3A_880 = arith.addi %scan3A_878, %scan3A_879 : i32
    %scan3A_881 = arith.constant 1 : i32
    %scan3A_882 = scf.for %scan3A_1061 = %scan3A_878 to %scan3A_880 step %scan3A_881 iter_args(%scan3A_1062 = %get3A_877) -> (vector<16xf32>)  : i32 {
      %mul3A_1063 = arith.constant 128 : i32
      %mul3A_1064 = arith.muli %scan3A_1061, %mul3A_1063 : i32
      %add3A_1065 = arith.constant 32 : i32
      %add3A_1066 = arith.addi %mul3A_1064, %add3A_1065 : i32
      %get3A_1067 = arith.index_cast %add3A_1066 : i32 to index
      %get3A_1068 = tpu.vector_load %arg10[%get3A_1067] {strides = array<i32>} : memref<25600xf32, #tpu.memory_space<vmem>>, vector<16xf32>,
      %get3A_1069 = vector.shape_cast %get3A_1068 : vector<16xf32> to vector<16xf32>
      %add3A_1070 = arith.addf %scan3A_1062, %get3A_1069 : vector<16xf32>
      scf.yield %add3A_1070 : vector<16xf32>
    }
    %scan3A_883 = arith.constant 199 : i32
    %add3A_884 = arith.addf %scan3A_882, %get3A_4 : vector<16xf32>
    %neg3A_885 = arith.constant 0.000000e+00 : f32
    %neg3A_886 = vector.broadcast %neg3A_885 : f32 to vector<16xf32>
    %neg3A_887 = arith.subf %neg3A_886, %add3A_884 : vector<16xf32>
    %exp3A_888 = math.exp %neg3A_887 : vector<16xf32>
    %add3A_889 = arith.constant 1.000000e+00 : f32
    %add3A_890 = vector.broadcast %add3A_889 : f32 to vector<16xf32>
    %add3A_891 = arith.addf %add3A_890, %exp3A_888 : vector<16xf32>
    %div3A_892 = arith.constant 1.000000e+00 : f32
    %div3A_893 = vector.broadcast %div3A_892 : f32 to vector<16xf32>
    %div3A_894 = arith.divf %div3A_893, %add3A_891 : vector<16xf32>
    %swap3A_895 = arith.constant 416 : index
    %swap3A_896 = tpu.vector_load %arg11[%swap3A_895] {strides = array<i32>} : memref<512xf32, #tpu.memory_space<vmem>>, vector<16xf32>,
    %swap3A_897 = vector.shape_cast %swap3A_896 : vector<16xf32> to vector<16xf32>
    %swap3A_898 = vector.shape_cast %div3A_894 : vector<16xf32> to vector<16xf32>
    tpu.vector_store %arg11[%swap3A_895], %swap3A_898 {strides = array<i32>} : memref<512xf32, #tpu.memory_space<vmem>>, vector<16xf32>,
    %sub3A_899 = arith.constant 1.000000e+00 : f32
    %sub3A_900 = vector.broadcast %sub3A_899 : f32 to vector<16xf32>
    %sub3A_901 = arith.subf %sub3A_900, %div3A_894 : vector<16xf32>
    %swap3A_902 = arith.constant 416 : index
    %swap3A_903 = tpu.vector_load %arg12[%swap3A_902] {strides = array<i32>} : memref<512xf32, #tpu.memory_space<vmem>>, vector<16xf32>,
    %swap3A_904 = vector.shape_cast %swap3A_903 : vector<16xf32> to vector<16xf32>
    %swap3A_905 = vector.shape_cast %sub3A_901 : vector<16xf32> to vector<16xf32>
    tpu.vector_store %arg12[%swap3A_902], %swap3A_905 {strides = array<i32>} : memref<512xf32, #tpu.memory_space<vmem>>, vector<16xf32>,
    %get3A_906 = arith.constant 48 : index
    %get3A_907 = tpu.vector_load %arg10[%get3A_906] {strides = array<i32>} : memref<25600xf32, #tpu.memory_space<vmem>>, vector<16xf32>,
    %get3A_908 = vector.shape_cast %get3A_907 : vector<16xf32> to vector<16xf32>
    %scan3A_909 = arith.constant 1 : i32
    %scan3A_910 = arith.constant 199 : i32
    %scan3A_911 = arith.addi %scan3A_909, %scan3A_910 : i32
    %scan3A_912 = arith.constant 1 : i32
    %scan3A_913 = scf.for %scan3A_1061 = %scan3A_909 to %scan3A_911 step %scan3A_912 iter_args(%scan3A_1062 = %get3A_908) -> (vector<16xf32>)  : i32 {
      %mul3A_1063 = arith.constant 128 : i32
      %mul3A_1064 = arith.muli %scan3A_1061, %mul3A_1063 : i32
      %add3A_1065 = arith.constant 48 : i32
      %add3A_1066 = arith.addi %mul3A_1064, %add3A_1065 : i32
      %get3A_1067 = arith.index_cast %add3A_1066 : i32 to index
      %get3A_1068 = tpu.vector_load %arg10[%get3A_1067] {strides = array<i32>} : memref<25600xf32, #tpu.memory_space<vmem>>, vector<16xf32>,
      %get3A_1069 = vector.shape_cast %get3A_1068 : vector<16xf32> to vector<16xf32>
      %add3A_1070 = arith.addf %scan3A_1062, %get3A_1069 : vector<16xf32>
      scf.yield %add3A_1070 : vector<16xf32>
    }
    %scan3A_914 = arith.constant 199 : i32
    %add3A_915 = arith.addf %scan3A_913, %get3A_4 : vector<16xf32>
    %neg3A_916 = arith.constant 0.000000e+00 : f32
    %neg3A_917 = vector.broadcast %neg3A_916 : f32 to vector<16xf32>
    %neg3A_918 = arith.subf %neg3A_917, %add3A_915 : vector<16xf32>
    %exp3A_919 = math.exp %neg3A_918 : vector<16xf32>
    %add3A_920 = arith.constant 1.000000e+00 : f32
    %add3A_921 = vector.broadcast %add3A_920 : f32 to vector<16xf32>
    %add3A_922 = arith.addf %add3A_921, %exp3A_919 : vector<16xf32>
    %div3A_923 = arith.constant 1.000000e+00 : f32
    %div3A_924 = vector.broadcast %div3A_923 : f32 to vector<16xf32>
    %div3A_925 = arith.divf %div3A_924, %add3A_922 : vector<16xf32>
    %swap3A_926 = arith.constant 432 : index
    %swap3A_927 = tpu.vector_load %arg11[%swap3A_926] {strides = array<i32>} : memref<512xf32, #tpu.memory_space<vmem>>, vector<16xf32>,
    %swap3A_928 = vector.shape_cast %swap3A_927 : vector<16xf32> to vector<16xf32>
    %swap3A_929 = vector.shape_cast %div3A_925 : vector<16xf32> to vector<16xf32>
    tpu.vector_store %arg11[%swap3A_926], %swap3A_929 {strides = array<i32>} : memref<512xf32, #tpu.memory_space<vmem>>, vector<16xf32>,
    %sub3A_930 = arith.constant 1.000000e+00 : f32
    %sub3A_931 = vector.broadcast %sub3A_930 : f32 to vector<16xf32>
    %sub3A_932 = arith.subf %sub3A_931, %div3A_925 : vector<16xf32>
    %swap3A_933 = arith.constant 432 : index
    %swap3A_934 = tpu.vector_load %arg12[%swap3A_933] {strides = array<i32>} : memref<512xf32, #tpu.memory_space<vmem>>, vector<16xf32>,
    %swap3A_935 = vector.shape_cast %swap3A_934 : vector<16xf32> to vector<16xf32>
    %swap3A_936 = vector.shape_cast %sub3A_932 : vector<16xf32> to vector<16xf32>
    tpu.vector_store %arg12[%swap3A_933], %swap3A_936 {strides = array<i32>} : memref<512xf32, #tpu.memory_space<vmem>>, vector<16xf32>,
    %get3A_937 = arith.constant 64 : index
    %get3A_938 = tpu.vector_load %arg10[%get3A_937] {strides = array<i32>} : memref<25600xf32, #tpu.memory_space<vmem>>, vector<16xf32>,
    %get3A_939 = vector.shape_cast %get3A_938 : vector<16xf32> to vector<16xf32>
    %scan3A_940 = arith.constant 1 : i32
    %scan3A_941 = arith.constant 199 : i32
    %scan3A_942 = arith.addi %scan3A_940, %scan3A_941 : i32
    %scan3A_943 = arith.constant 1 : i32
    %scan3A_944 = scf.for %scan3A_1061 = %scan3A_940 to %scan3A_942 step %scan3A_943 iter_args(%scan3A_1062 = %get3A_939) -> (vector<16xf32>)  : i32 {
      %mul3A_1063 = arith.constant 128 : i32
      %mul3A_1064 = arith.muli %scan3A_1061, %mul3A_1063 : i32
      %add3A_1065 = arith.constant 64 : i32
      %add3A_1066 = arith.addi %mul3A_1064, %add3A_1065 : i32
      %get3A_1067 = arith.index_cast %add3A_1066 : i32 to index
      %get3A_1068 = tpu.vector_load %arg10[%get3A_1067] {strides = array<i32>} : memref<25600xf32, #tpu.memory_space<vmem>>, vector<16xf32>,
      %get3A_1069 = vector.shape_cast %get3A_1068 : vector<16xf32> to vector<16xf32>
      %add3A_1070 = arith.addf %scan3A_1062, %get3A_1069 : vector<16xf32>
      scf.yield %add3A_1070 : vector<16xf32>
    }
    %scan3A_945 = arith.constant 199 : i32
    %add3A_946 = arith.addf %scan3A_944, %get3A_4 : vector<16xf32>
    %neg3A_947 = arith.constant 0.000000e+00 : f32
    %neg3A_948 = vector.broadcast %neg3A_947 : f32 to vector<16xf32>
    %neg3A_949 = arith.subf %neg3A_948, %add3A_946 : vector<16xf32>
    %exp3A_950 = math.exp %neg3A_949 : vector<16xf32>
    %add3A_951 = arith.constant 1.000000e+00 : f32
    %add3A_952 = vector.broadcast %add3A_951 : f32 to vector<16xf32>
    %add3A_953 = arith.addf %add3A_952, %exp3A_950 : vector<16xf32>
    %div3A_954 = arith.constant 1.000000e+00 : f32
    %div3A_955 = vector.broadcast %div3A_954 : f32 to vector<16xf32>
    %div3A_956 = arith.divf %div3A_955, %add3A_953 : vector<16xf32>
    %swap3A_957 = arith.constant 448 : index
    %swap3A_958 = tpu.vector_load %arg11[%swap3A_957] {strides = array<i32>} : memref<512xf32, #tpu.memory_space<vmem>>, vector<16xf32>,
    %swap3A_959 = vector.shape_cast %swap3A_958 : vector<16xf32> to vector<16xf32>
    %swap3A_960 = vector.shape_cast %div3A_956 : vector<16xf32> to vector<16xf32>
    tpu.vector_store %arg11[%swap3A_957], %swap3A_960 {strides = array<i32>} : memref<512xf32, #tpu.memory_space<vmem>>, vector<16xf32>,
    %sub3A_961 = arith.constant 1.000000e+00 : f32
    %sub3A_962 = vector.broadcast %sub3A_961 : f32 to vector<16xf32>
    %sub3A_963 = arith.subf %sub3A_962, %div3A_956 : vector<16xf32>
    %swap3A_964 = arith.constant 448 : index
    %swap3A_965 = tpu.vector_load %arg12[%swap3A_964] {strides = array<i32>} : memref<512xf32, #tpu.memory_space<vmem>>, vector<16xf32>,
    %swap3A_966 = vector.shape_cast %swap3A_965 : vector<16xf32> to vector<16xf32>
    %swap3A_967 = vector.shape_cast %sub3A_963 : vector<16xf32> to vector<16xf32>
    tpu.vector_store %arg12[%swap3A_964], %swap3A_967 {strides = array<i32>} : memref<512xf32, #tpu.memory_space<vmem>>, vector<16xf32>,
    %get3A_968 = arith.constant 80 : index
    %get3A_969 = tpu.vector_load %arg10[%get3A_968] {strides = array<i32>} : memref<25600xf32, #tpu.memory_space<vmem>>, vector<16xf32>,
    %get3A_970 = vector.shape_cast %get3A_969 : vector<16xf32> to vector<16xf32>
    %scan3A_971 = arith.constant 1 : i32
    %scan3A_972 = arith.constant 199 : i32
    %scan3A_973 = arith.addi %scan3A_971, %scan3A_972 : i32
    %scan3A_974 = arith.constant 1 : i32
    %scan3A_975 = scf.for %scan3A_1061 = %scan3A_971 to %scan3A_973 step %scan3A_974 iter_args(%scan3A_1062 = %get3A_970) -> (vector<16xf32>)  : i32 {
      %mul3A_1063 = arith.constant 128 : i32
      %mul3A_1064 = arith.muli %scan3A_1061, %mul3A_1063 : i32
      %add3A_1065 = arith.constant 80 : i32
      %add3A_1066 = arith.addi %mul3A_1064, %add3A_1065 : i32
      %get3A_1067 = arith.index_cast %add3A_1066 : i32 to index
      %get3A_1068 = tpu.vector_load %arg10[%get3A_1067] {strides = array<i32>} : memref<25600xf32, #tpu.memory_space<vmem>>, vector<16xf32>,
      %get3A_1069 = vector.shape_cast %get3A_1068 : vector<16xf32> to vector<16xf32>
      %add3A_1070 = arith.addf %scan3A_1062, %get3A_1069 : vector<16xf32>
      scf.yield %add3A_1070 : vector<16xf32>
    }
    %scan3A_976 = arith.constant 199 : i32
    %add3A_977 = arith.addf %scan3A_975, %get3A_4 : vector<16xf32>
    %neg3A_978 = arith.constant 0.000000e+00 : f32
    %neg3A_979 = vector.broadcast %neg3A_978 : f32 to vector<16xf32>
    %neg3A_980 = arith.subf %neg3A_979, %add3A_977 : vector<16xf32>
    %exp3A_981 = math.exp %neg3A_980 : vector<16xf32>
    %add3A_982 = arith.constant 1.000000e+00 : f32
    %add3A_983 = vector.broadcast %add3A_982 : f32 to vector<16xf32>
    %add3A_984 = arith.addf %add3A_983, %exp3A_981 : vector<16xf32>
    %div3A_985 = arith.constant 1.000000e+00 : f32
    %div3A_986 = vector.broadcast %div3A_985 : f32 to vector<16xf32>
    %div3A_987 = arith.divf %div3A_986, %add3A_984 : vector<16xf32>
    %swap3A_988 = arith.constant 464 : index
    %swap3A_989 = tpu.vector_load %arg11[%swap3A_988] {strides = array<i32>} : memref<512xf32, #tpu.memory_space<vmem>>, vector<16xf32>,
    %swap3A_990 = vector.shape_cast %swap3A_989 : vector<16xf32> to vector<16xf32>
    %swap3A_991 = vector.shape_cast %div3A_987 : vector<16xf32> to vector<16xf32>
    tpu.vector_store %arg11[%swap3A_988], %swap3A_991 {strides = array<i32>} : memref<512xf32, #tpu.memory_space<vmem>>, vector<16xf32>,
    %sub3A_992 = arith.constant 1.000000e+00 : f32
    %sub3A_993 = vector.broadcast %sub3A_992 : f32 to vector<16xf32>
    %sub3A_994 = arith.subf %sub3A_993, %div3A_987 : vector<16xf32>
    %swap3A_995 = arith.constant 464 : index
    %swap3A_996 = tpu.vector_load %arg12[%swap3A_995] {strides = array<i32>} : memref<512xf32, #tpu.memory_space<vmem>>, vector<16xf32>,
    %swap3A_997 = vector.shape_cast %swap3A_996 : vector<16xf32> to vector<16xf32>
    %swap3A_998 = vector.shape_cast %sub3A_994 : vector<16xf32> to vector<16xf32>
    tpu.vector_store %arg12[%swap3A_995], %swap3A_998 {strides = array<i32>} : memref<512xf32, #tpu.memory_space<vmem>>, vector<16xf32>,
    %get3A_999 = arith.constant 96 : index
    %get3A_1000 = tpu.vector_load %arg10[%get3A_999] {strides = array<i32>} : memref<25600xf32, #tpu.memory_space<vmem>>, vector<16xf32>,
    %get3A_1001 = vector.shape_cast %get3A_1000 : vector<16xf32> to vector<16xf32>
    %scan3A_1002 = arith.constant 1 : i32
    %scan3A_1003 = arith.constant 199 : i32
    %scan3A_1004 = arith.addi %scan3A_1002, %scan3A_1003 : i32
    %scan3A_1005 = arith.constant 1 : i32
    %scan3A_1006 = scf.for %scan3A_1061 = %scan3A_1002 to %scan3A_1004 step %scan3A_1005 iter_args(%scan3A_1062 = %get3A_1001) -> (vector<16xf32>)  : i32 {
      %mul3A_1063 = arith.constant 128 : i32
      %mul3A_1064 = arith.muli %scan3A_1061, %mul3A_1063 : i32
      %add3A_1065 = arith.constant 96 : i32
      %add3A_1066 = arith.addi %mul3A_1064, %add3A_1065 : i32
      %get3A_1067 = arith.index_cast %add3A_1066 : i32 to index
      %get3A_1068 = tpu.vector_load %arg10[%get3A_1067] {strides = array<i32>} : memref<25600xf32, #tpu.memory_space<vmem>>, vector<16xf32>,
      %get3A_1069 = vector.shape_cast %get3A_1068 : vector<16xf32> to vector<16xf32>
      %add3A_1070 = arith.addf %scan3A_1062, %get3A_1069 : vector<16xf32>
      scf.yield %add3A_1070 : vector<16xf32>
    }
    %scan3A_1007 = arith.constant 199 : i32
    %add3A_1008 = arith.addf %scan3A_1006, %get3A_4 : vector<16xf32>
    %neg3A_1009 = arith.constant 0.000000e+00 : f32
    %neg3A_1010 = vector.broadcast %neg3A_1009 : f32 to vector<16xf32>
    %neg3A_1011 = arith.subf %neg3A_1010, %add3A_1008 : vector<16xf32>
    %exp3A_1012 = math.exp %neg3A_1011 : vector<16xf32>
    %add3A_1013 = arith.constant 1.000000e+00 : f32
    %add3A_1014 = vector.broadcast %add3A_1013 : f32 to vector<16xf32>
    %add3A_1015 = arith.addf %add3A_1014, %exp3A_1012 : vector<16xf32>
    %div3A_1016 = arith.constant 1.000000e+00 : f32
    %div3A_1017 = vector.broadcast %div3A_1016 : f32 to vector<16xf32>
    %div3A_1018 = arith.divf %div3A_1017, %add3A_1015 : vector<16xf32>
    %swap3A_1019 = arith.constant 480 : index
    %swap3A_1020 = tpu.vector_load %arg11[%swap3A_1019] {strides = array<i32>} : memref<512xf32, #tpu.memory_space<vmem>>, vector<16xf32>,
    %swap3A_1021 = vector.shape_cast %swap3A_1020 : vector<16xf32> to vector<16xf32>
    %swap3A_1022 = vector.shape_cast %div3A_1018 : vector<16xf32> to vector<16xf32>
    tpu.vector_store %arg11[%swap3A_1019], %swap3A_1022 {strides = array<i32>} : memref<512xf32, #tpu.memory_space<vmem>>, vector<16xf32>,
    %sub3A_1023 = arith.constant 1.000000e+00 : f32
    %sub3A_1024 = vector.broadcast %sub3A_1023 : f32 to vector<16xf32>
    %sub3A_1025 = arith.subf %sub3A_1024, %div3A_1018 : vector<16xf32>
    %swap3A_1026 = arith.constant 480 : index
    %swap3A_1027 = tpu.vector_load %arg12[%swap3A_1026] {strides = array<i32>} : memref<512xf32, #tpu.memory_space<vmem>>, vector<16xf32>,
    %swap3A_1028 = vector.shape_cast %swap3A_1027 : vector<16xf32> to vector<16xf32>
    %swap3A_1029 = vector.shape_cast %sub3A_1025 : vector<16xf32> to vector<16xf32>
    tpu.vector_store %arg12[%swap3A_1026], %swap3A_1029 {strides = array<i32>} : memref<512xf32, #tpu.memory_space<vmem>>, vector<16xf32>,
    %get3A_1030 = arith.constant 112 : index
    %get3A_1031 = tpu.vector_load %arg10[%get3A_1030] {strides = array<i32>} : memref<25600xf32, #tpu.memory_space<vmem>>, vector<16xf32>,
    %get3A_1032 = vector.shape_cast %get3A_1031 : vector<16xf32> to vector<16xf32>
    %scan3A_1033 = arith.constant 1 : i32
    %scan3A_1034 = arith.constant 199 : i32
    %scan3A_1035 = arith.addi %scan3A_1033, %scan3A_1034 : i32
    %scan3A_1036 = arith.constant 1 : i32
    %scan3A_1037 = scf.for %scan3A_1061 = %scan3A_1033 to %scan3A_1035 step %scan3A_1036 iter_args(%scan3A_1062 = %get3A_1032) -> (vector<16xf32>)  : i32 {
      %mul3A_1063 = arith.constant 128 : i32
      %mul3A_1064 = arith.muli %scan3A_1061, %mul3A_1063 : i32
      %add3A_1065 = arith.constant 112 : i32
      %add3A_1066 = arith.addi %mul3A_1064, %add3A_1065 : i32
      %get3A_1067 = arith.index_cast %add3A_1066 : i32 to index
      %get3A_1068 = tpu.vector_load %arg10[%get3A_1067] {strides = array<i32>} : memref<25600xf32, #tpu.memory_space<vmem>>, vector<16xf32>,
      %get3A_1069 = vector.shape_cast %get3A_1068 : vector<16xf32> to vector<16xf32>
      %add3A_1070 = arith.addf %scan3A_1062, %get3A_1069 : vector<16xf32>
      scf.yield %add3A_1070 : vector<16xf32>
    }
    %scan3A_1038 = arith.constant 199 : i32
    %add3A_1039 = arith.addf %scan3A_1037, %get3A_4 : vector<16xf32>
    %neg3A_1040 = arith.constant 0.000000e+00 : f32
    %neg3A_1041 = vector.broadcast %neg3A_1040 : f32 to vector<16xf32>
    %neg3A_1042 = arith.subf %neg3A_1041, %add3A_1039 : vector<16xf32>
    %exp3A_1043 = math.exp %neg3A_1042 : vector<16xf32>
    %add3A_1044 = arith.constant 1.000000e+00 : f32
    %add3A_1045 = vector.broadcast %add3A_1044 : f32 to vector<16xf32>
    %add3A_1046 = arith.addf %add3A_1045, %exp3A_1043 : vector<16xf32>
    %div3A_1047 = arith.constant 1.000000e+00 : f32
    %div3A_1048 = vector.broadcast %div3A_1047 : f32 to vector<16xf32>
    %div3A_1049 = arith.divf %div3A_1048, %add3A_1046 : vector<16xf32>
    %swap3A_1050 = arith.constant 496 : index
    %swap3A_1051 = tpu.vector_load %arg11[%swap3A_1050] {strides = array<i32>} : memref<512xf32, #tpu.memory_space<vmem>>, vector<16xf32>,
    %swap3A_1052 = vector.shape_cast %swap3A_1051 : vector<16xf32> to vector<16xf32>
    %swap3A_1053 = vector.shape_cast %div3A_1049 : vector<16xf32> to vector<16xf32>
    tpu.vector_store %arg11[%swap3A_1050], %swap3A_1053 {strides = array<i32>} : memref<512xf32, #tpu.memory_space<vmem>>, vector<16xf32>,
    %sub3A_1054 = arith.constant 1.000000e+00 : f32
    %sub3A_1055 = vector.broadcast %sub3A_1054 : f32 to vector<16xf32>
    %sub3A_1056 = arith.subf %sub3A_1055, %div3A_1049 : vector<16xf32>
    %swap3A_1057 = arith.constant 496 : index
    %swap3A_1058 = tpu.vector_load %arg12[%swap3A_1057] {strides = array<i32>} : memref<512xf32, #tpu.memory_space<vmem>>, vector<16xf32>,
    %swap3A_1059 = vector.shape_cast %swap3A_1058 : vector<16xf32> to vector<16xf32>
    %swap3A_1060 = vector.shape_cast %sub3A_1056 : vector<16xf32> to vector<16xf32>
    tpu.vector_store %arg12[%swap3A_1057], %swap3A_1060 {strides = array<i32>} : memref<512xf32, #tpu.memory_space<vmem>>, vector<16xf32>,
    "tpu.region"() ({
      %run_scoped3A = tpu.sem_alloc : memref<!tpu.dma_semaphore, #tpu.memory_space<semaphore_mem>>
      %dma_start3A_1061 = tpu.memref_slice %arg5[%mul3A_2] : memref<16384xf32, #tpu.memory_space<hbm>> -> memref<512xf32, #tpu.memory_space<hbm>>
      %dma_start3A_1062 = tpu.memref_slice %arg5[%mul3A_2] : memref<16384xf32, #tpu.memory_space<hbm>> -> memref<512xf32, #tpu.memory_space<hbm>>
      tpu.enqueue_dma source(%arg11 : memref<512xf32, #tpu.memory_space<vmem>>) target(%dma_start3A_1062 : memref<512xf32, #tpu.memory_space<hbm>>) target_semaphore(%run_scoped3A : memref<!tpu.dma_semaphore, #tpu.memory_space<semaphore_mem>>)
      %dma_wait3A_1063 = tpu.memref_slice %arg5[%mul3A_2] : memref<16384xf32, #tpu.memory_space<hbm>> -> memref<512xf32, #tpu.memory_space<hbm>>
      %dma_wait3A_1064 = tpu.memref_slice %arg5[%mul3A_2] : memref<16384xf32, #tpu.memory_space<hbm>> -> memref<512xf32, #tpu.memory_space<hbm>>
      tpu.wait_dma2 semaphore(%run_scoped3A : memref<!tpu.dma_semaphore, #tpu.memory_space<semaphore_mem>>) src(%arg11 : memref<512xf32, #tpu.memory_space<vmem>>) dst(%dma_wait3A_1064 : memref<512xf32, #tpu.memory_space<hbm>>)
      tpu.yield
    }) : () -> ()
    "tpu.region"() ({
      %run_scoped3A = tpu.sem_alloc : memref<!tpu.dma_semaphore, #tpu.memory_space<semaphore_mem>>
      %dma_start3A_1061 = tpu.memref_slice %arg6[%mul3A_2] : memref<16384xf32, #tpu.memory_space<hbm>> -> memref<512xf32, #tpu.memory_space<hbm>>
      %dma_start3A_1062 = tpu.memref_slice %arg6[%mul3A_2] : memref<16384xf32, #tpu.memory_space<hbm>> -> memref<512xf32, #tpu.memory_space<hbm>>
      tpu.enqueue_dma source(%arg12 : memref<512xf32, #tpu.memory_space<vmem>>) target(%dma_start3A_1062 : memref<512xf32, #tpu.memory_space<hbm>>) target_semaphore(%run_scoped3A : memref<!tpu.dma_semaphore, #tpu.memory_space<semaphore_mem>>)
      %dma_wait3A_1063 = tpu.memref_slice %arg6[%mul3A_2] : memref<16384xf32, #tpu.memory_space<hbm>> -> memref<512xf32, #tpu.memory_space<hbm>>
      %dma_wait3A_1064 = tpu.memref_slice %arg6[%mul3A_2] : memref<16384xf32, #tpu.memory_space<hbm>> -> memref<512xf32, #tpu.memory_space<hbm>>
      tpu.wait_dma2 semaphore(%run_scoped3A : memref<!tpu.dma_semaphore, #tpu.memory_space<semaphore_mem>>) src(%arg12 : memref<512xf32, #tpu.memory_space<vmem>>) dst(%dma_wait3A_1064 : memref<512xf32, #tpu.memory_space<hbm>>)
      tpu.yield
    }) : () -> ()
    return
  }
}

module attributes {stable_mosaic.version = 14 : i64} {
  func.func @_dtable_body(%arg0: i32, %arg1: memref<16x131072xf32, #tpu.memory_space<vmem>>, %arg2: memref<16x1xf32, #tpu.memory_space<vmem>>, %arg3: memref<131072xf32, #tpu.memory_space<vmem>>) attributes {dimension_semantics = [#tpu.dimension_semantics<arbitrary>], iteration_bounds = array<i64: 8>, scalar_prefetch = 0 : i64, scratch_operands = 0 : i64, tpu.core_type = #tpu.core_type<tc>, window_params = [{transform_indices = @transform_0, window_bounds = array<i64: 16, 131072>}, {pipeline_mode = #tpu.pipeline_mode<synchronous>, transform_indices = @transform_1, window_bounds = array<i64: 16, 1>}, {transform_indices = @transform_2, window_bounds = array<i64: 131072>}]} {
    %get3A = arith.constant 0 : index
    %get3A_0 = arith.constant 0 : index
    %get3A_1 = vector.load %arg1[%get3A, %get3A_0] : memref<16x131072xf32, #tpu.memory_space<vmem>>, vector<16x131072xf32>
    %get3A_2 = arith.constant 0 : index
    %get3A_3 = arith.constant 0 : index
    %get3A_4 = vector.load %arg2[%get3A_2, %get3A_3] : memref<16x1xf32, #tpu.memory_space<vmem>>, vector<16x1xf32>
    %mul3A = vector.broadcast %get3A_4 : vector<16x1xf32> to vector<16x131072xf32>
    %mul3A_5 = arith.mulf %get3A_1, %mul3A : vector<16x131072xf32>
    %reduce_sum3A = arith.constant dense<0.000000e+00> : vector<131072xf32>
    %reduce_sum3A_6 = vector.multi_reduction <add>, %mul3A_5, %reduce_sum3A [0] : vector<16x131072xf32> to vector<131072xf32>
    %swap3A = arith.constant 0 : index
    %swap3A_7 = vector.load %arg3[%swap3A] : memref<131072xf32, #tpu.memory_space<vmem>>, vector<131072xf32>
    tpu.vector_store %arg3[%swap3A], %reduce_sum3A_6 {strides = array<i32>} : memref<131072xf32, #tpu.memory_space<vmem>>, vector<131072xf32>,
    return
  }
  func.func @transform_0(%arg0: i32) -> (i32, i32) {
    %c0_i32 = arith.constant 0 : i32
    %c0_i32_0 = arith.constant 0 : i32
    return %c0_i32, %arg0 : i32, i32
  }
  func.func @transform_1(%arg0: i32) -> (i32, i32) {
    %c0_i32 = arith.constant 0 : i32
    %c0_i32_0 = arith.constant 0 : i32
    %c0_i32_1 = arith.constant 0 : i32
    return %c0_i32, %c0_i32_0 : i32, i32
  }
  func.func @transform_2(%arg0: i32) -> i32 {
    %c0_i32 = arith.constant 0 : i32
    return %arg0 : i32
  }
}

</mosaic_0001>

<sc_bundles>
// kernel: kernel.4.cloned.1.call-start
scs
__scs_entry_jumppad:
0x0: {  	(pc) =	sbr.rel $0x88, $3  }
0x1: {  	(tag) =	ssettag $0x0;
	lr =	simm.s32 $0x1  }
0x2: {  	[smem:$0x3F9D] =	sst lr;
	_ =	strace $0xD0000000  }
0x3: {  	_ = 	snop  }
0x4: {  	_ = 	snop  }
0x5: {  	_ = 	snop  }
0x6: {  	_ = 	snop  }
0x7: {  	_ = 	snop  }
__scs_overlays_trampoline_lowered:
0x8: {  	[smem:$0x3FAC] =	sst s0  }
0x9: {  	[smem:$0x3FAD] =	sst s1  }
0xa: {  	[smem:$0x3FAE] =	sst s2  }
0xb: {  	[smem:$0x3FAF] =	sst s3  }
0xc: {  	[smem:$0x3FB0] =	sst s4  }
0xd: {  	[smem:$0x3FB1] =	sst s5  }
0xe: {  	[smem:$0x3FB2] =	sst s6  }
0xf: {  	[smem:$0x3FB3] =	sst s7  }
0x10: {  	[smem:$0x3FB4] =	sst s8  }
0x11: {  	[smem:$0x3FB5] =	sst s9;
	s0 =	simm.s32 @!p0 $0x0  }
0x12: {  	s1 =	sld [smem:$0x3F9B];
	s0 =	simm.s32 @p0 $0x1  }
0x13: {  	[smem:$0x3FB6] =	sst s0;
	s0 =	simm.s32 @!p1 $0x0  }
0x14: {  	s2 =	sld [smem:$0x3F9A];
	s0 =	simm.s32 @p1 $0x1  }
0x15: {  	[smem:$0x3FB7] =	sst s0;
	s0 =	simm.s32 @!p2 $0x0  }
0x16: {  	s3 =	sld [smem:$0x3FDB];
	s0 =	simm.s32 @p2 $0x1  }
0x17: {  	s4 =	simm.s32 $0x1BF5;
	[smem:$0x3FB9] =	sst s0  }
0x18: {  	s0 =	sld [smem:$0x3F9C];
	_ =	swait.ge [sflag:s4], $0x0  }
0x19: {  	s7 =	sld [smem:$0x3F9D]  }
0x1a: {  	s8 =	sadd.s32 $0xFFFFE003, lr  }
0x1b: {  	s9 =	sadd.s32 $0xFFFFFEF7, lr;
	s5 =	simm.s32 $0xFFFFFFFF;
	p2 =	slt.u32 s8, $0xFFFFF086  }
0x1c: {  	p1 =	slt.u32 s9, $0xF7A;
	s5 =	simm.s32 @!p2 $0x0  }
0x1d: {  	s5 =	simm.s32 @p1 $0x1;
	p0 =	seq.s32 s7, s2  }
0x1e: {  	s7 =	smul.u32 @!p0 $0xF7A, s2;
	p2 =	seq.s32 @!p0 s5, $0x0  }
0x1f: {  	s9 =	smul.u32 $0xF7A, s1;
	s8 =	simm.s32 @!p0 $0x1BF5;
	p2 =	por !p2, p0  }
0x20: {  	[sflag:s8] =	ssyncset.s32 @!p0 $0xFFFFF086;
	s6 =	sadd.s32 @!p0 s3, s7;
	s7 =	simm.s32 @!p0 $0x108  }
0x21: {  	s3 =	sadd.s32 s3, s9;
	s6 =	sadd.s32 @!p0 $0x88, s6;
	s7 =	simm.s32 @p2 $0x1082  }
0x22: {  	[simem:s7], [sflag:s8] =	dma.local @!p0 [hbm:s6], $0xF7A  }
0x23: {  	s9 =	sor.u32 $0xD0000000, s2;
	s6 =	simm.s32 $0x108;
	_ =	swait.ge @!p0 [sflag:s8], $0x0  }
0x24: {  	s3 =	sadd.s32 $0x88, s3;
	s6 =	simm.s32 @!p1 $0x1082;
	[sflag:s4] =	ssyncset.s32 $0xFFFFF086  }
0x25: {  	[simem:s6], [sflag:s4] =	dma.local [hbm:s3], $0xF7A  }
0x26: {  	[smem:$0x3F9D] =	sst s1;
	(tag) =	ssettag s2;
	_ =	strace s9  }
0x27: {  	s1 =	sld [smem:$0x3FAD]  }
0x28: {  	s2 =	sld [smem:$0x3FAE]  }
0x29: {  	s4 =	sld [smem:$0x3FB0]  }
0x2a: {  	p0 =	seq.s32 s5, $0x0;
	s5 =	sld [smem:$0x3FB1]  }
0x2b: {  	s6 =	sld [smem:$0x3FB2]  }
0x2c: {  	s7 =	sld [smem:$0x3FB3]  }
0x2d: {  	s3 =	simm.s32 $0x108;
	s8 =	sld [smem:$0x3FB4]  }
0x2e: {  	s3 =	simm.s32 @!p0 $0x1082;
	s9 =	sld [smem:$0x3FB5]  }
0x2f: {  	lr =	sadd.s32 s0, s3;
	s0 =	sld [smem:$0x3FAC]  }
0x30: {  	s3 =	sld [smem:$0x3FAF]  }
0x31: {  	[smem:$0x3FB8] =	sst s10  }
0x32: {  	s10 =	sld [smem:$0x3FB6];
	_ =	sdelay $0x3  }
0x33: {  	p0 =	seq.s32 s10, $0x1;
	s10 =	sld [smem:$0x3FB8];
	_ =	sdelay $0x3  }
0x34: {  	[smem:$0x3FB8] =	sst s10  }
0x35: {  	s10 =	sld [smem:$0x3FB7];
	_ =	sdelay $0x3  }
0x36: {  	p1 =	seq.s32 s10, $0x1;
	s10 =	sld [smem:$0x3FB8];
	_ =	sdelay $0x3  }
0x37: {  	[smem:$0x3FB8] =	sst s10  }
0x38: {  	s10 =	sld [smem:$0x3FB9]  }
0x39: {  	_ = 	snop;
	(pc) =	sbr.ind lr, $3  }
0x3a: {  	_ = 	snop  }
0x3b: {  	_ = 	snop  }
0x3c: {  	p2 =	seq.s32 s10, $0x1;
	s10 =	sld [smem:$0x3FB8]  }
0x3d: {  	_ =	shalt  }
0x3e: {  	_ =	shalt  }
0x3f: {  	_ =	shalt  }
0x40: {  	_ =	shalt  }
0x41: {  	_ =	shalt  }
0x42: {  	_ =	shalt  }
0x43: {  	_ =	shalt  }
0x44: {  	_ =	shalt  }
0x45: {  	_ =	shalt  }
0x46: {  	_ =	shalt  }
0x47: {  	_ =	shalt  }
0x48: {  	_ =	shalt  }
0x49: {  	_ =	shalt  }
0x4a: {  	_ =	shalt  }
0x4b: {  	_ =	shalt  }
0x4c: {  	_ =	shalt  }
0x4d: {  	_ =	shalt  }
0x4e: {  	_ =	shalt  }
0x4f: {  	_ =	shalt  }
0x50: {  	_ =	shalt  }
0x51: {  	_ =	shalt  }
0x52: {  	_ =	shalt  }
0x53: {  	_ =	shalt  }
0x54: {  	_ =	shalt  }
0x55: {  	_ =	shalt  }
0x56: {  	_ =	shalt  }
0x57: {  	_ =	shalt  }
0x58: {  	_ =	shalt  }
0x59: {  	_ =	shalt  }
0x5a: {  	_ =	shalt  }
0x5b: {  	_ =	shalt  }
0x5c: {  	_ =	shalt  }
0x5d: {  	_ =	shalt  }
0x5e: {  	_ =	shalt  }
0x5f: {  	_ =	shalt  }
0x60: {  	_ =	shalt  }
0x61: {  	_ =	shalt  }
0x62: {  	_ =	shalt  }
0x63: {  	_ =	shalt  }
0x64: {  	_ =	shalt  }
0x65: {  	_ =	shalt  }
0x66: {  	_ =	shalt  }
0x67: {  	_ =	shalt  }
0x68: {  	_ =	shalt  }
0x69: {  	_ =	shalt  }
0x6a: {  	_ =	shalt  }
0x6b: {  	_ =	shalt  }
0x6c: {  	_ =	shalt  }
0x6d: {  	_ =	shalt  }
0x6e: {  	_ =	shalt  }
0x6f: {  	_ =	shalt  }
0x70: {  	_ =	shalt  }
0x71: {  	_ =	shalt  }
0x72: {  	_ =	shalt  }
0x73: {  	_ =	shalt  }
0x74: {  	_ =	shalt  }
0x75: {  	_ =	shalt  }
0x76: {  	_ =	shalt  }
0x77: {  	_ =	shalt  }
0x78: {  	_ =	shalt  }
0x79: {  	_ =	shalt  }
0x7a: {  	_ =	shalt  }
0x7b: {  	_ =	shalt  }
0x7c: {  	_ =	shalt  }
0x7d: {  	_ =	shalt  }
0x7e: {  	_ =	shalt  }
0x7f: {  	_ =	shalt  }
0x80: {  	_ =	shalt  }
0x81: {  	_ =	shalt  }
0x82: {  	_ =	shalt  }
0x83: {  	_ =	shalt  }
0x84: {  	_ =	shalt  }
0x85: {  	_ =	shalt  }
0x86: {  	_ =	shalt  }
0x87: {  	_ =	shalt  }
.Lfunc_end0:
.L_simem_size_0:
called_computation_lowered:
.L_overlay_start_0:
0x88: {  	s2 =	sld [smem:$0x3FD9]  }
0x89: {  	s3 =	sld [smem:$0x3FFE];
	_ =	sdelay $0x1  }
0x8a: {  	s1 =	srdreg.scid  }
0x8b: {  	s0 =	sand.u32 $0x1, s1  }
0x8c: {  	s17 =	sshll.u32 s0, $0xA;
	s2 =	sadd.s32 s3, s2  }
0x8d: {  	s2 =	sadd.s32 s2, s17  }
0x8e: {  	[smem:$0x3FC4] =	sst s2  }
0x8f: {  	_ = 	snop  }
0x90: {  	s2 =	sld [smem:$0x3FC9];
	(tm) =	ssettm $0x1  }
0x91: {  	s18 =	sld [smem:$0x3FFB];
	_ =	sdelay $0x3  }
0x92: {  	_ =	strace s18  }
0x93: {  	s3 =	sld [smem:$0x3FFC];
	_ =	sdelay $0x3  }
0x94: {  	_ =	strace s3  }
0x95: {  	s3 =	sld [smem:$0x3FFD];
	_ =	sdelay $0x3  }
0x96: {  	_ =	strace s3  }
0x97: {  	_ =	strace $0x8FFFFFFF  }
0x98: {  	s19 =	sld [smem:$0x3FDB];
	_ =	sdelay $0x1  }
0x99: {  	s4 =	simm.s32 $_scs_section_size  }
0x9a: {  	s5 =	simm.s32 $_size__tile_overlayer_lowered;
	s6 =	simm.s32 $_tile_overlayer_lowered  }
0x9b: {  	s22 =	simm.s32 $0x1BFF;
	s21 =	sshll.u32 s6, $0x1;
	s3 =	sadd.s32 s4, s19  }
0x9c: {  	s7 =	simm.s32 $0x0;
	s20 =	sshll.u32 s5, $0x1;
	s5 =	sadd.s32 s21, s3  }
0x9d: {  	[timem:s7], [sflag:s22] =	dma.local [hbm:s5], s20  }
0x9e: {  	_ =	swait.ge [sflag:s22], s20  }
0x9f: {  	s4 =	ssub.s32 $0x0, s20;
	[sflag:s22] =	ssyncset.done $0x0  }
0xa0: {  	[sflag:s22] =	ssyncadd.s32 s4;
	_ =	sdelay $0x1  }
0xa1: {  	s23 =	simm.s32 $0x1B8B  }
0xa2: {  	_ =	swait.ge [sflag:s23], $0x1  }
0xa3: {  	[sflag:s23] =	ssyncset.done $0x0  }
0xa4: {  	s25 =	simm.s32 $0x1B8E;
	s24 =	sld [smem:$0x3FFE];
	[sflag:s23] =	ssyncadd.s32 $0xFFFFFFFF  }
0xa5: {  	s26 =	simm.s32 $execute0_lowered;
	[smem:$0x3FD2] =	sst s25  }
0xa6: {  	s5 =	sshll.u32 s26, $0x1;
	_ =	strace $0x80000046;
	[dreg:$0x1] =	wrdreg $0xFFFFFFFF  }
0xa7: {  	s28 =	simm.s32 $_size_execute0_lowered;
	s3 =	sadd.s32 s3, s5;
	[dreg:$0x0] =	wrdreg $0x0  }
0xa8: {  	s5 =	sshll.u32 s28, $0x1;
	[dreg:$0x2] =	wrdreg s3  }
0xa9: {  	[dreg:$0x3] =	wrdreg s5  }
0xaa: {  	[dreg:$0x4] =	wrdreg $0xC0  }
0xab: {  	_ =	task [dreg:s7], $0x5FFFF  }
0xac: {  	[dreg:$0x1] =	wrdreg $0xFFFFFFFF  }
0xad: {  	[dreg:$0x0] =	wrdreg $0x60  }
0xae: {  	[dreg:$0x2] =	wrdreg s2  }
0xaf: {  	[dreg:$0x3] =	wrdreg s24  }
0xb0: {  	[dreg:$0x4] =	wrdreg $0x9  }
0xb1: {  	_ =	task.clear_ibuf [dreg:s7], $0x5FFFF;
	_ =	strace $0x90000046  }
0xb2: {  	s29 =	simm.s32 $0x9;
	_ =	strace $0x80000048  }
0xb3: {  	_ =	swait.ge [sflag:s29], $0x1  }
0xb4: {  	[sflag:s29] =	ssyncadd.s32 $0xFFFFFFFF  }
0xb5: {  	_ =	strace $0x90000048  }
0xb6: {  	_ =	sfence  }
0xb7: {  	s30 =	sld [smem:$0x0];
	_ =	sdelay $0x2  }
0xb8: {  	s31 =	sshll.u32 s1, $0xD;
	s1 =	sshrl.u32 s1, $0x2  }
0xb9: {  	s3 =	sand.u32 $0x4000, s31;
	s1 =	sadd.s32 s1, s30  }
0xba: {  	s0 =	sor.u32 s3, s0;
	s1 =	sshll.u32 s1, $0x11  }
0xbb: {  	s0 =	sor.u32 s1, s0  }
0xbc: {  	s0 =	sadd.s32 $0x8F2B, s0  }
0xbd: {  	[sflag:s0] =	ssyncadd.remote.s32 $0x1  }
0xbe: {  	_ =	sfence.sel $0xFFFF  }
0xbf: {  	[dreg:$0x0] =	wrdreg $0xFFFFFFFF;
	(pc) =	sbr.abs _section_cstart, $3  }
0xc0: {  	[dreg:$0x1] =	wrdreg $0xFFFFFFFF  }
0xc1: {  	_ =	task.clear_ibuf [dreg:s7], $0x2FFFF;
	_ =	strace $0x9FFFFFFF  }
0xc2: {  	(tm) =	ssettm $0x7FFFFFFF  }
0xc3: {  	_ =	shalt  }
tec
execute0_lowered:
.L_overlay_start_1:
0x0: {  	(tag) =	ssettag $0x1  }
0x1: {  	s1 =	rddreg [dreg:$0x0]  }
0x2: {  	s0 =	rddreg [dreg:$0x1]  }
0x3: {  	s4 =	srdreg.scid;
	s3 =	simm.s32 $0x0;
	s2 =	stileid.u32  }
0x4: {  	s14 =	simm.s32 $0x5;
	s15 =	simm.s32 $0x3;
	s16 =	simm.s32 $0xC800  }
0x5: {  	s17 =	simm.s32 $0x4;
	s18 =	simm.s32 $0x6400;
	s19 =	simm.s32 $0x12C00  }
0x6: {  	s20 =	simm.s32 $0x1;
	s21 =	simm.s32 $0x2;
	s24 =	simm.s32 $0x0  }
0x7: {  	s5 =	sand.u32 $0x1, s4;
	[smem:$0x7FF] =	sst s3;
	s30 =	sshll.u32 s2, $0xA  }
0x8: {  	s4 =	sadd.s32 $0xC00, s0;
	s6 =	sshll.u32 s5, $0x9;
	s8 =	ssub.s32 $0x2, s5  }
0x9: {  	_ =	strace $0x80000047;
	s7 =	sor.u32 s6, s30;
	s31 =	sshrl.u32 s8, $0x1  }
0xa: {  	s5 =	sadd.s32 $0x1F600, s0;
	s6 =	sshrl.u32 s7, $0x3;
	s12 =	ssub.s32 s8, s31  }
0xb: {  	s9 =	sshll.u32 s7, $0x3;
	s0 =	sadd.s32 s6, s0;
	s6 =	sadd.s32 s1, s7  }
0xc: {  	s7 =	sor.u32 $0x400, s9;
	s8 =	sor.u32 $0x800, s9;
	s9 =	sor.u32 $0xC00, s9  }
0xd: {  	s12 =	smax.u32 s12, $0x1;
	s10 =	sadd.s32 $0x1F800, s0;
	s11 =	sadd.s32 $0x20000, s0  }
.LBB2_1:
0xe: {  	s0 =	simm.s32 $0x19400  }
0xf: {  	s26 =	sand.u32 $0x40, s3;
	s25 =	sand.u32 $0x7C000, s3;
	s30 =	simm.s32 $0x30  }
0x10: {  	[tilespmem:s0], [sflag:$0x5] =	stream.linear.gather [hbm4b:s5+s3], $0x80, $0x38;
	[tilespmem:$0x19480] =	vst v63  }
0x11: {  	s28 =	simm.s32 $0x2000;
	s29 =	simm.s32 $0x40;
	_ =	swait.ge [sflag:s14], $0x80  }
0x12: {  	s31 =	simm.s32 $0x0;
	s0 =	sor.u32 s26, s25;
	[sflag:s14] =	ssyncset.done $0x0  }
0x13: {  	s26 =	simm.s32 $0x0;
	s0 =	sadd.s32 s0, s6;
	[sflag:s14] =	ssyncadd.s32 $0xFFFFFF80  }
0x14: {  	v0 =	vld [tilespmem:$0x19400];
	[tilespmem:s3], [sflag:$0x3] =	stream.linear.gather [hbm4b:s0+s3], $0x80, $0x38  }
.LBB2_2:
0x15: {  	p0 =	sne.s32 s29, $0xC40;
	s0 =	sadd.s32 $0x10, s31;
	s31 =	sadd.s32 $0x20, s31  }
0x16: {  	s2 =	sand.u32 $0x40, s29;
	s13 =	sadd.s32 $0x100, s26;
	s0 =	sand.u32 $0x50, s0  }
0x17: {  	s30 =	sand.u32 $0x70, s30;
	s31 =	sand.u32 $0x60, s31;
	s0 =	sor.u32 s0, s25  }
0x18: {  	s22 =	sadd.s32 $0x80, s26;
	s31 =	sor.u32 s31, s25;
	s0 =	sadd.s32 s0, s6  }
0x19: {  	[tilespmem:s22], [sflag:$0x3] =	stream.linear.gather [hbm4b:s0+s3], $0x80, $0x38;
	[tilespmem:$0x19480] =	vst v63  }
0x1a: {  	s0 =	sadd.s32 s31, s6;
	s22 =	sor.u32 s30, s25;
	s25 =	sand.u32 $0x7C000, s28  }
0x1b: {  	[tilespmem:s13], [sflag:$0x3] =	stream.linear.gather [hbm4b:s0+s3], $0x80, $0x38;
	[tilespmem:$0x19480] =	vst v63  }
0x1c: {  	s0 =	sor.u32 s2, s25  }
.Ltmp0:
0x1d: {  	s2 =	sadd.s32 $0x180, s26;
	s13 =	sadd.s32 s22, s6;
	(pc) =	sbr.rel @p0 .LBB2_2-.Ltmp0, $4  }
0x1e: {  	[tilespmem:s2], [sflag:$0x3] =	stream.linear.gather [hbm4b:s13+s3], $0x80, $0x38;
	[tilespmem:$0x19480] =	vst v63  }
0x1f: {  	s31 =	smov.u32 s29;
	s26 =	sadd.s32 $0x200, s26;
	s0 =	sadd.s32 s0, s6  }
0x20: {  	[tilespmem:s26], [sflag:$0x3] =	stream.linear.gather [hbm4b:s0+s3], $0x80, $0x38;
	[tilespmem:$0x19480] =	vst v63  }
0x21: {  	s28 =	sadd.s32 $0x2000, s28;
	s29 =	sadd.s32 $0x40, s29;
	s30 =	sadd.s32 $0x30, s31  }
0x22: {  	s0 =	sadd.s32 $0x10, s31  }
0x23: {  	s2 =	sadd.s32 $0x20, s31;
	s0 =	sand.u32 $0x50, s0  }
0x24: {  	s13 =	sand.u32 $0x70, s30;
	s2 =	sand.u32 $0x60, s2;
	s0 =	sor.u32 s0, s25  }
0x25: {  	s22 =	sadd.s32 $0x80, s26;
	s2 =	sor.u32 s2, s25;
	s0 =	sadd.s32 s0, s6  }
0x26: {  	[tilespmem:s22], [sflag:$0x3] =	stream.linear.gather [hbm4b:s0+s3], $0x80, $0x38;
	[tilespmem:$0x19480] =	vst v63  }
0x27: {  	s29 =	sadd.s32 $0x100, s26;
	s13 =	sor.u32 s13, s25;
	s2 =	sadd.s32 s2, s6  }
0x28: {  	[tilespmem:s29], [sflag:$0x3] =	stream.linear.gather [hbm4b:s2+s3], $0x80, $0x38;
	[tilespmem:$0x19480] =	vst v63  }
0x29: {  	s30 =	sadd.s32 $0x180, s26;
	s31 =	sadd.s32 s13, s6  }
0x2a: {  	[tilespmem:s30], [sflag:$0x3] =	stream.linear.gather [hbm4b:s31+s3], $0x80, $0x38;
	[tilespmem:$0x19480] =	vst v63  }
0x2b: {  	_ =	swait.ge [sflag:s15], $0x80  }
0x2c: {  	[sflag:s15] =	ssyncset.done $0x0  }
0x2d: {  	[sflag:s15] =	ssyncadd.s32 $0xFFFFFF80  }
0x2e: {  	_ =	swait.ge [sflag:s15], $0x80  }
0x2f: {  	[sflag:s15] =	ssyncset.done $0x0  }
0x30: {  	[sflag:s15] =	ssyncadd.s32 $0xFFFFFF80  }
0x31: {  	_ =	swait.ge [sflag:s15], $0x80  }
0x32: {  	[sflag:s15] =	ssyncset.done $0x0  }
0x33: {  	[sflag:s15] =	ssyncadd.s32 $0xFFFFFF80  }
0x34: {  	_ =	swait.ge [sflag:s15], $0x80  }
0x35: {  	s25 =	simm.s32 $0x31;
	[sflag:s15] =	ssyncset.done $0x0  }
.LBB2_4:
0x36: {  	p0 =	sne.s32 s25, $0x1;
	s25 =	sadd.s32 $0xFFFFFFFF, s25;
	[sflag:s15] =	ssyncadd.s32 $0xFFFFFF80  }
0x37: {  	_ =	swait.ge [sflag:s15], $0x80  }
0x38: {  	[sflag:s15] =	ssyncset.done $0x0  }
0x39: {  	[sflag:s15] =	ssyncadd.s32 $0xFFFFFF80  }
0x3a: {  	_ =	swait.ge [sflag:s15], $0x80  }
0x3b: {  	[sflag:s15] =	ssyncset.done $0x0  }
0x3c: {  	[sflag:s15] =	ssyncadd.s32 $0xFFFFFF80  }
.Ltmp1:
0x3d: {  	_ =	swait.ge [sflag:s15], $0x80;
	(pc) =	sbr.rel @p0 .LBB2_4-.Ltmp1, $4  }
0x3e: {  	[sflag:s15] =	ssyncset.done $0x0  }
0x3f: {  	[sflag:s15] =	ssyncadd.s32 $0xFFFFFF80  }
0x40: {  	_ =	swait.ge [sflag:s15], $0x80  }
0x41: {  	[sflag:s15] =	ssyncset.done $0x0  }
0x42: {  	[sflag:s15] =	ssyncadd.s32 $0xFFFFFF80;
	s25 =	simm.s32 $0x6400;
	s0 =	simm.s32 $0x0  }
0x43: {  	[tilespmem:s16], [sflag:$0x1] =	stream.indirect.gather [hbm4b:s4+s25], $0x1, s0, s25, $0xb8;
	[tilespmem:$0x19480] =	vst v63  }
0x44: {  	s2 =	sand.u32 $0x200, s0  }
0x45: {  	s26 =	sand.u32 $0x3E0000, s0;
	s23 =	sor.u32 s7, s2  }
0x46: {  	s0 =	sor.u32 s26, s23  }
0x47: {  	s0 =	sshrl.u32 s0, $0x3  }
0x48: {  	s30 =	simm.s32 $0x180;
	s28 =	simm.s32 $0x10000;
	s0 =	sadd.s32 s1, s0  }
0x49: {  	[tilespmem:s25], [sflag:$0x4] =	stream.linear.gather [hbm4b:s0+s3], $0x80, $0x38;
	[tilespmem:$0x19480] =	vst v63  }
0x4a: {  	s31 =	simm.s32 $0x100;
	s29 =	simm.s32 $0x200;
	s0 =	simm.s32 $0x80  }
.LBB2_6:
0x4b: {  	s2 =	sand.u32 $0x200, s29;
	p0 =	sne.s32 s29, $0x6200;
	s13 =	sadd.s32 $0x100, s25  }
0x4c: {  	s0 =	sand.u32 $0x280, s0;
	s22 =	sadd.s32 $0x80, s25;
	s30 =	sand.u32 $0x380, s30  }
0x4d: {  	s23 =	sand.u32 $0x3E0000, s28;
	s31 =	sand.u32 $0x300, s31;
	s0 =	sor.u32 s0, s7  }
0x4e: {  	s2 =	sor.u32 s7, s2;
	s31 =	sor.u32 s31, s7;
	s0 =	sor.u32 s26, s0  }
0x4f: {  	s30 =	sor.u32 s30, s7;
	s31 =	sor.u32 s26, s31;
	s0 =	sshrl.u32 s0, $0x3  }
0x50: {  	s26 =	sor.u32 s26, s30;
	s31 =	sshrl.u32 s31, $0x3;
	s0 =	sadd.s32 s1, s0  }
0x51: {  	[tilespmem:s22], [sflag:$0x4] =	stream.linear.gather [hbm4b:s0+s3], $0x80, $0x38;
	[tilespmem:$0x19480] =	vst v63  }
0x52: {  	s0 =	sor.u32 s23, s2;
	s2 =	sadd.s32 s1, s31;
	s22 =	sshrl.u32 s26, $0x3  }
0x53: {  	[tilespmem:s13], [sflag:$0x4] =	stream.linear.gather [hbm4b:s2+s3], $0x80, $0x38;
	[tilespmem:$0x19480] =	vst v63  }
0x54: {  	s0 =	sshrl.u32 s0, $0x3;
	s2 =	sadd.s32 $0x180, s25;
	s13 =	sadd.s32 s1, s22  }
0x55: {  	[tilespmem:s2], [sflag:$0x4] =	stream.linear.gather [hbm4b:s13+s3], $0x80, $0x38;
	[tilespmem:$0x19480] =	vst v63  }
.Ltmp2:
0x56: {  	_ = 	snop;
	(pc) =	sbr.rel @p0 .LBB2_6-.Ltmp2, $4  }
0x57: {  	s26 =	smov.u32 s23;
	s0 =	sadd.s32 s1, s0;
	s25 =	sadd.s32 $0x200, s25  }
0x58: {  	[tilespmem:s25], [sflag:$0x4] =	stream.linear.gather [hbm4b:s0+s3], $0x80, $0x38;
	[tilespmem:$0x19480] =	vst v63  }
0x59: {  	s28 =	sadd.s32 $0x10000, s28;
	s30 =	sadd.s32 $0x180, s29  }
0x5a: {  	s31 =	sadd.s32 $0x100, s29;
	s0 =	sadd.s32 $0x80, s29;
	s29 =	sadd.s32 $0x200, s29  }
0x5b: {  	s0 =	sand.u32 $0x280, s0  }
0x5c: {  	s2 =	sadd.s32 $0x80, s25;
	s13 =	sand.u32 $0x300, s31;
	s0 =	sor.u32 s0, s7  }
0x5d: {  	s22 =	sand.u32 $0x380, s30;
	s13 =	sor.u32 s13, s7;
	s0 =	sor.u32 s26, s0  }
0x5e: {  	s22 =	sor.u32 s22, s7;
	s13 =	sor.u32 s26, s13;
	s0 =	sshrl.u32 s0, $0x3  }
0x5f: {  	s22 =	sor.u32 s26, s22;
	s13 =	sshrl.u32 s13, $0x3;
	s0 =	sadd.s32 s1, s0  }
0x60: {  	[tilespmem:s2], [sflag:$0x4] =	stream.linear.gather [hbm4b:s0+s3], $0x80, $0x38;
	[tilespmem:$0x19480] =	vst v63  }
0x61: {  	s26 =	sadd.s32 $0x100, s25;
	s29 =	sshrl.u32 s22, $0x3;
	s28 =	sadd.s32 s1, s13  }
0x62: {  	[tilespmem:s26], [sflag:$0x4] =	stream.linear.gather [hbm4b:s28+s3], $0x80, $0x38;
	[tilespmem:$0x19480] =	vst v63  }
0x63: {  	s30 =	sadd.s32 $0x180, s25;
	s31 =	sadd.s32 s1, s29  }
0x64: {  	[tilespmem:s30], [sflag:$0x4] =	stream.linear.gather [hbm4b:s31+s3], $0x80, $0x38;
	[tilespmem:$0x19480] =	vst v63  }
0x65: {  	_ =	swait.ge [sflag:s17], $0x80  }
0x66: {  	[sflag:s17] =	ssyncset.done $0x0  }
0x67: {  	[sflag:s17] =	ssyncadd.s32 $0xFFFFFF80  }
0x68: {  	_ =	swait.ge [sflag:s17], $0x80  }
0x69: {  	[sflag:s17] =	ssyncset.done $0x0  }
0x6a: {  	[sflag:s17] =	ssyncadd.s32 $0xFFFFFF80  }
0x6b: {  	_ =	swait.ge [sflag:s17], $0x80  }
0x6c: {  	[sflag:s17] =	ssyncset.done $0x0  }
0x6d: {  	[sflag:s17] =	ssyncadd.s32 $0xFFFFFF80  }
0x6e: {  	_ =	swait.ge [sflag:s17], $0x80  }
0x6f: {  	s25 =	simm.s32 $0x31;
	[sflag:s17] =	ssyncset.done $0x0  }
.LBB2_8:
0x70: {  	p0 =	sne.s32 s25, $0x1;
	s25 =	sadd.s32 $0xFFFFFFFF, s25;
	[sflag:s17] =	ssyncadd.s32 $0xFFFFFF80  }
0x71: {  	_ =	swait.ge [sflag:s17], $0x80  }
0x72: {  	[sflag:s17] =	ssyncset.done $0x0  }
0x73: {  	[sflag:s17] =	ssyncadd.s32 $0xFFFFFF80  }
0x74: {  	_ =	swait.ge [sflag:s17], $0x80  }
0x75: {  	[sflag:s17] =	ssyncset.done $0x0  }
0x76: {  	[sflag:s17] =	ssyncadd.s32 $0xFFFFFF80  }
.Ltmp3:
0x77: {  	_ =	swait.ge [sflag:s17], $0x80;
	(pc) =	sbr.rel @p0 .LBB2_8-.Ltmp3, $4  }
0x78: {  	[sflag:s17] =	ssyncset.done $0x0  }
0x79: {  	[sflag:s17] =	ssyncadd.s32 $0xFFFFFF80  }
0x7a: {  	_ =	swait.ge [sflag:s17], $0x80  }
0x7b: {  	[sflag:s17] =	ssyncset.done $0x0  }
0x7c: {  	[sflag:s17] =	ssyncadd.s32 $0xFFFFFF80  }
0x7d: {  	[tilespmem:s19], [sflag:$0x2] =	stream.indirect.gather [hbm4b:s4+s18], $0x1, s18, s18, $0xb8;
	[tilespmem:$0x19480] =	vst v63  }
0x7e: {  	_ =	swait.ge [sflag:s20], $0x6400  }
0x7f: {  	[sflag:s20] =	ssyncset.done $0x0  }
0x80: {  	[sflag:s20] =	ssyncadd.s32 $0xFFFF9C00  }
0x81: {  	s2 =	simm.s32 $0x80;
	v1 =	vld [tilespmem:$0xC800]  }
0x82: {  	s0 =	simm.s32 $0x400;
	v2 =	vld [tilespmem:s2+$0xC800]  }
.LBB2_10:
0x83: {  	p0 =	sne.s32 s0, $0x18E00  }
.Ltmp4:
0x84: {  	_ = 	snop;
	(pc) =	sbr.rel @p0 .LBB2_10-.Ltmp4, $3  }
0x85: {  	_ =	sdelay $0x1  }
0x86: {  	s2 =	sshra.s32 s0, $0x2;
	s0 =	sadd.s32 $0x200, s0;
	v1 =	vadd.f32 v2, v1  }
0x87: {  	v2 =	vld [tilespmem:s2+$0xC800]  }
0x88: {  	_ =	sdelay $0x3  }
0x89: {  	v1 =	vadd.f32 v2, v1;
	_ =	sdelay $0x1  }
0x8a: {  	v1 =	vadd.f32 v1, v0;
	_ =	sdelay $0x1  }
0x8b: {  	v1 =	vsub.f32 $0.0e+00, v1;
	_ =	sdelay $0x1  }
0x8c: {  	v1 =	vmul.f32 $1.442695020e+00, v1;
	_ =	sdelay $0x1  }
0x8d: {  	(erf) = vpow2.f32 v1;
	_ =	sdelay $0x8  }
0x8e: {  	v1 =	vpop (erf)  }
0x8f: {  	v1 =	vadd.f32 $1.000000000e+00, v1;
	_ =	sdelay $0x1  }
0x90: {  	(erf) = vrcp.f32 v1;
	_ =	sdelay $0x8  }
0x91: {  	v1 =	vpop (erf)  }
0x92: {  	v2 =	vsub.f32 $1.000000000e+00, v1  }
0x93: {  	[tilespmem:$0x19000] =	vst v1  }
0x94: {  	s2 =	simm.s32 $0x90;
	v1 =	vld [tilespmem:$0xC810];
	[tilespmem:$0x19200] =	vst v2  }
0x95: {  	s0 =	simm.s32 $0x440;
	v2 =	vld [tilespmem:s2+$0xC800]  }
.LBB2_12:
0x96: {  	p0 =	sne.s32 s0, $0x18E40  }
.Ltmp5:
0x97: {  	_ = 	snop;
	(pc) =	sbr.rel @p0 .LBB2_12-.Ltmp5, $3  }
0x98: {  	_ =	sdelay $0x1  }
0x99: {  	s2 =	sshra.s32 s0, $0x2;
	s0 =	sadd.s32 $0x200, s0;
	v1 =	vadd.f32 v2, v1  }
0x9a: {  	v2 =	vld [tilespmem:s2+$0xC800]  }
0x9b: {  	_ =	sdelay $0x3  }
0x9c: {  	v1 =	vadd.f32 v2, v1;
	_ =	sdelay $0x1  }
0x9d: {  	v1 =	vadd.f32 v1, v0;
	_ =	sdelay $0x1  }
0x9e: {  	v1 =	vsub.f32 $0.0e+00, v1;
	_ =	sdelay $0x1  }
0x9f: {  	v1 =	vmul.f32 $1.442695020e+00, v1;
	_ =	sdelay $0x1  }
0xa0: {  	(erf) = vpow2.f32 v1;
	_ =	sdelay $0x8  }
0xa1: {  	v1 =	vpop (erf)  }
0xa2: {  	v1 =	vadd.f32 $1.000000000e+00, v1;
	_ =	sdelay $0x1  }
0xa3: {  	(erf) = vrcp.f32 v1;
	_ =	sdelay $0x8  }
0xa4: {  	v1 =	vpop (erf)  }
0xa5: {  	v2 =	vsub.f32 $1.000000000e+00, v1  }
0xa6: {  	[tilespmem:$0x19010] =	vst v1  }
0xa7: {  	s2 =	simm.s32 $0xA0;
	v1 =	vld [tilespmem:$0xC820];
	[tilespmem:$0x19210] =	vst v2  }
0xa8: {  	s0 =	simm.s32 $0x480;
	v2 =	vld [tilespmem:s2+$0xC800]  }
.LBB2_14:
0xa9: {  	p0 =	sne.s32 s0, $0x18E80  }
.Ltmp6:
0xaa: {  	_ = 	snop;
	(pc) =	sbr.rel @p0 .LBB2_14-.Ltmp6, $3  }
0xab: {  	_ =	sdelay $0x1  }
0xac: {  	s2 =	sshra.s32 s0, $0x2;
	s0 =	sadd.s32 $0x200, s0;
	v1 =	vadd.f32 v2, v1  }
0xad: {  	v2 =	vld [tilespmem:s2+$0xC800]  }
0xae: {  	_ =	sdelay $0x3  }
0xaf: {  	v1 =	vadd.f32 v2, v1;
	_ =	sdelay $0x1  }
0xb0: {  	v1 =	vadd.f32 v1, v0;
	_ =	sdelay $0x1  }
0xb1: {  	v1 =	vsub.f32 $0.0e+00, v1;
	_ =	sdelay $0x1  }
0xb2: {  	v1 =	vmul.f32 $1.442695020e+00, v1;
	_ =	sdelay $0x1  }
0xb3: {  	(erf) = vpow2.f32 v1;
	_ =	sdelay $0x8  }
0xb4: {  	v1 =	vpop (erf)  }
0xb5: {  	v1 =	vadd.f32 $1.000000000e+00, v1;
	_ =	sdelay $0x1  }
0xb6: {  	(erf) = vrcp.f32 v1;
	_ =	sdelay $0x8  }
0xb7: {  	v1 =	vpop (erf)  }
0xb8: {  	v2 =	vsub.f32 $1.000000000e+00, v1  }
0xb9: {  	[tilespmem:$0x19020] =	vst v1  }
0xba: {  	s2 =	simm.s32 $0xB0;
	v1 =	vld [tilespmem:$0xC830];
	[tilespmem:$0x19220] =	vst v2  }
0xbb: {  	s0 =	simm.s32 $0x4C0;
	v2 =	vld [tilespmem:s2+$0xC800]  }
.LBB2_16:
0xbc: {  	p0 =	sne.s32 s0, $0x18EC0  }
.Ltmp7:
0xbd: {  	_ = 	snop;
	(pc) =	sbr.rel @p0 .LBB2_16-.Ltmp7, $3  }
0xbe: {  	_ =	sdelay $0x1  }
0xbf: {  	s2 =	sshra.s32 s0, $0x2;
	s0 =	sadd.s32 $0x200, s0;
	v1 =	vadd.f32 v2, v1  }
0xc0: {  	v2 =	vld [tilespmem:s2+$0xC800]  }
0xc1: {  	_ =	sdelay $0x3  }
0xc2: {  	v1 =	vadd.f32 v2, v1;
	_ =	sdelay $0x1  }
0xc3: {  	v1 =	vadd.f32 v1, v0;
	_ =	sdelay $0x1  }
0xc4: {  	v1 =	vsub.f32 $0.0e+00, v1;
	_ =	sdelay $0x1  }
0xc5: {  	v1 =	vmul.f32 $1.442695020e+00, v1;
	_ =	sdelay $0x1  }
0xc6: {  	(erf) = vpow2.f32 v1;
	_ =	sdelay $0x8  }
0xc7: {  	v1 =	vpop (erf)  }
0xc8: {  	v1 =	vadd.f32 $1.000000000e+00, v1;
	_ =	sdelay $0x1  }
0xc9: {  	(erf) = vrcp.f32 v1;
	_ =	sdelay $0x8  }
0xca: {  	v1 =	vpop (erf)  }
0xcb: {  	v2 =	vsub.f32 $1.000000000e+00, v1  }
0xcc: {  	[tilespmem:$0x19030] =	vst v1  }
0xcd: {  	s2 =	simm.s32 $0xC0;
	v1 =	vld [tilespmem:$0xC840];
	[tilespmem:$0x19230] =	vst v2  }
0xce: {  	s0 =	simm.s32 $0x500;
	v2 =	vld [tilespmem:s2+$0xC800]  }
.LBB2_18:
0xcf: {  	p0 =	sne.s32 s0, $0x18F00  }
.Ltmp8:
0xd0: {  	_ = 	snop;
	(pc) =	sbr.rel @p0 .LBB2_18-.Ltmp8, $3  }
0xd1: {  	_ =	sdelay $0x1  }
0xd2: {  	s2 =	sshra.s32 s0, $0x2;
	s0 =	sadd.s32 $0x200, s0;
	v1 =	vadd.f32 v2, v1  }
0xd3: {  	v2 =	vld [tilespmem:s2+$0xC800]  }
0xd4: {  	_ =	sdelay $0x3  }
0xd5: {  	v1 =	vadd.f32 v2, v1;
	_ =	sdelay $0x1  }
0xd6: {  	v1 =	vadd.f32 v1, v0;
	_ =	sdelay $0x1  }
0xd7: {  	v1 =	vsub.f32 $0.0e+00, v1;
	_ =	sdelay $0x1  }
0xd8: {  	v1 =	vmul.f32 $1.442695020e+00, v1;
	_ =	sdelay $0x1  }
0xd9: {  	(erf) = vpow2.f32 v1;
	_ =	sdelay $0x8  }
0xda: {  	v1 =	vpop (erf)  }
0xdb: {  	v1 =	vadd.f32 $1.000000000e+00, v1;
	_ =	sdelay $0x1  }
0xdc: {  	(erf) = vrcp.f32 v1;
	_ =	sdelay $0x8  }
0xdd: {  	v1 =	vpop (erf)  }
0xde: {  	v2 =	vsub.f32 $1.000000000e+00, v1  }
0xdf: {  	[tilespmem:$0x19040] =	vst v1  }
0xe0: {  	s2 =	simm.s32 $0xD0;
	v1 =	vld [tilespmem:$0xC850];
	[tilespmem:$0x19240] =	vst v2  }
0xe1: {  	s0 =	simm.s32 $0x540;
	v2 =	vld [tilespmem:s2+$0xC800]  }
.LBB2_20:
0xe2: {  	p0 =	sne.s32 s0, $0x18F40  }
.Ltmp9:
0xe3: {  	_ = 	snop;
	(pc) =	sbr.rel @p0 .LBB2_20-.Ltmp9, $3  }
0xe4: {  	_ =	sdelay $0x1  }
0xe5: {  	s2 =	sshra.s32 s0, $0x2;
	s0 =	sadd.s32 $0x200, s0;
	v1 =	vadd.f32 v2, v1  }
0xe6: {  	v2 =	vld [tilespmem:s2+$0xC800]  }
0xe7: {  	_ =	sdelay $0x3  }
0xe8: {  	v1 =	vadd.f32 v2, v1;
	_ =	sdelay $0x1  }
0xe9: {  	v1 =	vadd.f32 v1, v0;
	_ =	sdelay $0x1  }
0xea: {  	v1 =	vsub.f32 $0.0e+00, v1;
	_ =	sdelay $0x1  }
0xeb: {  	v1 =	vmul.f32 $1.442695020e+00, v1;
	_ =	sdelay $0x1  }
0xec: {  	(erf) = vpow2.f32 v1;
	_ =	sdelay $0x8  }
0xed: {  	v1 =	vpop (erf)  }
0xee: {  	v1 =	vadd.f32 $1.000000000e+00, v1;
	_ =	sdelay $0x1  }
0xef: {  	(erf) = vrcp.f32 v1;
	_ =	sdelay $0x8  }
0xf0: {  	v1 =	vpop (erf)  }
0xf1: {  	v2 =	vsub.f32 $1.000000000e+00, v1  }
0xf2: {  	[tilespmem:$0x19050] =	vst v1  }
0xf3: {  	s2 =	simm.s32 $0xE0;
	v1 =	vld [tilespmem:$0xC860];
	[tilespmem:$0x19250] =	vst v2  }
0xf4: {  	s0 =	simm.s32 $0x580;
	v2 =	vld [tilespmem:s2+$0xC800]  }
.LBB2_22:
0xf5: {  	p0 =	sne.s32 s0, $0x18F80  }
.Ltmp10:
0xf6: {  	_ = 	snop;
	(pc) =	sbr.rel @p0 .LBB2_22-.Ltmp10, $3  }
0xf7: {  	_ =	sdelay $0x1  }
0xf8: {  	s2 =	sshra.s32 s0, $0x2;
	s0 =	sadd.s32 $0x200, s0;
	v1 =	vadd.f32 v2, v1  }
0xf9: {  	v2 =	vld [tilespmem:s2+$0xC800]  }
0xfa: {  	_ =	sdelay $0x3  }
0xfb: {  	v1 =	vadd.f32 v2, v1;
	_ =	sdelay $0x1  }
0xfc: {  	v1 =	vadd.f32 v1, v0;
	_ =	sdelay $0x1  }
0xfd: {  	v1 =	vsub.f32 $0.0e+00, v1;
	_ =	sdelay $0x1  }
0xfe: {  	v1 =	vmul.f32 $1.442695020e+00, v1;
	_ =	sdelay $0x1  }
0xff: {  	(erf) = vpow2.f32 v1;
	_ =	sdelay $0x8  }
0x100: {  	v1 =	vpop (erf)  }
0x101: {  	v1 =	vadd.f32 $1.000000000e+00, v1;
	_ =	sdelay $0x1  }
0x102: {  	(erf) = vrcp.f32 v1;
	_ =	sdelay $0x8  }
0x103: {  	v1 =	vpop (erf)  }
0x104: {  	v2 =	vsub.f32 $1.000000000e+00, v1  }
0x105: {  	[tilespmem:$0x19060] =	vst v1  }
0x106: {  	s2 =	simm.s32 $0xF0;
	v1 =	vld [tilespmem:$0xC870];
	[tilespmem:$0x19260] =	vst v2  }
0x107: {  	s0 =	simm.s32 $0x5C0;
	v2 =	vld [tilespmem:s2+$0xC800]  }
.LBB2_24:
0x108: {  	p0 =	sne.s32 s0, $0x18FC0  }
.Ltmp11:
0x109: {  	_ = 	snop;
	(pc) =	sbr.rel @p0 .LBB2_24-.Ltmp11, $3  }
0x10a: {  	_ =	sdelay $0x1  }
0x10b: {  	s2 =	sshra.s32 s0, $0x2;
	s0 =	sadd.s32 $0x200, s0;
	v1 =	vadd.f32 v2, v1  }
0x10c: {  	v2 =	vld [tilespmem:s2+$0xC800]  }
0x10d: {  	_ =	sdelay $0x3  }
0x10e: {  	v1 =	vadd.f32 v2, v1;
	_ =	sdelay $0x1  }
0x10f: {  	v1 =	vadd.f32 v1, v0;
	_ =	sdelay $0x1  }
0x110: {  	v1 =	vsub.f32 $0.0e+00, v1;
	_ =	sdelay $0x1  }
0x111: {  	v1 =	vmul.f32 $1.442695020e+00, v1;
	_ =	sdelay $0x1  }
0x112: {  	(erf) = vpow2.f32 v1;
	_ =	sdelay $0x8  }
0x113: {  	v1 =	vpop (erf)  }
0x114: {  	v1 =	vadd.f32 $1.000000000e+00, v1;
	_ =	sdelay $0x1  }
0x115: {  	(erf) = vrcp.f32 v1;
	_ =	sdelay $0x6  }
0x116: {  	s25 =	simm.s32 $0x0  }
0x117: {  	s0 =	sand.u32 $0x200, s25  }
0x118: {  	s26 =	sand.u32 $0x3E0000, s25;
	s0 =	sor.u32 s8, s0;
	v1 =	vpop (erf)  }
0x119: {  	s0 =	sor.u32 s26, s0;
	v2 =	vsub.f32 $1.000000000e+00, v1  }
0x11a: {  	s0 =	sshrl.u32 s0, $0x3;
	[tilespmem:$0x19070] =	vst v1  }
0x11b: {  	s30 =	simm.s32 $0x180;
	s28 =	simm.s32 $0x10000;
	s0 =	sadd.s32 s1, s0;
	[tilespmem:$0x19270] =	vst v2  }
0x11c: {  	[tilespmem:s25], [sflag:$0x3] =	stream.linear.gather [hbm4b:s0+s3], $0x80, $0x38;
	[tilespmem:$0x19480] =	vst v63  }
0x11d: {  	s31 =	simm.s32 $0x100;
	s29 =	simm.s32 $0x200;
	s0 =	simm.s32 $0x80  }
.LBB2_26:
0x11e: {  	s2 =	sand.u32 $0x200, s29;
	p0 =	sne.s32 s29, $0x6200;
	s13 =	sadd.s32 $0x100, s25  }
0x11f: {  	s0 =	sand.u32 $0x280, s0;
	s22 =	sadd.s32 $0x80, s25;
	s23 =	sand.u32 $0x380, s30  }
0x120: {  	s30 =	sand.u32 $0x3E0000, s28;
	s31 =	sand.u32 $0x300, s31;
	s0 =	sor.u32 s0, s8  }
0x121: {  	s2 =	sor.u32 s8, s2;
	s31 =	sor.u32 s31, s8;
	s0 =	sor.u32 s26, s0  }
0x122: {  	s23 =	sor.u32 s23, s8;
	s31 =	sor.u32 s26, s31;
	s0 =	sshrl.u32 s0, $0x3  }
0x123: {  	s23 =	sor.u32 s26, s23;
	s31 =	sshrl.u32 s31, $0x3;
	s0 =	sadd.s32 s1, s0  }
0x124: {  	[tilespmem:s22], [sflag:$0x3] =	stream.linear.gather [hbm4b:s0+s3], $0x80, $0x38;
	[tilespmem:$0x19480] =	vst v63  }
0x125: {  	s0 =	sor.u32 s30, s2;
	s2 =	sadd.s32 s1, s31;
	s22 =	sshrl.u32 s23, $0x3  }
0x126: {  	[tilespmem:s13], [sflag:$0x3] =	stream.linear.gather [hbm4b:s2+s3], $0x80, $0x38;
	[tilespmem:$0x19480] =	vst v63  }
0x127: {  	s0 =	sshrl.u32 s0, $0x3;
	s2 =	sadd.s32 $0x180, s25;
	s13 =	sadd.s32 s1, s22  }
0x128: {  	[tilespmem:s2], [sflag:$0x3] =	stream.linear.gather [hbm4b:s13+s3], $0x80, $0x38;
	[tilespmem:$0x19480] =	vst v63  }
.Ltmp12:
0x129: {  	_ = 	snop;
	(pc) =	sbr.rel @p0 .LBB2_26-.Ltmp12, $4  }
0x12a: {  	s26 =	smov.u32 s30;
	s0 =	sadd.s32 s1, s0;
	s25 =	sadd.s32 $0x200, s25  }
0x12b: {  	[tilespmem:s25], [sflag:$0x3] =	stream.linear.gather [hbm4b:s0+s3], $0x80, $0x38;
	[tilespmem:$0x19480] =	vst v63  }
0x12c: {  	s28 =	sadd.s32 $0x10000, s28;
	s30 =	sadd.s32 $0x180, s29  }
0x12d: {  	s31 =	sadd.s32 $0x100, s29;
	s0 =	sadd.s32 $0x80, s29;
	s29 =	sadd.s32 $0x200, s29  }
0x12e: {  	s0 =	sand.u32 $0x280, s0  }
0x12f: {  	s2 =	sadd.s32 $0x80, s25;
	s13 =	sand.u32 $0x300, s31;
	s0 =	sor.u32 s0, s8  }
0x130: {  	s22 =	sand.u32 $0x380, s30;
	s13 =	sor.u32 s13, s8;
	s0 =	sor.u32 s26, s0  }
0x131: {  	s22 =	sor.u32 s22, s8;
	s13 =	sor.u32 s26, s13;
	s0 =	sshrl.u32 s0, $0x3  }
0x132: {  	s22 =	sor.u32 s26, s22;
	s13 =	sshrl.u32 s13, $0x3;
	s0 =	sadd.s32 s1, s0  }
0x133: {  	[tilespmem:s2], [sflag:$0x3] =	stream.linear.gather [hbm4b:s0+s3], $0x80, $0x38;
	[tilespmem:$0x19480] =	vst v63  }
0x134: {  	s26 =	sadd.s32 $0x100, s25;
	s29 =	sshrl.u32 s22, $0x3;
	s28 =	sadd.s32 s1, s13  }
0x135: {  	[tilespmem:s26], [sflag:$0x3] =	stream.linear.gather [hbm4b:s28+s3], $0x80, $0x38;
	[tilespmem:$0x19480] =	vst v63  }
0x136: {  	s30 =	sadd.s32 $0x180, s25;
	s31 =	sadd.s32 s1, s29  }
0x137: {  	[tilespmem:s30], [sflag:$0x3] =	stream.linear.gather [hbm4b:s31+s3], $0x80, $0x38;
	[tilespmem:$0x19480] =	vst v63  }
0x138: {  	_ =	swait.ge [sflag:s15], $0x80  }
0x139: {  	[sflag:s15] =	ssyncset.done $0x0  }
0x13a: {  	[sflag:s15] =	ssyncadd.s32 $0xFFFFFF80  }
0x13b: {  	_ =	swait.ge [sflag:s15], $0x80  }
0x13c: {  	[sflag:s15] =	ssyncset.done $0x0  }
0x13d: {  	[sflag:s15] =	ssyncadd.s32 $0xFFFFFF80  }
0x13e: {  	_ =	swait.ge [sflag:s15], $0x80  }
0x13f: {  	[sflag:s15] =	ssyncset.done $0x0  }
0x140: {  	[sflag:s15] =	ssyncadd.s32 $0xFFFFFF80  }
0x141: {  	_ =	swait.ge [sflag:s15], $0x80  }
0x142: {  	s25 =	simm.s32 $0x31;
	[sflag:s15] =	ssyncset.done $0x0  }
.LBB2_28:
0x143: {  	p0 =	sne.s32 s25, $0x1;
	s25 =	sadd.s32 $0xFFFFFFFF, s25;
	[sflag:s15] =	ssyncadd.s32 $0xFFFFFF80  }
0x144: {  	_ =	swait.ge [sflag:s15], $0x80  }
0x145: {  	[sflag:s15] =	ssyncset.done $0x0  }
0x146: {  	[sflag:s15] =	ssyncadd.s32 $0xFFFFFF80  }
0x147: {  	_ =	swait.ge [sflag:s15], $0x80  }
0x148: {  	[sflag:s15] =	ssyncset.done $0x0  }
0x149: {  	[sflag:s15] =	ssyncadd.s32 $0xFFFFFF80  }
.Ltmp13:
0x14a: {  	_ =	swait.ge [sflag:s15], $0x80;
	(pc) =	sbr.rel @p0 .LBB2_28-.Ltmp13, $4  }
0x14b: {  	[sflag:s15] =	ssyncset.done $0x0  }
0x14c: {  	[sflag:s15] =	ssyncadd.s32 $0xFFFFFF80  }
0x14d: {  	_ =	swait.ge [sflag:s15], $0x80  }
0x14e: {  	[sflag:s15] =	ssyncset.done $0x0  }
0x14f: {  	[sflag:s15] =	ssyncadd.s32 $0xFFFFFF80  }
0x150: {  	[tilespmem:s16], [sflag:$0x1] =	stream.indirect.gather [hbm4b:s4+s18], $0x1, s3, s18, $0xb8;
	[tilespmem:$0x19480] =	vst v63  }
0x151: {  	_ =	swait.ge [sflag:s21], $0x6400  }
0x152: {  	[sflag:s21] =	ssyncset.done $0x0  }
0x153: {  	[sflag:s21] =	ssyncadd.s32 $0xFFFF9C00  }
0x154: {  	s2 =	simm.s32 $0x80;
	v1 =	vld [tilespmem:$0x12C00]  }
0x155: {  	s0 =	simm.s32 $0x400;
	v2 =	vld [tilespmem:s2+$0x12C00]  }
.LBB2_30:
0x156: {  	p0 =	sne.s32 s0, $0x18E00  }
.Ltmp14:
0x157: {  	_ = 	snop;
	(pc) =	sbr.rel @p0 .LBB2_30-.Ltmp14, $3  }
0x158: {  	_ =	sdelay $0x1  }
0x159: {  	s2 =	sshra.s32 s0, $0x2;
	s0 =	sadd.s32 $0x200, s0;
	v1 =	vadd.f32 v2, v1  }
0x15a: {  	v2 =	vld [tilespmem:s2+$0x12C00]  }
0x15b: {  	_ =	sdelay $0x3  }
0x15c: {  	v1 =	vadd.f32 v2, v1;
	_ =	sdelay $0x1  }
0x15d: {  	v1 =	vadd.f32 v1, v0;
	_ =	sdelay $0x1  }
0x15e: {  	v1 =	vsub.f32 $0.0e+00, v1;
	_ =	sdelay $0x1  }
0x15f: {  	v1 =	vmul.f32 $1.442695020e+00, v1;
	_ =	sdelay $0x1  }
0x160: {  	(erf) = vpow2.f32 v1;
	_ =	sdelay $0x8  }
0x161: {  	v1 =	vpop (erf)  }
0x162: {  	v1 =	vadd.f32 $1.000000000e+00, v1;
	_ =	sdelay $0x1  }
0x163: {  	(erf) = vrcp.f32 v1;
	_ =	sdelay $0x8  }
0x164: {  	v1 =	vpop (erf)  }
0x165: {  	v2 =	vsub.f32 $1.000000000e+00, v1  }
0x166: {  	[tilespmem:$0x19080] =	vst v1  }
0x167: {  	s2 =	simm.s32 $0x90;
	v1 =	vld [tilespmem:$0x12C10];
	[tilespmem:$0x19280] =	vst v2  }
0x168: {  	s0 =	simm.s32 $0x440;
	v2 =	vld [tilespmem:s2+$0x12C00]  }
.LBB2_32:
0x169: {  	p0 =	sne.s32 s0, $0x18E40  }
.Ltmp15:
0x16a: {  	_ = 	snop;
	(pc) =	sbr.rel @p0 .LBB2_32-.Ltmp15, $3  }
0x16b: {  	_ =	sdelay $0x1  }
0x16c: {  	s2 =	sshra.s32 s0, $0x2;
	s0 =	sadd.s32 $0x200, s0;
	v1 =	vadd.f32 v2, v1  }
0x16d: {  	v2 =	vld [tilespmem:s2+$0x12C00]  }
0x16e: {  	_ =	sdelay $0x3  }
0x16f: {  	v1 =	vadd.f32 v2, v1;
	_ =	sdelay $0x1  }
0x170: {  	v1 =	vadd.f32 v1, v0;
	_ =	sdelay $0x1  }
0x171: {  	v1 =	vsub.f32 $0.0e+00, v1;
	_ =	sdelay $0x1  }
0x172: {  	v1 =	vmul.f32 $1.442695020e+00, v1;
	_ =	sdelay $0x1  }
0x173: {  	(erf) = vpow2.f32 v1;
	_ =	sdelay $0x8  }
0x174: {  	v1 =	vpop (erf)  }
0x175: {  	v1 =	vadd.f32 $1.000000000e+00, v1;
	_ =	sdelay $0x1  }
0x176: {  	(erf) = vrcp.f32 v1;
	_ =	sdelay $0x8  }
0x177: {  	v1 =	vpop (erf)  }
0x178: {  	v2 =	vsub.f32 $1.000000000e+00, v1  }
0x179: {  	[tilespmem:$0x19090] =	vst v1  }
0x17a: {  	s2 =	simm.s32 $0xA0;
	v1 =	vld [tilespmem:$0x12C20];
	[tilespmem:$0x19290] =	vst v2  }
0x17b: {  	s0 =	simm.s32 $0x480;
	v2 =	vld [tilespmem:s2+$0x12C00]  }
.LBB2_34:
0x17c: {  	p0 =	sne.s32 s0, $0x18E80  }
.Ltmp16:
0x17d: {  	_ = 	snop;
	(pc) =	sbr.rel @p0 .LBB2_34-.Ltmp16, $3  }
0x17e: {  	_ =	sdelay $0x1  }
0x17f: {  	s2 =	sshra.s32 s0, $0x2;
	s0 =	sadd.s32 $0x200, s0;
	v1 =	vadd.f32 v2, v1  }
0x180: {  	v2 =	vld [tilespmem:s2+$0x12C00]  }
0x181: {  	_ =	sdelay $0x3  }
0x182: {  	v1 =	vadd.f32 v2, v1;
	_ =	sdelay $0x1  }
0x183: {  	v1 =	vadd.f32 v1, v0;
	_ =	sdelay $0x1  }
0x184: {  	v1 =	vsub.f32 $0.0e+00, v1;
	_ =	sdelay $0x1  }
0x185: {  	v1 =	vmul.f32 $1.442695020e+00, v1;
	_ =	sdelay $0x1  }
0x186: {  	(erf) = vpow2.f32 v1;
	_ =	sdelay $0x8  }
0x187: {  	v1 =	vpop (erf)  }
0x188: {  	v1 =	vadd.f32 $1.000000000e+00, v1;
	_ =	sdelay $0x1  }
0x189: {  	(erf) = vrcp.f32 v1;
	_ =	sdelay $0x8  }
0x18a: {  	v1 =	vpop (erf)  }
0x18b: {  	v2 =	vsub.f32 $1.000000000e+00, v1  }
0x18c: {  	[tilespmem:$0x190A0] =	vst v1  }
0x18d: {  	s2 =	simm.s32 $0xB0;
	v1 =	vld [tilespmem:$0x12C30];
	[tilespmem:$0x192A0] =	vst v2  }
0x18e: {  	s0 =	simm.s32 $0x4C0;
	v2 =	vld [tilespmem:s2+$0x12C00]  }
.LBB2_36:
0x18f: {  	p0 =	sne.s32 s0, $0x18EC0  }
.Ltmp17:
0x190: {  	_ = 	snop;
	(pc) =	sbr.rel @p0 .LBB2_36-.Ltmp17, $3  }
0x191: {  	_ =	sdelay $0x1  }
0x192: {  	s2 =	sshra.s32 s0, $0x2;
	s0 =	sadd.s32 $0x200, s0;
	v1 =	vadd.f32 v2, v1  }
0x193: {  	v2 =	vld [tilespmem:s2+$0x12C00]  }
0x194: {  	_ =	sdelay $0x3  }
0x195: {  	v1 =	vadd.f32 v2, v1;
	_ =	sdelay $0x1  }
0x196: {  	v1 =	vadd.f32 v1, v0;
	_ =	sdelay $0x1  }
0x197: {  	v1 =	vsub.f32 $0.0e+00, v1;
	_ =	sdelay $0x1  }
0x198: {  	v1 =	vmul.f32 $1.442695020e+00, v1;
	_ =	sdelay $0x1  }
0x199: {  	(erf) = vpow2.f32 v1;
	_ =	sdelay $0x8  }
0x19a: {  	v1 =	vpop (erf)  }
0x19b: {  	v1 =	vadd.f32 $1.000000000e+00, v1;
	_ =	sdelay $0x1  }
0x19c: {  	(erf) = vrcp.f32 v1;
	_ =	sdelay $0x8  }
0x19d: {  	v1 =	vpop (erf)  }
0x19e: {  	v2 =	vsub.f32 $1.000000000e+00, v1  }
0x19f: {  	[tilespmem:$0x190B0] =	vst v1  }
0x1a0: {  	s2 =	simm.s32 $0xC0;
	v1 =	vld [tilespmem:$0x12C40];
	[tilespmem:$0x192B0] =	vst v2  }
0x1a1: {  	s0 =	simm.s32 $0x500;
	v2 =	vld [tilespmem:s2+$0x12C00]  }
.LBB2_38:
0x1a2: {  	p0 =	sne.s32 s0, $0x18F00  }
.Ltmp18:
0x1a3: {  	_ = 	snop;
	(pc) =	sbr.rel @p0 .LBB2_38-.Ltmp18, $3  }
0x1a4: {  	_ =	sdelay $0x1  }
0x1a5: {  	s2 =	sshra.s32 s0, $0x2;
	s0 =	sadd.s32 $0x200, s0;
	v1 =	vadd.f32 v2, v1  }
0x1a6: {  	v2 =	vld [tilespmem:s2+$0x12C00]  }
0x1a7: {  	_ =	sdelay $0x3  }
0x1a8: {  	v1 =	vadd.f32 v2, v1;
	_ =	sdelay $0x1  }
0x1a9: {  	v1 =	vadd.f32 v1, v0;
	_ =	sdelay $0x1  }
0x1aa: {  	v1 =	vsub.f32 $0.0e+00, v1;
	_ =	sdelay $0x1  }
0x1ab: {  	v1 =	vmul.f32 $1.442695020e+00, v1;
	_ =	sdelay $0x1  }
0x1ac: {  	(erf) = vpow2.f32 v1;
	_ =	sdelay $0x8  }
0x1ad: {  	v1 =	vpop (erf)  }
0x1ae: {  	v1 =	vadd.f32 $1.000000000e+00, v1;
	_ =	sdelay $0x1  }
0x1af: {  	(erf) = vrcp.f32 v1;
	_ =	sdelay $0x8  }
0x1b0: {  	v1 =	vpop (erf)  }
0x1b1: {  	v2 =	vsub.f32 $1.000000000e+00, v1  }
0x1b2: {  	[tilespmem:$0x190C0] =	vst v1  }
0x1b3: {  	s2 =	simm.s32 $0xD0;
	v1 =	vld [tilespmem:$0x12C50];
	[tilespmem:$0x192C0] =	vst v2  }
0x1b4: {  	s0 =	simm.s32 $0x540;
	v2 =	vld [tilespmem:s2+$0x12C00]  }
.LBB2_40:
0x1b5: {  	p0 =	sne.s32 s0, $0x18F40  }
.Ltmp19:
0x1b6: {  	_ = 	snop;
	(pc) =	sbr.rel @p0 .LBB2_40-.Ltmp19, $3  }
0x1b7: {  	_ =	sdelay $0x1  }
0x1b8: {  	s2 =	sshra.s32 s0, $0x2;
	s0 =	sadd.s32 $0x200, s0;
	v1 =	vadd.f32 v2, v1  }
0x1b9: {  	v2 =	vld [tilespmem:s2+$0x12C00]  }
0x1ba: {  	_ =	sdelay $0x3  }
0x1bb: {  	v1 =	vadd.f32 v2, v1;
	_ =	sdelay $0x1  }
0x1bc: {  	v1 =	vadd.f32 v1, v0;
	_ =	sdelay $0x1  }
0x1bd: {  	v1 =	vsub.f32 $0.0e+00, v1;
	_ =	sdelay $0x1  }
0x1be: {  	v1 =	vmul.f32 $1.442695020e+00, v1;
	_ =	sdelay $0x1  }
0x1bf: {  	(erf) = vpow2.f32 v1;
	_ =	sdelay $0x8  }
0x1c0: {  	v1 =	vpop (erf)  }
0x1c1: {  	v1 =	vadd.f32 $1.000000000e+00, v1;
	_ =	sdelay $0x1  }
0x1c2: {  	(erf) = vrcp.f32 v1;
	_ =	sdelay $0x8  }
0x1c3: {  	v1 =	vpop (erf)  }
0x1c4: {  	v2 =	vsub.f32 $1.000000000e+00, v1  }
0x1c5: {  	[tilespmem:$0x190D0] =	vst v1  }
0x1c6: {  	s2 =	simm.s32 $0xE0;
	v1 =	vld [tilespmem:$0x12C60];
	[tilespmem:$0x192D0] =	vst v2  }
0x1c7: {  	s0 =	simm.s32 $0x580;
	v2 =	vld [tilespmem:s2+$0x12C00]  }
.LBB2_42:
0x1c8: {  	p0 =	sne.s32 s0, $0x18F80  }
.Ltmp20:
0x1c9: {  	_ = 	snop;
	(pc) =	sbr.rel @p0 .LBB2_42-.Ltmp20, $3  }
0x1ca: {  	_ =	sdelay $0x1  }
0x1cb: {  	s2 =	sshra.s32 s0, $0x2;
	s0 =	sadd.s32 $0x200, s0;
	v1 =	vadd.f32 v2, v1  }
0x1cc: {  	v2 =	vld [tilespmem:s2+$0x12C00]  }
0x1cd: {  	_ =	sdelay $0x3  }
0x1ce: {  	v1 =	vadd.f32 v2, v1;
	_ =	sdelay $0x1  }
0x1cf: {  	v1 =	vadd.f32 v1, v0;
	_ =	sdelay $0x1  }
0x1d0: {  	v1 =	vsub.f32 $0.0e+00, v1;
	_ =	sdelay $0x1  }
0x1d1: {  	v1 =	vmul.f32 $1.442695020e+00, v1;
	_ =	sdelay $0x1  }
0x1d2: {  	(erf) = vpow2.f32 v1;
	_ =	sdelay $0x8  }
0x1d3: {  	v1 =	vpop (erf)  }
0x1d4: {  	v1 =	vadd.f32 $1.000000000e+00, v1;
	_ =	sdelay $0x1  }
0x1d5: {  	(erf) = vrcp.f32 v1;
	_ =	sdelay $0x8  }
0x1d6: {  	v1 =	vpop (erf)  }
0x1d7: {  	v2 =	vsub.f32 $1.000000000e+00, v1  }
0x1d8: {  	[tilespmem:$0x190E0] =	vst v1  }
0x1d9: {  	s2 =	simm.s32 $0xF0;
	v1 =	vld [tilespmem:$0x12C70];
	[tilespmem:$0x192E0] =	vst v2  }
0x1da: {  	s0 =	simm.s32 $0x5C0;
	v2 =	vld [tilespmem:s2+$0x12C00]  }
.LBB2_44:
0x1db: {  	p0 =	sne.s32 s0, $0x18FC0  }
.Ltmp21:
0x1dc: {  	_ = 	snop;
	(pc) =	sbr.rel @p0 .LBB2_44-.Ltmp21, $3  }
0x1dd: {  	_ =	sdelay $0x1  }
0x1de: {  	s2 =	sshra.s32 s0, $0x2;
	s0 =	sadd.s32 $0x200, s0;
	v1 =	vadd.f32 v2, v1  }
0x1df: {  	v2 =	vld [tilespmem:s2+$0x12C00]  }
0x1e0: {  	_ =	sdelay $0x3  }
0x1e1: {  	v1 =	vadd.f32 v2, v1;
	_ =	sdelay $0x1  }
0x1e2: {  	v1 =	vadd.f32 v1, v0;
	_ =	sdelay $0x1  }
0x1e3: {  	v1 =	vsub.f32 $0.0e+00, v1;
	_ =	sdelay $0x1  }
0x1e4: {  	v1 =	vmul.f32 $1.442695020e+00, v1;
	_ =	sdelay $0x1  }
0x1e5: {  	(erf) = vpow2.f32 v1;
	_ =	sdelay $0x8  }
0x1e6: {  	v1 =	vpop (erf)  }
0x1e7: {  	v1 =	vadd.f32 $1.000000000e+00, v1;
	_ =	sdelay $0x1  }
0x1e8: {  	(erf) = vrcp.f32 v1;
	_ =	sdelay $0x6  }
0x1e9: {  	s0 =	simm.s32 $0x0  }
0x1ea: {  	s2 =	sand.u32 $0x200, s0  }
0x1eb: {  	s26 =	sand.u32 $0x3E0000, s0;
	s25 =	sor.u32 s9, s2;
	v1 =	vpop (erf)  }
0x1ec: {  	s0 =	sor.u32 s26, s25;
	v2 =	vsub.f32 $1.000000000e+00, v1  }
0x1ed: {  	s30 =	simm.s32 $0x180;
	s0 =	sshrl.u32 s0, $0x3;
	[tilespmem:$0x190F0] =	vst v1  }
0x1ee: {  	s28 =	simm.s32 $0x10000;
	s25 =	simm.s32 $0x6400;
	s0 =	sadd.s32 s1, s0;
	[tilespmem:$0x192F0] =	vst v2  }
0x1ef: {  	[tilespmem:s25], [sflag:$0x4] =	stream.linear.gather [hbm4b:s0+s3], $0x80, $0x38;
	[tilespmem:$0x19480] =	vst v63  }
0x1f0: {  	s31 =	simm.s32 $0x100;
	s29 =	simm.s32 $0x200;
	s0 =	simm.s32 $0x80  }
.LBB2_46:
0x1f1: {  	s2 =	sand.u32 $0x200, s29;
	p0 =	sne.s32 s29, $0x6200;
	s13 =	sadd.s32 $0x100, s25  }
0x1f2: {  	s0 =	sand.u32 $0x280, s0;
	s22 =	sadd.s32 $0x80, s25;
	s23 =	sand.u32 $0x380, s30  }
0x1f3: {  	s30 =	sand.u32 $0x3E0000, s28;
	s31 =	sand.u32 $0x300, s31;
	s0 =	sor.u32 s0, s9  }
0x1f4: {  	s2 =	sor.u32 s9, s2;
	s31 =	sor.u32 s31, s9;
	s0 =	sor.u32 s26, s0  }
0x1f5: {  	s23 =	sor.u32 s23, s9;
	s31 =	sor.u32 s26, s31;
	s0 =	sshrl.u32 s0, $0x3  }
0x1f6: {  	s23 =	sor.u32 s26, s23;
	s31 =	sshrl.u32 s31, $0x3;
	s0 =	sadd.s32 s1, s0  }
0x1f7: {  	[tilespmem:s22], [sflag:$0x4] =	stream.linear.gather [hbm4b:s0+s3], $0x80, $0x38;
	[tilespmem:$0x19480] =	vst v63  }
0x1f8: {  	s0 =	sor.u32 s30, s2;
	s2 =	sadd.s32 s1, s31;
	s22 =	sshrl.u32 s23, $0x3  }
0x1f9: {  	[tilespmem:s13], [sflag:$0x4] =	stream.linear.gather [hbm4b:s2+s3], $0x80, $0x38;
	[tilespmem:$0x19480] =	vst v63  }
0x1fa: {  	s0 =	sshrl.u32 s0, $0x3;
	s2 =	sadd.s32 $0x180, s25;
	s13 =	sadd.s32 s1, s22  }
0x1fb: {  	[tilespmem:s2], [sflag:$0x4] =	stream.linear.gather [hbm4b:s13+s3], $0x80, $0x38;
	[tilespmem:$0x19480] =	vst v63  }
.Ltmp22:
0x1fc: {  	_ = 	snop;
	(pc) =	sbr.rel @p0 .LBB2_46-.Ltmp22, $4  }
0x1fd: {  	s26 =	smov.u32 s30;
	s0 =	sadd.s32 s1, s0;
	s25 =	sadd.s32 $0x200, s25  }
0x1fe: {  	[tilespmem:s25], [sflag:$0x4] =	stream.linear.gather [hbm4b:s0+s3], $0x80, $0x38;
	[tilespmem:$0x19480] =	vst v63  }
0x1ff: {  	s28 =	sadd.s32 $0x10000, s28;
	s30 =	sadd.s32 $0x180, s29  }
0x200: {  	s31 =	sadd.s32 $0x100, s29;
	s0 =	sadd.s32 $0x80, s29;
	s29 =	sadd.s32 $0x200, s29  }
0x201: {  	s0 =	sand.u32 $0x280, s0  }
0x202: {  	s2 =	sadd.s32 $0x80, s25;
	s13 =	sand.u32 $0x300, s31;
	s0 =	sor.u32 s0, s9  }
0x203: {  	s22 =	sand.u32 $0x380, s30;
	s13 =	sor.u32 s13, s9;
	s0 =	sor.u32 s26, s0  }
0x204: {  	s22 =	sor.u32 s22, s9;
	s13 =	sor.u32 s26, s13;
	s0 =	sshrl.u32 s0, $0x3  }
0x205: {  	s22 =	sor.u32 s26, s22;
	s13 =	sshrl.u32 s13, $0x3;
	s0 =	sadd.s32 s1, s0  }
0x206: {  	[tilespmem:s2], [sflag:$0x4] =	stream.linear.gather [hbm4b:s0+s3], $0x80, $0x38;
	[tilespmem:$0x19480] =	vst v63  }
0x207: {  	s26 =	sadd.s32 $0x100, s25;
	s29 =	sshrl.u32 s22, $0x3;
	s28 =	sadd.s32 s1, s13  }
0x208: {  	[tilespmem:s26], [sflag:$0x4] =	stream.linear.gather [hbm4b:s28+s3], $0x80, $0x38;
	[tilespmem:$0x19480] =	vst v63  }
0x209: {  	s30 =	sadd.s32 $0x180, s25;
	s31 =	sadd.s32 s1, s29  }
0x20a: {  	[tilespmem:s30], [sflag:$0x4] =	stream.linear.gather [hbm4b:s31+s3], $0x80, $0x38;
	[tilespmem:$0x19480] =	vst v63  }
0x20b: {  	_ =	swait.ge [sflag:s17], $0x80  }
0x20c: {  	[sflag:s17] =	ssyncset.done $0x0  }
0x20d: {  	[sflag:s17] =	ssyncadd.s32 $0xFFFFFF80  }
0x20e: {  	_ =	swait.ge [sflag:s17], $0x80  }
0x20f: {  	[sflag:s17] =	ssyncset.done $0x0  }
0x210: {  	[sflag:s17] =	ssyncadd.s32 $0xFFFFFF80  }
0x211: {  	_ =	swait.ge [sflag:s17], $0x80  }
0x212: {  	[sflag:s17] =	ssyncset.done $0x0  }
0x213: {  	[sflag:s17] =	ssyncadd.s32 $0xFFFFFF80  }
0x214: {  	_ =	swait.ge [sflag:s17], $0x80  }
0x215: {  	s25 =	simm.s32 $0x31;
	[sflag:s17] =	ssyncset.done $0x0  }
.LBB2_48:
0x216: {  	p0 =	sne.s32 s25, $0x1;
	s25 =	sadd.s32 $0xFFFFFFFF, s25;
	[sflag:s17] =	ssyncadd.s32 $0xFFFFFF80  }
0x217: {  	_ =	swait.ge [sflag:s17], $0x80  }
0x218: {  	[sflag:s17] =	ssyncset.done $0x0  }
0x219: {  	[sflag:s17] =	ssyncadd.s32 $0xFFFFFF80  }
0x21a: {  	_ =	swait.ge [sflag:s17], $0x80  }
0x21b: {  	[sflag:s17] =	ssyncset.done $0x0  }
0x21c: {  	[sflag:s17] =	ssyncadd.s32 $0xFFFFFF80  }
.Ltmp23:
0x21d: {  	_ =	swait.ge [sflag:s17], $0x80;
	(pc) =	sbr.rel @p0 .LBB2_48-.Ltmp23, $4  }
0x21e: {  	[sflag:s17] =	ssyncset.done $0x0  }
0x21f: {  	[sflag:s17] =	ssyncadd.s32 $0xFFFFFF80  }
0x220: {  	_ =	swait.ge [sflag:s17], $0x80  }
0x221: {  	[sflag:s17] =	ssyncset.done $0x0  }
0x222: {  	[sflag:s17] =	ssyncadd.s32 $0xFFFFFF80  }
0x223: {  	[tilespmem:s19], [sflag:$0x2] =	stream.indirect.gather [hbm4b:s4+s18], $0x1, s18, s18, $0xb8;
	[tilespmem:$0x19480] =	vst v63  }
0x224: {  	_ =	swait.ge [sflag:s20], $0x6400  }
0x225: {  	[sflag:s20] =	ssyncset.done $0x0  }
0x226: {  	[sflag:s20] =	ssyncadd.s32 $0xFFFF9C00  }
0x227: {  	s2 =	simm.s32 $0x80;
	v1 =	vld [tilespmem:$0xC800]  }
0x228: {  	s0 =	simm.s32 $0x400;
	v2 =	vld [tilespmem:s2+$0xC800]  }
.LBB2_50:
0x229: {  	p0 =	sne.s32 s0, $0x18E00  }
.Ltmp24:
0x22a: {  	_ = 	snop;
	(pc) =	sbr.rel @p0 .LBB2_50-.Ltmp24, $3  }
0x22b: {  	_ =	sdelay $0x1  }
0x22c: {  	s2 =	sshra.s32 s0, $0x2;
	s0 =	sadd.s32 $0x200, s0;
	v1 =	vadd.f32 v2, v1  }
0x22d: {  	v2 =	vld [tilespmem:s2+$0xC800]  }
0x22e: {  	_ =	sdelay $0x3  }
0x22f: {  	v1 =	vadd.f32 v2, v1;
	_ =	sdelay $0x1  }
0x230: {  	v1 =	vadd.f32 v1, v0;
	_ =	sdelay $0x1  }
0x231: {  	v1 =	vsub.f32 $0.0e+00, v1;
	_ =	sdelay $0x1  }
0x232: {  	v1 =	vmul.f32 $1.442695020e+00, v1;
	_ =	sdelay $0x1  }
0x233: {  	(erf) = vpow2.f32 v1;
	_ =	sdelay $0x8  }
0x234: {  	v1 =	vpop (erf)  }
0x235: {  	v1 =	vadd.f32 $1.000000000e+00, v1;
	_ =	sdelay $0x1  }
0x236: {  	(erf) = vrcp.f32 v1;
	_ =	sdelay $0x8  }
0x237: {  	v1 =	vpop (erf)  }
0x238: {  	v2 =	vsub.f32 $1.000000000e+00, v1  }
0x239: {  	[tilespmem:$0x19100] =	vst v1  }
0x23a: {  	s2 =	simm.s32 $0x90;
	v1 =	vld [tilespmem:$0xC810];
	[tilespmem:$0x19300] =	vst v2  }
0x23b: {  	s0 =	simm.s32 $0x440;
	v2 =	vld [tilespmem:s2+$0xC800]  }
.LBB2_52:
0x23c: {  	p0 =	sne.s32 s0, $0x18E40  }
.Ltmp25:
0x23d: {  	_ = 	snop;
	(pc) =	sbr.rel @p0 .LBB2_52-.Ltmp25, $3  }
0x23e: {  	_ =	sdelay $0x1  }
0x23f: {  	s2 =	sshra.s32 s0, $0x2;
	s0 =	sadd.s32 $0x200, s0;
	v1 =	vadd.f32 v2, v1  }
0x240: {  	v2 =	vld [tilespmem:s2+$0xC800]  }
0x241: {  	_ =	sdelay $0x3  }
0x242: {  	v1 =	vadd.f32 v2, v1;
	_ =	sdelay $0x1  }
0x243: {  	v1 =	vadd.f32 v1, v0;
	_ =	sdelay $0x1  }
0x244: {  	v1 =	vsub.f32 $0.0e+00, v1;
	_ =	sdelay $0x1  }
0x245: {  	v1 =	vmul.f32 $1.442695020e+00, v1;
	_ =	sdelay $0x1  }
0x246: {  	(erf) = vpow2.f32 v1;
	_ =	sdelay $0x8  }
0x247: {  	v1 =	vpop (erf)  }
0x248: {  	v1 =	vadd.f32 $1.000000000e+00, v1;
	_ =	sdelay $0x1  }
0x249: {  	(erf) = vrcp.f32 v1;
	_ =	sdelay $0x8  }
0x24a: {  	v1 =	vpop (erf)  }
0x24b: {  	v2 =	vsub.f32 $1.000000000e+00, v1  }
0x24c: {  	[tilespmem:$0x19110] =	vst v1  }
0x24d: {  	s2 =	simm.s32 $0xA0;
	v1 =	vld [tilespmem:$0xC820];
	[tilespmem:$0x19310] =	vst v2  }
0x24e: {  	s0 =	simm.s32 $0x480;
	v2 =	vld [tilespmem:s2+$0xC800]  }
.LBB2_54:
0x24f: {  	p0 =	sne.s32 s0, $0x18E80  }
.Ltmp26:
0x250: {  	_ = 	snop;
	(pc) =	sbr.rel @p0 .LBB2_54-.Ltmp26, $3  }
0x251: {  	_ =	sdelay $0x1  }
0x252: {  	s2 =	sshra.s32 s0, $0x2;
	s0 =	sadd.s32 $0x200, s0;
	v1 =	vadd.f32 v2, v1  }
0x253: {  	v2 =	vld [tilespmem:s2+$0xC800]  }
0x254: {  	_ =	sdelay $0x3  }
0x255: {  	v1 =	vadd.f32 v2, v1;
	_ =	sdelay $0x1  }
0x256: {  	v1 =	vadd.f32 v1, v0;
	_ =	sdelay $0x1  }
0x257: {  	v1 =	vsub.f32 $0.0e+00, v1;
	_ =	sdelay $0x1  }
0x258: {  	v1 =	vmul.f32 $1.442695020e+00, v1;
	_ =	sdelay $0x1  }
0x259: {  	(erf) = vpow2.f32 v1;
	_ =	sdelay $0x8  }
0x25a: {  	v1 =	vpop (erf)  }
0x25b: {  	v1 =	vadd.f32 $1.000000000e+00, v1;
	_ =	sdelay $0x1  }
0x25c: {  	(erf) = vrcp.f32 v1;
	_ =	sdelay $0x8  }
0x25d: {  	v1 =	vpop (erf)  }
0x25e: {  	v2 =	vsub.f32 $1.000000000e+00, v1  }
0x25f: {  	[tilespmem:$0x19120] =	vst v1  }
0x260: {  	s2 =	simm.s32 $0xB0;
	v1 =	vld [tilespmem:$0xC830];
	[tilespmem:$0x19320] =	vst v2  }
0x261: {  	s0 =	simm.s32 $0x4C0;
	v2 =	vld [tilespmem:s2+$0xC800]  }
.LBB2_56:
0x262: {  	p0 =	sne.s32 s0, $0x18EC0  }
.Ltmp27:
0x263: {  	_ = 	snop;
	(pc) =	sbr.rel @p0 .LBB2_56-.Ltmp27, $3  }
0x264: {  	_ =	sdelay $0x1  }
0x265: {  	s2 =	sshra.s32 s0, $0x2;
	s0 =	sadd.s32 $0x200, s0;
	v1 =	vadd.f32 v2, v1  }
0x266: {  	v2 =	vld [tilespmem:s2+$0xC800]  }
0x267: {  	_ =	sdelay $0x3  }
0x268: {  	v1 =	vadd.f32 v2, v1;
	_ =	sdelay $0x1  }
0x269: {  	v1 =	vadd.f32 v1, v0;
	_ =	sdelay $0x1  }
0x26a: {  	v1 =	vsub.f32 $0.0e+00, v1;
	_ =	sdelay $0x1  }
0x26b: {  	v1 =	vmul.f32 $1.442695020e+00, v1;
	_ =	sdelay $0x1  }
0x26c: {  	(erf) = vpow2.f32 v1;
	_ =	sdelay $0x8  }
0x26d: {  	v1 =	vpop (erf)  }
0x26e: {  	v1 =	vadd.f32 $1.000000000e+00, v1;
	_ =	sdelay $0x1  }
0x26f: {  	(erf) = vrcp.f32 v1;
	_ =	sdelay $0x8  }
0x270: {  	v1 =	vpop (erf)  }
0x271: {  	v2 =	vsub.f32 $1.000000000e+00, v1  }
0x272: {  	[tilespmem:$0x19130] =	vst v1  }
0x273: {  	s2 =	simm.s32 $0xC0;
	v1 =	vld [tilespmem:$0xC840];
	[tilespmem:$0x19330] =	vst v2  }
0x274: {  	s0 =	simm.s32 $0x500;
	v2 =	vld [tilespmem:s2+$0xC800]  }
.LBB2_58:
0x275: {  	p0 =	sne.s32 s0, $0x18F00  }
.Ltmp28:
0x276: {  	_ = 	snop;
	(pc) =	sbr.rel @p0 .LBB2_58-.Ltmp28, $3  }
0x277: {  	_ =	sdelay $0x1  }
0x278: {  	s2 =	sshra.s32 s0, $0x2;
	s0 =	sadd.s32 $0x200, s0;
	v1 =	vadd.f32 v2, v1  }
0x279: {  	v2 =	vld [tilespmem:s2+$0xC800]  }
0x27a: {  	_ =	sdelay $0x3  }
0x27b: {  	v1 =	vadd.f32 v2, v1;
	_ =	sdelay $0x1  }
0x27c: {  	v1 =	vadd.f32 v1, v0;
	_ =	sdelay $0x1  }
0x27d: {  	v1 =	vsub.f32 $0.0e+00, v1;
	_ =	sdelay $0x1  }
0x27e: {  	v1 =	vmul.f32 $1.442695020e+00, v1;
	_ =	sdelay $0x1  }
0x27f: {  	(erf) = vpow2.f32 v1;
	_ =	sdelay $0x8  }
0x280: {  	v1 =	vpop (erf)  }
0x281: {  	v1 =	vadd.f32 $1.000000000e+00, v1;
	_ =	sdelay $0x1  }
0x282: {  	(erf) = vrcp.f32 v1;
	_ =	sdelay $0x8  }
0x283: {  	v1 =	vpop (erf)  }
0x284: {  	v2 =	vsub.f32 $1.000000000e+00, v1  }
0x285: {  	[tilespmem:$0x19140] =	vst v1  }
0x286: {  	s2 =	simm.s32 $0xD0;
	v1 =	vld [tilespmem:$0xC850];
	[tilespmem:$0x19340] =	vst v2  }
0x287: {  	s0 =	simm.s32 $0x540;
	v2 =	vld [tilespmem:s2+$0xC800]  }
.LBB2_60:
0x288: {  	p0 =	sne.s32 s0, $0x18F40  }
.Ltmp29:
0x289: {  	_ = 	snop;
	(pc) =	sbr.rel @p0 .LBB2_60-.Ltmp29, $3  }
0x28a: {  	_ =	sdelay $0x1  }
0x28b: {  	s2 =	sshra.s32 s0, $0x2;
	s0 =	sadd.s32 $0x200, s0;
	v1 =	vadd.f32 v2, v1  }
0x28c: {  	v2 =	vld [tilespmem:s2+$0xC800]  }
0x28d: {  	_ =	sdelay $0x3  }
0x28e: {  	v1 =	vadd.f32 v2, v1;
	_ =	sdelay $0x1  }
0x28f: {  	v1 =	vadd.f32 v1, v0;
	_ =	sdelay $0x1  }
0x290: {  	v1 =	vsub.f32 $0.0e+00, v1;
	_ =	sdelay $0x1  }
0x291: {  	v1 =	vmul.f32 $1.442695020e+00, v1;
	_ =	sdelay $0x1  }
0x292: {  	(erf) = vpow2.f32 v1;
	_ =	sdelay $0x8  }
0x293: {  	v1 =	vpop (erf)  }
0x294: {  	v1 =	vadd.f32 $1.000000000e+00, v1;
	_ =	sdelay $0x1  }
0x295: {  	(erf) = vrcp.f32 v1;
	_ =	sdelay $0x8  }
0x296: {  	v1 =	vpop (erf)  }
0x297: {  	v2 =	vsub.f32 $1.000000000e+00, v1  }
0x298: {  	[tilespmem:$0x19150] =	vst v1  }
0x299: {  	s2 =	simm.s32 $0xE0;
	v1 =	vld [tilespmem:$0xC860];
	[tilespmem:$0x19350] =	vst v2  }
0x29a: {  	s0 =	simm.s32 $0x580;
	v2 =	vld [tilespmem:s2+$0xC800]  }
.LBB2_62:
0x29b: {  	p0 =	sne.s32 s0, $0x18F80  }
.Ltmp30:
0x29c: {  	_ = 	snop;
	(pc) =	sbr.rel @p0 .LBB2_62-.Ltmp30, $3  }
0x29d: {  	_ =	sdelay $0x1  }
0x29e: {  	s2 =	sshra.s32 s0, $0x2;
	s0 =	sadd.s32 $0x200, s0;
	v1 =	vadd.f32 v2, v1  }
0x29f: {  	v2 =	vld [tilespmem:s2+$0xC800]  }
0x2a0: {  	_ =	sdelay $0x3  }
0x2a1: {  	v1 =	vadd.f32 v2, v1;
	_ =	sdelay $0x1  }
0x2a2: {  	v1 =	vadd.f32 v1, v0;
	_ =	sdelay $0x1  }
0x2a3: {  	v1 =	vsub.f32 $0.0e+00, v1;
	_ =	sdelay $0x1  }
0x2a4: {  	v1 =	vmul.f32 $1.442695020e+00, v1;
	_ =	sdelay $0x1  }
0x2a5: {  	(erf) = vpow2.f32 v1;
	_ =	sdelay $0x8  }
0x2a6: {  	v1 =	vpop (erf)  }
0x2a7: {  	v1 =	vadd.f32 $1.000000000e+00, v1;
	_ =	sdelay $0x1  }
0x2a8: {  	(erf) = vrcp.f32 v1;
	_ =	sdelay $0x8  }
0x2a9: {  	v1 =	vpop (erf)  }
0x2aa: {  	v2 =	vsub.f32 $1.000000000e+00, v1  }
0x2ab: {  	[tilespmem:$0x19160] =	vst v1  }
0x2ac: {  	s2 =	simm.s32 $0xF0;
	v1 =	vld [tilespmem:$0xC870];
	[tilespmem:$0x19360] =	vst v2  }
0x2ad: {  	s0 =	simm.s32 $0x5C0;
	v2 =	vld [tilespmem:s2+$0xC800]  }
.LBB2_64:
0x2ae: {  	p0 =	sne.s32 s0, $0x18FC0  }
.Ltmp31:
0x2af: {  	_ = 	snop;
	(pc) =	sbr.rel @p0 .LBB2_64-.Ltmp31, $3  }
0x2b0: {  	_ =	sdelay $0x1  }
0x2b1: {  	s2 =	sshra.s32 s0, $0x2;
	s0 =	sadd.s32 $0x200, s0;
	v1 =	vadd.f32 v2, v1  }
0x2b2: {  	v2 =	vld [tilespmem:s2+$0xC800]  }
0x2b3: {  	_ =	sdelay $0x3  }
0x2b4: {  	v1 =	vadd.f32 v2, v1;
	_ =	sdelay $0x1  }
0x2b5: {  	v1 =	vadd.f32 v1, v0;
	_ =	sdelay $0x1  }
0x2b6: {  	v1 =	vsub.f32 $0.0e+00, v1;
	_ =	sdelay $0x1  }
0x2b7: {  	v1 =	vmul.f32 $1.442695020e+00, v1;
	_ =	sdelay $0x1  }
0x2b8: {  	(erf) = vpow2.f32 v1;
	_ =	sdelay $0x8  }
0x2b9: {  	v1 =	vpop (erf)  }
0x2ba: {  	v1 =	vadd.f32 $1.000000000e+00, v1;
	_ =	sdelay $0x1  }
0x2bb: {  	(erf) = vrcp.f32 v1;
	_ =	sdelay $0x8  }
0x2bc: {  	v1 =	vpop (erf)  }
0x2bd: {  	v2 =	vsub.f32 $1.000000000e+00, v1  }
0x2be: {  	[tilespmem:$0x19170] =	vst v1  }
0x2bf: {  	[tilespmem:$0x19370] =	vst v2  }
0x2c0: {  	_ =	swait.ge [sflag:s21], $0x6400  }
0x2c1: {  	[sflag:s21] =	ssyncset.done $0x0  }
0x2c2: {  	[sflag:s21] =	ssyncadd.s32 $0xFFFF9C00  }
0x2c3: {  	s2 =	simm.s32 $0x80;
	v1 =	vld [tilespmem:$0x12C00]  }
0x2c4: {  	s0 =	simm.s32 $0x400;
	v2 =	vld [tilespmem:s2+$0x12C00]  }
.LBB2_66:
0x2c5: {  	p0 =	sne.s32 s0, $0x18E00  }
.Ltmp32:
0x2c6: {  	_ = 	snop;
	(pc) =	sbr.rel @p0 .LBB2_66-.Ltmp32, $3  }
0x2c7: {  	_ =	sdelay $0x1  }
0x2c8: {  	s2 =	sshra.s32 s0, $0x2;
	s0 =	sadd.s32 $0x200, s0;
	v1 =	vadd.f32 v2, v1  }
0x2c9: {  	v2 =	vld [tilespmem:s2+$0x12C00]  }
0x2ca: {  	_ =	sdelay $0x3  }
0x2cb: {  	v1 =	vadd.f32 v2, v1;
	_ =	sdelay $0x1  }
0x2cc: {  	v1 =	vadd.f32 v1, v0;
	_ =	sdelay $0x1  }
0x2cd: {  	v1 =	vsub.f32 $0.0e+00, v1;
	_ =	sdelay $0x1  }
0x2ce: {  	v1 =	vmul.f32 $1.442695020e+00, v1;
	_ =	sdelay $0x1  }
0x2cf: {  	(erf) = vpow2.f32 v1;
	_ =	sdelay $0x8  }
0x2d0: {  	v1 =	vpop (erf)  }
0x2d1: {  	v1 =	vadd.f32 $1.000000000e+00, v1;
	_ =	sdelay $0x1  }
0x2d2: {  	(erf) = vrcp.f32 v1;
	_ =	sdelay $0x8  }
0x2d3: {  	v1 =	vpop (erf)  }
0x2d4: {  	v2 =	vsub.f32 $1.000000000e+00, v1  }
0x2d5: {  	[tilespmem:$0x19180] =	vst v1  }
0x2d6: {  	s2 =	simm.s32 $0x90;
	v1 =	vld [tilespmem:$0x12C10];
	[tilespmem:$0x19380] =	vst v2  }
0x2d7: {  	s0 =	simm.s32 $0x440;
	v2 =	vld [tilespmem:s2+$0x12C00]  }
.LBB2_68:
0x2d8: {  	p0 =	sne.s32 s0, $0x18E40  }
.Ltmp33:
0x2d9: {  	_ = 	snop;
	(pc) =	sbr.rel @p0 .LBB2_68-.Ltmp33, $3  }
0x2da: {  	_ =	sdelay $0x1  }
0x2db: {  	s2 =	sshra.s32 s0, $0x2;
	s0 =	sadd.s32 $0x200, s0;
	v1 =	vadd.f32 v2, v1  }
0x2dc: {  	v2 =	vld [tilespmem:s2+$0x12C00]  }
0x2dd: {  	_ =	sdelay $0x3  }
0x2de: {  	v1 =	vadd.f32 v2, v1;
	_ =	sdelay $0x1  }
0x2df: {  	v1 =	vadd.f32 v1, v0;
	_ =	sdelay $0x1  }
0x2e0: {  	v1 =	vsub.f32 $0.0e+00, v1;
	_ =	sdelay $0x1  }
0x2e1: {  	v1 =	vmul.f32 $1.442695020e+00, v1;
	_ =	sdelay $0x1  }
0x2e2: {  	(erf) = vpow2.f32 v1;
	_ =	sdelay $0x8  }
0x2e3: {  	v1 =	vpop (erf)  }
0x2e4: {  	v1 =	vadd.f32 $1.000000000e+00, v1;
	_ =	sdelay $0x1  }
0x2e5: {  	(erf) = vrcp.f32 v1;
	_ =	sdelay $0x8  }
0x2e6: {  	v1 =	vpop (erf)  }
0x2e7: {  	v2 =	vsub.f32 $1.000000000e+00, v1  }
0x2e8: {  	[tilespmem:$0x19190] =	vst v1  }
0x2e9: {  	s2 =	simm.s32 $0xA0;
	v1 =	vld [tilespmem:$0x12C20];
	[tilespmem:$0x19390] =	vst v2  }
0x2ea: {  	s0 =	simm.s32 $0x480;
	v2 =	vld [tilespmem:s2+$0x12C00]  }
.LBB2_70:
0x2eb: {  	p0 =	sne.s32 s0, $0x18E80  }
.Ltmp34:
0x2ec: {  	_ = 	snop;
	(pc) =	sbr.rel @p0 .LBB2_70-.Ltmp34, $3  }
0x2ed: {  	_ =	sdelay $0x1  }
0x2ee: {  	s2 =	sshra.s32 s0, $0x2;
	s0 =	sadd.s32 $0x200, s0;
	v1 =	vadd.f32 v2, v1  }
0x2ef: {  	v2 =	vld [tilespmem:s2+$0x12C00]  }
0x2f0: {  	_ =	sdelay $0x3  }
0x2f1: {  	v1 =	vadd.f32 v2, v1;
	_ =	sdelay $0x1  }
0x2f2: {  	v1 =	vadd.f32 v1, v0;
	_ =	sdelay $0x1  }
0x2f3: {  	v1 =	vsub.f32 $0.0e+00, v1;
	_ =	sdelay $0x1  }
0x2f4: {  	v1 =	vmul.f32 $1.442695020e+00, v1;
	_ =	sdelay $0x1  }
0x2f5: {  	(erf) = vpow2.f32 v1;
	_ =	sdelay $0x8  }
0x2f6: {  	v1 =	vpop (erf)  }
0x2f7: {  	v1 =	vadd.f32 $1.000000000e+00, v1;
	_ =	sdelay $0x1  }
0x2f8: {  	(erf) = vrcp.f32 v1;
	_ =	sdelay $0x8  }
0x2f9: {  	v1 =	vpop (erf)  }
0x2fa: {  	v2 =	vsub.f32 $1.000000000e+00, v1  }
0x2fb: {  	[tilespmem:$0x191A0] =	vst v1  }
0x2fc: {  	s2 =	simm.s32 $0xB0;
	v1 =	vld [tilespmem:$0x12C30];
	[tilespmem:$0x193A0] =	vst v2  }
0x2fd: {  	s0 =	simm.s32 $0x4C0;
	v2 =	vld [tilespmem:s2+$0x12C00]  }
.LBB2_72:
0x2fe: {  	p0 =	sne.s32 s0, $0x18EC0  }
.Ltmp35:
0x2ff: {  	_ = 	snop;
	(pc) =	sbr.rel @p0 .LBB2_72-.Ltmp35, $3  }
0x300: {  	_ =	sdelay $0x1  }
0x301: {  	s2 =	sshra.s32 s0, $0x2;
	s0 =	sadd.s32 $0x200, s0;
	v1 =	vadd.f32 v2, v1  }
0x302: {  	v2 =	vld [tilespmem:s2+$0x12C00]  }
0x303: {  	_ =	sdelay $0x3  }
0x304: {  	v1 =	vadd.f32 v2, v1;
	_ =	sdelay $0x1  }
0x305: {  	v1 =	vadd.f32 v1, v0;
	_ =	sdelay $0x1  }
0x306: {  	v1 =	vsub.f32 $0.0e+00, v1;
	_ =	sdelay $0x1  }
0x307: {  	v1 =	vmul.f32 $1.442695020e+00, v1;
	_ =	sdelay $0x1  }
0x308: {  	(erf) = vpow2.f32 v1;
	_ =	sdelay $0x8  }
0x309: {  	v1 =	vpop (erf)  }
0x30a: {  	v1 =	vadd.f32 $1.000000000e+00, v1;
	_ =	sdelay $0x1  }
0x30b: {  	(erf) = vrcp.f32 v1;
	_ =	sdelay $0x8  }
0x30c: {  	v1 =	vpop (erf)  }
0x30d: {  	v2 =	vsub.f32 $1.000000000e+00, v1  }
0x30e: {  	[tilespmem:$0x191B0] =	vst v1  }
0x30f: {  	s2 =	simm.s32 $0xC0;
	v1 =	vld [tilespmem:$0x12C40];
	[tilespmem:$0x193B0] =	vst v2  }
0x310: {  	s0 =	simm.s32 $0x500;
	v2 =	vld [tilespmem:s2+$0x12C00]  }
.LBB2_74:
0x311: {  	p0 =	sne.s32 s0, $0x18F00  }
.Ltmp36:
0x312: {  	_ = 	snop;
	(pc) =	sbr.rel @p0 .LBB2_74-.Ltmp36, $3  }
0x313: {  	_ =	sdelay $0x1  }
0x314: {  	s2 =	sshra.s32 s0, $0x2;
	s0 =	sadd.s32 $0x200, s0;
	v1 =	vadd.f32 v2, v1  }
0x315: {  	v2 =	vld [tilespmem:s2+$0x12C00]  }
0x316: {  	_ =	sdelay $0x3  }
0x317: {  	v1 =	vadd.f32 v2, v1;
	_ =	sdelay $0x1  }
0x318: {  	v1 =	vadd.f32 v1, v0;
	_ =	sdelay $0x1  }
0x319: {  	v1 =	vsub.f32 $0.0e+00, v1;
	_ =	sdelay $0x1  }
0x31a: {  	v1 =	vmul.f32 $1.442695020e+00, v1;
	_ =	sdelay $0x1  }
0x31b: {  	(erf) = vpow2.f32 v1;
	_ =	sdelay $0x8  }
0x31c: {  	v1 =	vpop (erf)  }
0x31d: {  	v1 =	vadd.f32 $1.000000000e+00, v1;
	_ =	sdelay $0x1  }
0x31e: {  	(erf) = vrcp.f32 v1;
	_ =	sdelay $0x8  }
0x31f: {  	v1 =	vpop (erf)  }
0x320: {  	v2 =	vsub.f32 $1.000000000e+00, v1  }
0x321: {  	[tilespmem:$0x191C0] =	vst v1  }
0x322: {  	s2 =	simm.s32 $0xD0;
	v1 =	vld [tilespmem:$0x12C50];
	[tilespmem:$0x193C0] =	vst v2  }
0x323: {  	s0 =	simm.s32 $0x540;
	v2 =	vld [tilespmem:s2+$0x12C00]  }
.LBB2_76:
0x324: {  	p0 =	sne.s32 s0, $0x18F40  }
.Ltmp37:
0x325: {  	_ = 	snop;
	(pc) =	sbr.rel @p0 .LBB2_76-.Ltmp37, $3  }
0x326: {  	_ =	sdelay $0x1  }
0x327: {  	s2 =	sshra.s32 s0, $0x2;
	s0 =	sadd.s32 $0x200, s0;
	v1 =	vadd.f32 v2, v1  }
0x328: {  	v2 =	vld [tilespmem:s2+$0x12C00]  }
0x329: {  	_ =	sdelay $0x3  }
0x32a: {  	v1 =	vadd.f32 v2, v1;
	_ =	sdelay $0x1  }
0x32b: {  	v1 =	vadd.f32 v1, v0;
	_ =	sdelay $0x1  }
0x32c: {  	v1 =	vsub.f32 $0.0e+00, v1;
	_ =	sdelay $0x1  }
0x32d: {  	v1 =	vmul.f32 $1.442695020e+00, v1;
	_ =	sdelay $0x1  }
0x32e: {  	(erf) = vpow2.f32 v1;
	_ =	sdelay $0x8  }
0x32f: {  	v1 =	vpop (erf)  }
0x330: {  	v1 =	vadd.f32 $1.000000000e+00, v1;
	_ =	sdelay $0x1  }
0x331: {  	(erf) = vrcp.f32 v1;
	_ =	sdelay $0x8  }
0x332: {  	v1 =	vpop (erf)  }
0x333: {  	v2 =	vsub.f32 $1.000000000e+00, v1  }
0x334: {  	[tilespmem:$0x191D0] =	vst v1  }
0x335: {  	s2 =	simm.s32 $0xE0;
	v1 =	vld [tilespmem:$0x12C60];
	[tilespmem:$0x193D0] =	vst v2  }
0x336: {  	s0 =	simm.s32 $0x580;
	v2 =	vld [tilespmem:s2+$0x12C00]  }
.LBB2_78:
0x337: {  	p0 =	sne.s32 s0, $0x18F80  }
.Ltmp38:
0x338: {  	_ = 	snop;
	(pc) =	sbr.rel @p0 .LBB2_78-.Ltmp38, $3  }
0x339: {  	_ =	sdelay $0x1  }
0x33a: {  	s2 =	sshra.s32 s0, $0x2;
	s0 =	sadd.s32 $0x200, s0;
	v1 =	vadd.f32 v2, v1  }
0x33b: {  	v2 =	vld [tilespmem:s2+$0x12C00]  }
0x33c: {  	_ =	sdelay $0x3  }
0x33d: {  	v1 =	vadd.f32 v2, v1;
	_ =	sdelay $0x1  }
0x33e: {  	v1 =	vadd.f32 v1, v0;
	_ =	sdelay $0x1  }
0x33f: {  	v1 =	vsub.f32 $0.0e+00, v1;
	_ =	sdelay $0x1  }
0x340: {  	v1 =	vmul.f32 $1.442695020e+00, v1;
	_ =	sdelay $0x1  }
0x341: {  	(erf) = vpow2.f32 v1;
	_ =	sdelay $0x8  }
0x342: {  	v1 =	vpop (erf)  }
0x343: {  	v1 =	vadd.f32 $1.000000000e+00, v1;
	_ =	sdelay $0x1  }
0x344: {  	(erf) = vrcp.f32 v1;
	_ =	sdelay $0x8  }
0x345: {  	v1 =	vpop (erf)  }
0x346: {  	v2 =	vsub.f32 $1.000000000e+00, v1  }
0x347: {  	[tilespmem:$0x191E0] =	vst v1  }
0x348: {  	s2 =	simm.s32 $0xF0;
	v1 =	vld [tilespmem:$0x12C70];
	[tilespmem:$0x193E0] =	vst v2  }
0x349: {  	s0 =	simm.s32 $0x5C0;
	v2 =	vld [tilespmem:s2+$0x12C00]  }
.LBB2_80:
0x34a: {  	p0 =	sne.s32 s0, $0x18FC0  }
.Ltmp39:
0x34b: {  	_ = 	snop;
	(pc) =	sbr.rel @p0 .LBB2_80-.Ltmp39, $3  }
0x34c: {  	_ =	sdelay $0x1  }
0x34d: {  	s2 =	sshra.s32 s0, $0x2;
	s0 =	sadd.s32 $0x200, s0;
	v1 =	vadd.f32 v2, v1  }
0x34e: {  	v2 =	vld [tilespmem:s2+$0x12C00]  }
0x34f: {  	_ =	sdelay $0x3  }
0x350: {  	v1 =	vadd.f32 v2, v1;
	_ =	sdelay $0x1  }
0x351: {  	v0 =	vadd.f32 v1, v0;
	_ =	sdelay $0x1  }
0x352: {  	v0 =	vsub.f32 $0.0e+00, v0;
	_ =	sdelay $0x1  }
0x353: {  	v0 =	vmul.f32 $1.442695020e+00, v0;
	_ =	sdelay $0x1  }
0x354: {  	(erf) = vpow2.f32 v0;
	_ =	sdelay $0x8  }
0x355: {  	v0 =	vpop (erf)  }
0x356: {  	v0 =	vadd.f32 $1.000000000e+00, v0;
	_ =	sdelay $0x1  }
0x357: {  	(erf) = vrcp.f32 v0;
	_ =	sdelay $0x8  }
0x358: {  	v0 =	vpop (erf)  }
0x359: {  	v63 =	vsub.f32 $1.000000000e+00, v0  }
0x35a: {  	[tilespmem:$0x191F0] =	vst v0  }
0x35b: {  	s0 =	simm.s32 $0x19000;
	[tilespmem:$0x193F0] =	vst v63  }
0x35c: {  	[hbm4b:s10+s3] =	stream.linear.scatter [tilespmem:s0], [sflag:$0x5], $0x200, $0x38;
	[tilespmem:$0x19480] =	vst v63  }
0x35d: {  	s24 =	sadd.s32 $0x1, s24;
	_ =	swait.ge [sflag:s14], $0x200  }
0x35e: {  	p0 =	sne.s32 s24, s12;
	[sflag:s14] =	ssyncset.done $0x0  }
.Ltmp40:
0x35f: {  	s31 =	simm.s32 $0x19200;
	[sflag:s14] =	ssyncadd.s32 $0xFFFFFE00;
	(pc) =	sbr.rel @p0 .LBB2_1-.Ltmp40, $4  }
0x360: {  	[hbm4b:s11+s3] =	stream.linear.scatter [tilespmem:s31], [sflag:$0x5], $0x200, $0x38;
	[tilespmem:$0x19480] =	vst v63  }
0x361: {  	_ =	swait.ge [sflag:s14], $0x200  }
0x362: {  	[sflag:s14] =	ssyncset.done $0x0  }
0x363: {  	[sflag:s14] =	ssyncadd.s32 $0xFFFFFE00  }
0x364: {  	_ =	sfence.sel $0x180000  }
0x365: {  	[bflag:$0x0] =	sbarrier.arrive $0xFFFF  }
0x366: {  	_ =	strace $0x90000047  }
0x367: {  	s0 =	stileid.u32;
	[bflag:$0x2] =	sbarrier.arrive $0xFFFF  }
0x368: {  	p0 =	sne.s32 s0, $0x0;
	s0 =	rddreg [dreg:$0x2]  }
0x369: {  	s0 =	sadd.s32 @!p0 $0x100000, s0  }
0x36a: {  	[sflag:s0] =	ssyncadd.tile.s32 @!p0 $0x1;
	_ =	shalt  }
.Lfunc_end2:
_tile_overlayer_lowered:
.L_overlay_start_2:
0x36b: {  	(tag) =	ssettag $0x2  }
0x36c: {  	s0 =	rddreg [dreg:$0x0];
	s2 =	stileid.u32  }
0x36d: {  	s1 =	rddreg [dreg:$0x1];
	p0 =	sne.s32 s2, $0x0  }
0x36e: {  	s3 =	rddreg [dreg:$0x2];
	[bflag:$0x3] =	sbarrier.arrive $0xFFFF;
	s2 =	simm.s32 @!p0 $0x1C05  }
0x36f: {  	[timem:s3], [sflag:s2] =	dma.local @!p0 [hbm:s0], s1  }
0x370: {  	s0 =	simm.s32 @!p0 $0x5  }
0x371: {  	_ =	swait.ge @!p0 [sflag:s0], s1  }
0x372: {  	s1 =	ssub.s32 @!p0 $0x0, s1;
	[sflag:s0] =	ssyncset.done @!p0 $0x0  }
0x373: {  	[sflag:s0] =	ssyncadd.s32 @!p0 s1  }
0x374: {  	[bflag:$0x3] =	sbarrier.arrive $0xFFFF  }
0x375: {  	_ =	shalt  }

</sc_bundles>
